<compile_context>
chip_gen: v7x
topology: tpu7x:2x2x1
jax: 0.10.2.dev20260603
libtpu: 0.0.44.dev20260713+nightly
codegen_flags: <defaults>
</compile_context>

<pallas_src>
import functools

import numpy as np
import jax
import jax.numpy as jnp
from jax import lax
from jax.experimental import pallas as pl
from jax.experimental.pallas import tpu as pltpu
from jax.experimental.pallas import tpu_sc as plsc

ROWS = 32
N = 1000000
TOTAL = ROWS * N
TOP_P = 0.9

_K1 = 0x28C97A78
_K2 = 0x76F86359
_KS2 = (_K1 ^ _K2 ^ 0x1BD11BDA) & 0xFFFFFFFF
_TINY = float(np.finfo(np.float32).tiny)

W = 8000
NW = N // W
VPW = W // 16
HBINS = 65536

_MESH = plsc.VectorSubcoreMesh(core_axis_name="c", subcore_axis_name="s",
                               num_cores=2)
_PARAMS = pltpu.CompilerParams(needs_layout_passes=False)


def _stats_body(x_ref, m_ref, z_ref):
    x = x_ref[...]
    m = jnp.max(x)
    z = jnp.sum(jnp.exp(x - m))
    m_ref[...] = jnp.full((1, 8, 128), m, jnp.float32)
    z_ref[...] = jnp.full((1, 8, 128), z, jnp.float32)


def _gumbel_body(o_ref):
    i = pl.program_id(0)
    shp = o_ref.shape
    blk = shp[0] * shp[1]
    r = lax.broadcasted_iota(jnp.uint32, shp, 0)
    c = lax.broadcasted_iota(jnp.uint32, shp, 1)
    p = jnp.uint32(i) * jnp.uint32(blk) + r * jnp.uint32(shp[1]) + c
    x0 = jnp.full(shp, jnp.uint32(_K1))
    x1 = p + jnp.uint32(_K2)
    ks = (_K1, _K2, _KS2)
    rots = ((13, 15, 26, 6), (17, 29, 16, 24))
    for gi in range(5):
        for rr in rots[gi % 2]:
            x0 = x0 + x1
            x1 = (x1 << jnp.uint32(rr)) | (x1 >> jnp.uint32(32 - rr))
            x1 = x1 ^ x0
        x0 = x0 + jnp.uint32(ks[(gi + 1) % 3])
        x1 = x1 + jnp.uint32((ks[(gi + 2) % 3] + gi + 1) & 0xFFFFFFFF)
    bits = x0 ^ x1
    fb = (bits >> jnp.uint32(9)) | jnp.uint32(0x3F800000)
    f = lax.bitcast_convert_type(fb, jnp.float32)
    u = (f - jnp.float32(1.0)) * jnp.float32(1.0 - _TINY) + jnp.float32(_TINY)
    u = jnp.maximum(jnp.float32(_TINY), u)
    o_ref[...] = -jnp.log(-jnp.log(u))


def _vgather(x, idx):
    dn = lax.GatherDimensionNumbers(
        offset_dims=(), collapsed_slice_dims=(0,), start_index_map=(0,))
    return lax.gather(x, idx[:, None], dn, (1,),
                      mode=lax.GatherScatterMode.PROMISE_IN_BOUNDS)


def _to_key(x_f32):
    b = plsc.bitcast(x_f32, jnp.uint32)
    neg = (b >> jnp.uint32(31)) == jnp.uint32(1)
    m = jnp.where(neg, ~b, b | jnp.uint32(0x80000000))
    return ~m


def _sort_runs(dig, lane):
    comp = (dig << 4) | lane
    sk, sv = plsc.sort_key_val(comp, lane, descending=False)
    dig_s = sk >> 4
    prev = _vgather(sk, jnp.maximum(lane - 1, 0))
    nxt = _vgather(sk, jnp.minimum(lane + 1, 15))
    is_start = (lane == 0) | (dig_s != (prev >> 4))
    is_end = (lane == 15) | (dig_s != (nxt >> 4))
    rs = plsc.cummax(jnp.where(is_start, lane, jnp.int32(0)))
    return sv, dig_s, lane - rs, is_end


def _make_pass_body(from_f32):

    def body(src, dst, cnt, win, dstb, valb, prm, sem):
        row = lax.axis_index("c") * 16 + lax.axis_index("s")
        rbase = row * N
        lane = lax.iota(jnp.int32, 16)

        def get_digit(k):
            if from_f32:
                d = _to_key(win[pl.ds(k * 16, 16)])
                return d, (d & jnp.uint32(0xFFFF)).astype(jnp.int32)
            d = win[pl.ds(k * 16, 16)]
            return d, (d >> jnp.uint32(16)).astype(jnp.int32)

        def clear_body(t, c):
            cnt[pl.ds(t * 16, 16)] = jnp.zeros((16,), jnp.int32)
            return c
        lax.fori_loop(0, HBINS // 16, clear_body, 0)

        def hist_w(wi, c):
            pltpu.sync_copy(src.at[pl.ds(rbase + wi * W, W)], win)
            def vl(k, c2):
                _, dig = get_digit(k)
                sv, dig_s, e_s, is_end = _sort_runs(dig, lane)
                plsc.addupdate_scatter(cnt, [dig_s], e_s + 1, mask=is_end)
                return c2
            return lax.fori_loop(0, VPW, vl, c)
        lax.fori_loop(0, NW, hist_w, 0)

        def pfx_body(t, carry):
            v = cnt[pl.ds(t * 16, 16)]
            s = plsc.cumsum(v)
            cnt[pl.ds(t * 16, 16)] = s - v + carry
            return carry + jnp.sum(v)
        lax.fori_loop(0, HBINS // 16, pfx_body, jnp.int32(0))

        def scat_w(wi, c):
            pltpu.sync_copy(src.at[pl.ds(rbase + wi * W, W)], win)
            def vl(k, c2):
                d, dig = get_digit(k)
                sv, dig_s, e_s, is_end = _sort_runs(dig, lane)
                base = plsc.load_gather(cnt, [dig_s])
                plsc.addupdate_scatter(cnt, [dig_s], e_s + 1, mask=is_end)
                plsc.store_scatter(prm, [sv], base + e_s)
                dstb[pl.ds(k * 16, 16)] = prm[...] + rbase
                valb[pl.ds(k * 16, 16)] = d
                return c2
            lax.fori_loop(0, VPW, vl, 0)
            pltpu.async_copy(valb, dst.at[dstb], sem).wait()
            return c
        lax.fori_loop(0, NW, scat_w, 0)

    return body


def _final_body(lg, bbuf, gg, mz, tok, winf, winu, gwin,
                idx16, k16, mzv, tokv, sem):
    row = lax.axis_index("c") * 16 + lax.axis_index("s")
    rbase = row * N
    lane = lax.iota(jnp.int32, 16)

    pltpu.sync_copy(mz.at[pl.ds(row * 32, 32)], mzv)
    Mv = mzv[pl.ds(0, 16)]
    Zv = mzv[pl.ds(16, 16)]

    def wl_g(wi, carry):
        pltpu.sync_copy(bbuf.at[pl.ds(rbase + wi * W, W)], winu)
        pltpu.sync_copy(gg.at[pl.ds(rbase + wi * W, W)], gwin)
        def vl(k, c2):
            cum, bs, bp = c2
            d = winu[pl.ds(k * 16, 16)]
            m = ~d
            bb = jnp.where((m >> jnp.uint32(31)) == jnp.uint32(1),
                           m & jnp.uint32(0x7FFFFFFF), ~m)
            x = plsc.bitcast(bb, jnp.float32)
            p = jnp.exp(x - Mv) / Zv
            s = plsc.cumsum(p)
            excl = cum + (s - p)
            keep = excl <= jnp.float32(TOP_P)
            g = gwin[pl.ds(k * 16, 16)]
            sc = jnp.where(keep, x + g, -jnp.inf)
            vmax = jnp.max(sc)
            posv = jnp.where(sc == vmax, wi * W + k * 16 + lane,
                             jnp.int32(2 ** 30))
            pmin = jnp.min(posv)
            better = vmax > bs
            return (cum + jnp.sum(p),
                    jnp.where(better, vmax, bs),
                    jnp.where(better, pmin, bp))
        return lax.fori_loop(0, VPW, vl, carry)

    _, _, bp = lax.fori_loop(
        0, NW, wl_g,
        (jnp.float32(0.0), jnp.float32(-jnp.inf), jnp.int32(0)))

    idx16[...] = jnp.zeros((16,), jnp.int32) + (rbase + bp)
    pltpu.async_copy(bbuf.at[idx16], k16, sem).wait()
    kst = k16[...]

    def wl_below(wi, cl):
        pltpu.sync_copy(lg.at[pl.ds(rbase + wi * W, W)], winf)
        def vl(k, c2):
            d = _to_key(winf[pl.ds(k * 16, 16)])
            return c2 + plsc.all_reduce_population_count(d < kst)
        return lax.fori_loop(0, VPW, vl, cl)
    clv = lax.fori_loop(0, NW, wl_below, jnp.zeros((16,), jnp.int32))
    mtgt = bp - jnp.max(clv)

    def wl_kth(wi, carry):
        pltpu.sync_copy(lg.at[pl.ds(rbase + wi * W, W)], winf)
        def vl(k, c2):
            ce, tk = c2
            d = _to_key(winf[pl.ds(k * 16, 16)])
            eq = d == kst
            eqi = jnp.where(eq, jnp.int32(1), jnp.int32(0))
            s = plsc.cumsum(eqi)
            pos = ce + s - eqi
            hit = eq & (pos == mtgt)
            cand = jnp.max(jnp.where(hit, wi * W + k * 16 + lane,
                                     jnp.int32(-1)))
            return (ce + jnp.sum(eqi), jnp.maximum(tk, cand))
        return lax.fori_loop(0, VPW, vl, carry)
    _, tk = lax.fori_loop(0, NW, wl_kth, (jnp.int32(0), jnp.int32(-1)))

    tokv[...] = jnp.zeros((16,), jnp.int32) + tk
    pltpu.sync_copy(tokv, tok.at[pl.ds(row * 16, 16)])


def _pass_kernel(from_f32):
    return functools.partial(
        pl.kernel,
        out_type=jax.ShapeDtypeStruct((TOTAL,), jnp.uint32),
        mesh=_MESH,
        compiler_params=_PARAMS,
        scratch_types=[
            pltpu.VMEM((HBINS,), jnp.int32),
            pltpu.VMEM((W,), jnp.float32 if from_f32 else jnp.uint32),
            pltpu.VMEM((W,), jnp.int32),
            pltpu.VMEM((W,), jnp.uint32),
            pltpu.VMEM((16,), jnp.int32),
            pltpu.SemaphoreType.DMA,
        ],
    )(_make_pass_body(from_f32))


_sc_pass1 = _pass_kernel(True)
_sc_pass2 = _pass_kernel(False)

_sc_final = functools.partial(
    pl.kernel,
    out_type=jax.ShapeDtypeStruct((ROWS * 16,), jnp.int32),
    mesh=_MESH,
    compiler_params=_PARAMS,
    scratch_types=[
        pltpu.VMEM((W,), jnp.float32),
        pltpu.VMEM((W,), jnp.uint32),
        pltpu.VMEM((W,), jnp.float32),
        pltpu.VMEM((16,), jnp.int32),
        pltpu.VMEM((16,), jnp.uint32),
        pltpu.VMEM((32,), jnp.float32),
        pltpu.VMEM((16,), jnp.int32),
        pltpu.SemaphoreType.DMA,
    ],
)(_final_body)


def kernel(logits):
    v256 = logits.reshape(256, 125000)
    m128, z128 = pl.pallas_call(
        _stats_body,
        out_shape=(jax.ShapeDtypeStruct((ROWS, 8, 128), jnp.float32),
                   jax.ShapeDtypeStruct((ROWS, 8, 128), jnp.float32)),
        grid=(ROWS,),
        in_specs=[pl.BlockSpec((8, 125000), lambda i: (i, 0))],
        out_specs=(pl.BlockSpec((1, 8, 128), lambda i: (i, 0, 0)),
                   pl.BlockSpec((1, 8, 128), lambda i: (i, 0, 0))),
    )(v256)
    g = pl.pallas_call(
        _gumbel_body,
        out_shape=jax.ShapeDtypeStruct((2000, 16000), jnp.float32),
        grid=(250,),
        out_specs=pl.BlockSpec((8, 16000), lambda i: (i, 0)),
    )()
    mzarr = jnp.stack(
        [m128[:, 0, :16], z128[:, 0, :16]], axis=1).reshape(ROWS * 32)
    flat = logits.reshape(TOTAL)
    abuf = _sc_pass1(flat)
    bbuf = _sc_pass2(abuf)
    toks = _sc_final(flat, bbuf, g.reshape(TOTAL), mzarr)
    return toks.reshape(ROWS, 16)[:, 0]

# --- scband reference (transcript-rebuilt; emitter-appended) ---
"""Pipeline reference for scband-sampler-52278341926948 (READ-ONLY COPY).

The authoritative reference and input builder live on the scoring server;
editing this copy changes nothing except your own understanding.
"""

import jax, jax.numpy as jnp
import numpy as np

TOP_P = 0.9

def setup_inputs(seed: int = 0) -> dict:
    key = jax.random.key(seed)
    logits = jax.random.normal(key, (32, 1000000), dtype=jnp.float32)
    return {"logits": logits}

def reference(logits):
    # Faithful nucleus (top-p) sampling, default strategy of Sampler.sample.
    # 1) sort logits descending
    order = jnp.argsort(-logits, axis=-1)
    sorted_logits = jnp.take_along_axis(logits, order, axis=-1)
    # 2) softmax + cumulative probs
    sorted_probs = jax.nn.softmax(sorted_logits, axis=-1)
    cumulative_probs = jnp.cumsum(sorted_probs, axis=-1)
    # 3) mask tokens beyond nucleus (shift-right so first token always kept)
    remove = cumulative_probs > TOP_P
    remove = jnp.concatenate([jnp.zeros_like(remove[..., :1]), remove[..., :-1]], axis=-1)
    masked_logits = jnp.where(remove, -jnp.inf, sorted_logits)
    # 4) multinomial sample from renormalized distribution
    sample_key = jax.random.fold_in(jax.random.key(0), 1234)
    sampled = jax.random.categorical(sample_key, masked_logits, axis=-1)
    # 5) map back to original vocab ids
    tokens = jnp.take_along_axis(order, sampled[:, None], axis=-1).squeeze(-1)
    return tokens

if __name__ == "__main__":
    import jax
    _d = setup_inputs()
    print(jax.jit(kernel)(*tuple(_d.values())))

</pallas_src>

<mosaic_0001>
#map = affine_map<(d0, d1) -> (0)>
module attributes {stable_mosaic.version = 14 : i64} {
  func.func @_final_body(%arg0: i32, %arg1: i32, %arg2: memref<32000000xf32, #tpu.memory_space<hbm>>, %arg3: memref<32000000xi32, #tpu.memory_space<hbm>>, %arg4: memref<32000000xf32, #tpu.memory_space<hbm>>, %arg5: memref<1024xf32, #tpu.memory_space<hbm>>, %arg6: memref<512xi32, #tpu.memory_space<hbm>>, %arg7: memref<8000xf32, #tpu.memory_space<vmem>>, %arg8: memref<8000xi32, #tpu.memory_space<vmem>>, %arg9: memref<8000xf32, #tpu.memory_space<vmem>>, %arg10: memref<16xi32, #tpu.memory_space<vmem>>, %arg11: memref<16xi32, #tpu.memory_space<vmem>>, %arg12: memref<32xf32, #tpu.memory_space<vmem>>, %arg13: memref<16xi32, #tpu.memory_space<vmem>>, %arg14: memref<!tpu.dma_semaphore, #tpu.memory_space<semaphore_mem>>) attributes {dimension_semantics = [#tpu.dimension_semantics<core_parallel>, #tpu.dimension_semantics<subcore_parallel>], iteration_bounds = array<i64: 2, 16>, scalar_prefetch = 0 : i64, scratch_operands = 8 : i64, tpu.core_type = #tpu.core_type<sc_vector_subcore>, window_params = [{transform_indices = #map}, {transform_indices = #map}, {transform_indices = #map}, {transform_indices = #map}, {transform_indices = #map}]} {
    %mul3A = arith.constant 16 : i32
    %mul3A_0 = arith.muli %arg0, %mul3A : i32
    %add3A = arith.addi %mul3A_0, %arg1 : i32
    %mul3A_1 = arith.constant 1000000 : i32
    %mul3A_2 = arith.muli %add3A, %mul3A_1 : i32
    %iota3A = tpu.iota {dimensions = array<i32: 0>} : vector<16xi32>
    %mul3A_3 = arith.constant 32 : i32
    %mul3A_4 = arith.muli %add3A, %mul3A_3 : i32
    "tpu.region"() ({
      %run_scoped3A = tpu.sem_alloc : memref<!tpu.dma_semaphore, #tpu.memory_space<semaphore_mem>>
      %dma_start3A_56 = tpu.memref_slice %arg5[%mul3A_4] : memref<1024xf32, #tpu.memory_space<hbm>> -> memref<32xf32, #tpu.memory_space<hbm>>
      %dma_start3A_57 = tpu.memref_slice %arg5[%mul3A_4] : memref<1024xf32, #tpu.memory_space<hbm>> -> memref<32xf32, #tpu.memory_space<hbm>>
      tpu.enqueue_dma source(%dma_start3A_57 : memref<32xf32, #tpu.memory_space<hbm>>) target(%arg12 : memref<32xf32, #tpu.memory_space<vmem>>) target_semaphore(%run_scoped3A : memref<!tpu.dma_semaphore, #tpu.memory_space<semaphore_mem>>)
      %dma_wait3A_58 = tpu.memref_slice %arg5[%mul3A_4] : memref<1024xf32, #tpu.memory_space<hbm>> -> memref<32xf32, #tpu.memory_space<hbm>>
      %dma_wait3A_59 = tpu.memref_slice %arg5[%mul3A_4] : memref<1024xf32, #tpu.memory_space<hbm>> -> memref<32xf32, #tpu.memory_space<hbm>>
      tpu.wait_dma2 semaphore(%run_scoped3A : memref<!tpu.dma_semaphore, #tpu.memory_space<semaphore_mem>>) src(%dma_wait3A_59 : memref<32xf32, #tpu.memory_space<hbm>>) dst(%arg12 : memref<32xf32, #tpu.memory_space<vmem>>)
      tpu.yield
    }) : () -> ()
    %get3A = arith.constant 0 : index
    %get3A_5 = tpu.vector_load %arg12[%get3A] {strides = array<i32>} : memref<32xf32, #tpu.memory_space<vmem>>, vector<16xf32>,
    %get3A_6 = arith.constant 16 : index
    %get3A_7 = tpu.vector_load %arg12[%get3A_6] {strides = array<i32>} : memref<32xf32, #tpu.memory_space<vmem>>, vector<16xf32>,
    %scan3A = arith.constant 0.000000e+00 : f32
    %scan3A_8 = arith.constant 0xFF800000 : f32
    %scan3A_9 = arith.constant 0 : i32
    %scan3A_10 = arith.constant 0 : i32
    %scan3A_11 = arith.constant 125 : i32
    %scan3A_12 = arith.addi %scan3A_10, %scan3A_11 : i32
    %scan3A_13 = arith.constant 1 : i32
    %scan3A_14:3 = scf.for %scan3A_56 = %scan3A_10 to %scan3A_12 step %scan3A_13 iter_args(%scan3A_57 = %scan3A, %scan3A_58 = %scan3A_8, %scan3A_59 = %scan3A_9) -> (f32, f32, i32)  : i32 {
      %mul3A_60 = arith.constant 8000 : i32
      %mul3A_61 = arith.muli %scan3A_56, %mul3A_60 : i32
      %add3A_62 = arith.addi %mul3A_2, %mul3A_61 : i32
      "tpu.region"() ({
        %run_scoped3A = tpu.sem_alloc : memref<!tpu.dma_semaphore, #tpu.memory_space<semaphore_mem>>
        %dma_start3A_72 = tpu.memref_slice %arg3[%add3A_62] : memref<32000000xi32, #tpu.memory_space<hbm>> -> memref<8000xi32, #tpu.memory_space<hbm>>
        %dma_start3A_73 = tpu.memref_slice %arg3[%add3A_62] : memref<32000000xi32, #tpu.memory_space<hbm>> -> memref<8000xi32, #tpu.memory_space<hbm>>
        tpu.enqueue_dma source(%dma_start3A_73 : memref<8000xi32, #tpu.memory_space<hbm>>) target(%arg8 : memref<8000xi32, #tpu.memory_space<vmem>>) target_semaphore(%run_scoped3A : memref<!tpu.dma_semaphore, #tpu.memory_space<semaphore_mem>>)
        %dma_wait3A_74 = tpu.memref_slice %arg3[%add3A_62] : memref<32000000xi32, #tpu.memory_space<hbm>> -> memref<8000xi32, #tpu.memory_space<hbm>>
        %dma_wait3A_75 = tpu.memref_slice %arg3[%add3A_62] : memref<32000000xi32, #tpu.memory_space<hbm>> -> memref<8000xi32, #tpu.memory_space<hbm>>
        tpu.wait_dma2 semaphore(%run_scoped3A : memref<!tpu.dma_semaphore, #tpu.memory_space<semaphore_mem>>) src(%dma_wait3A_75 : memref<8000xi32, #tpu.memory_space<hbm>>) dst(%arg8 : memref<8000xi32, #tpu.memory_space<vmem>>)
        tpu.yield
      }) : () -> ()
      %mul3A_63 = arith.constant 8000 : i32
      %mul3A_64 = arith.muli %scan3A_56, %mul3A_63 : i32
      %add3A_65 = arith.addi %mul3A_2, %mul3A_64 : i32
      "tpu.region"() ({
        %run_scoped3A = tpu.sem_alloc : memref<!tpu.dma_semaphore, #tpu.memory_space<semaphore_mem>>
        %dma_start3A_72 = tpu.memref_slice %arg4[%add3A_65] : memref<32000000xf32, #tpu.memory_space<hbm>> -> memref<8000xf32, #tpu.memory_space<hbm>>
        %dma_start3A_73 = tpu.memref_slice %arg4[%add3A_65] : memref<32000000xf32, #tpu.memory_space<hbm>> -> memref<8000xf32, #tpu.memory_space<hbm>>
        tpu.enqueue_dma source(%dma_start3A_73 : memref<8000xf32, #tpu.memory_space<hbm>>) target(%arg9 : memref<8000xf32, #tpu.memory_space<vmem>>) target_semaphore(%run_scoped3A : memref<!tpu.dma_semaphore, #tpu.memory_space<semaphore_mem>>)
        %dma_wait3A_74 = tpu.memref_slice %arg4[%add3A_65] : memref<32000000xf32, #tpu.memory_space<hbm>> -> memref<8000xf32, #tpu.memory_space<hbm>>
        %dma_wait3A_75 = tpu.memref_slice %arg4[%add3A_65] : memref<32000000xf32, #tpu.memory_space<hbm>> -> memref<8000xf32, #tpu.memory_space<hbm>>
        tpu.wait_dma2 semaphore(%run_scoped3A : memref<!tpu.dma_semaphore, #tpu.memory_space<semaphore_mem>>) src(%dma_wait3A_75 : memref<8000xf32, #tpu.memory_space<hbm>>) dst(%arg9 : memref<8000xf32, #tpu.memory_space<vmem>>)
        tpu.yield
      }) : () -> ()
      %scan3A_66 = arith.constant 0 : i32
      %scan3A_67 = arith.constant 500 : i32
      %scan3A_68 = arith.addi %scan3A_66, %scan3A_67 : i32
      %scan3A_69 = arith.constant 1 : i32
      %scan3A_70:3 = scf.for %scan3A_72 = %scan3A_66 to %scan3A_68 step %scan3A_69 iter_args(%scan3A_73 = %scan3A_57, %scan3A_74 = %scan3A_58, %scan3A_75 = %scan3A_59) -> (f32, f32, i32)  : i32 {
        %mul3A_76 = arith.constant 16 : i32
        %mul3A_77 = arith.muli %scan3A_72, %mul3A_76 : i32
        %get3A_78 = arith.index_cast %mul3A_77 : i32 to index
        %get3A_79 = tpu.vector_load %arg8[%get3A_78] {strides = array<i32>} : memref<8000xi32, #tpu.memory_space<vmem>>, vector<16xi32>,
        %not3A = arith.constant dense<-1> : vector<16xi32>
        %not3A_80 = arith.xori %get3A_79, %not3A : vector<16xi32>
        %shift_right_logical3A = arith.constant 31 : i32
        %shift_right_logical3A_81 = vector.broadcast %shift_right_logical3A : i32 to vector<16xi32>
        %shift_right_logical3A_82 = arith.shrui %not3A_80, %shift_right_logical3A_81 : vector<16xi32>
        %eq3A = arith.constant 1 : i32
        %eq3A_83 = vector.broadcast %eq3A : i32 to vector<16xi32>
        %eq3A_84 = arith.cmpi eq, %shift_right_logical3A_82, %eq3A_83 : vector<16xi32>
        %and3A = arith.constant 2147483647 : i32
        %and3A_85 = vector.broadcast %and3A : i32 to vector<16xi32>
        %and3A_86 = arith.andi %not3A_80, %and3A_85 : vector<16xi32>
        %not3A_87 = arith.constant dense<-1> : vector<16xi32>
        %not3A_88 = arith.xori %not3A_80, %not3A_87 : vector<16xi32>
        %select_n3A = arith.select %eq3A_84, %and3A_86, %not3A_88 : vector<16xi1>, vector<16xi32>
        %bitcast3A = vector.bitcast %select_n3A : vector<16xi32> to vector<16xf32>
        %sub3A_89 = arith.subf %bitcast3A, %get3A_5 : vector<16xf32>
        %exp3A = math.exp %sub3A_89 : vector<16xf32>
        %div3A = arith.divf %exp3A, %get3A_7 : vector<16xf32>
        %broadcast_in_dim3A_90 = arith.constant true
        %broadcast_in_dim3A_91 = vector.broadcast %broadcast_in_dim3A_90 : i1 to vector<16xi1>
        %masked_cumsum3A = tpu.scan <sum>, %div3A masked %broadcast_in_dim3A_91 : vector<16xf32>, vector<16xi1> -> vector<16xf32>
        %sub3A_92 = arith.subf %masked_cumsum3A, %div3A : vector<16xf32>
        %add3A_93 = vector.broadcast %scan3A_73 : f32 to vector<16xf32>
        %add3A_94 = arith.addf %add3A_93, %sub3A_92 : vector<16xf32>
        %le3A = arith.constant 0.899999976 : f32
        %le3A_95 = vector.broadcast %le3A : f32 to vector<16xf32>
        %le3A_96 = arith.cmpf ole, %add3A_94, %le3A_95 : vector<16xf32>
        %mul3A_97 = arith.constant 16 : i32
        %mul3A_98 = arith.muli %scan3A_72, %mul3A_97 : i32
        %get3A_99 = arith.index_cast %mul3A_98 : i32 to index
        %get3A_100 = tpu.vector_load %arg9[%get3A_99] {strides = array<i32>} : memref<8000xf32, #tpu.memory_space<vmem>>, vector<16xf32>,
        %add3A_101 = arith.addf %bitcast3A, %get3A_100 : vector<16xf32>
        %jit3A = arith.constant 0xFF800000 : f32
        %broadcast_in_dim3A_102 = vector.broadcast %jit3A : f32 to vector<16xf32>
        %select_n3A_103 = arith.select %le3A_96, %add3A_101, %broadcast_in_dim3A_102 : vector<16xi1>, vector<16xf32>
        %reduce_max3A_104 = arith.constant true
        %reduce_max3A_105 = vector.broadcast %reduce_max3A_104 : i1 to vector<16xi1>
        %reduce_max3A_106 = tpu.scan <max>, %select_n3A_103 masked %reduce_max3A_105 : vector<16xf32>, vector<16xi1> -> vector<16xf32>
        %reduce_max3A_107 = vector.extract %reduce_max3A_106[15] : f32 from vector<16xf32>
        %eq3A_108 = vector.broadcast %reduce_max3A_107 : f32 to vector<16xf32>
        %eq3A_109 = arith.cmpf oeq, %select_n3A_103, %eq3A_108 : vector<16xf32>
        %mul3A_110 = arith.constant 8000 : i32
        %mul3A_111 = arith.muli %scan3A_56, %mul3A_110 : i32
        %mul3A_112 = arith.constant 16 : i32
        %mul3A_113 = arith.muli %scan3A_72, %mul3A_112 : i32
        %add3A_114 = arith.addi %mul3A_111, %mul3A_113 : i32
        %add3A_115 = vector.broadcast %add3A_114 : i32 to vector<16xi32>
        %add3A_116 = arith.addi %add3A_115, %iota3A : vector<16xi32>
        %jit3A_117 = arith.constant 1073741824 : i32
        %broadcast_in_dim3A_118 = vector.broadcast %jit3A_117 : i32 to vector<16xi32>
        %select_n3A_119 = arith.select %eq3A_109, %add3A_116, %broadcast_in_dim3A_118 : vector<16xi1>, vector<16xi32>
        %reduce_min3A = arith.constant true
        %reduce_min3A_120 = vector.broadcast %reduce_min3A : i1 to vector<16xi1>
        %reduce_min3A_121 = arith.constant -2147483648 : i32
        %reduce_min3A_122 = vector.broadcast %reduce_min3A_121 : i32 to vector<16xi32>
        %reduce_min3A_123 = arith.xori %select_n3A_119, %reduce_min3A_122 : vector<16xi32>
        %reduce_min3A_124 = tpu.scan <min>, %reduce_min3A_123 masked %reduce_min3A_120 : vector<16xi32>, vector<16xi1> -> vector<16xi32>
        %reduce_min3A_125 = arith.xori %reduce_min3A_124, %reduce_min3A_122 : vector<16xi32>
        %reduce_min3A_126 = vector.extract %reduce_min3A_125[15] : i32 from vector<16xi32>
        %gt3A = arith.cmpf ogt, %reduce_max3A_107, %scan3A_74 : f32
        %reduce_sum3A = arith.constant true
        %reduce_sum3A_127 = vector.broadcast %reduce_sum3A : i1 to vector<16xi1>
        %reduce_sum3A_128 = tpu.scan <sum>, %div3A masked %reduce_sum3A_127 : vector<16xf32>, vector<16xi1> -> vector<16xf32>
        %reduce_sum3A_129 = vector.extract %reduce_sum3A_128[15] : f32 from vector<16xf32>
        %add3A_130 = arith.addf %scan3A_73, %reduce_sum3A_129 : f32
        %select_n3A_131 = arith.select %gt3A, %reduce_max3A_107, %scan3A_74 : f32
        %select_n3A_132 = arith.select %gt3A, %reduce_min3A_126, %scan3A_75 : i32
        scf.yield %add3A_130, %select_n3A_131, %select_n3A_132 : f32, f32, i32
      }
      %scan3A_71 = arith.constant 500 : i32
      scf.yield %scan3A_70#0, %scan3A_70#1, %scan3A_70#2 : f32, f32, i32
    }
    %scan3A_15 = arith.constant 125 : i32
    %broadcast_in_dim3A = arith.constant 0 : i32
    %broadcast_in_dim3A_16 = vector.broadcast %broadcast_in_dim3A : i32 to vector<16xi32>
    %add3A_17 = arith.addi %mul3A_2, %scan3A_14#2 : i32
    %add3A_18 = vector.broadcast %add3A_17 : i32 to vector<16xi32>
    %add3A_19 = arith.addi %broadcast_in_dim3A_16, %add3A_18 : vector<16xi32>
    %swap3A = arith.constant 0 : index
    %swap3A_20 = tpu.vector_load %arg10[%swap3A] {strides = array<i32>} : memref<16xi32, #tpu.memory_space<vmem>>, vector<16xi32>,
    tpu.vector_store %arg10[%swap3A], %add3A_19 {strides = array<i32>} : memref<16xi32, #tpu.memory_space<vmem>>, vector<16xi32>,
    %dma_start3A = arith.constant 0 : i32
    %dma_start3A_21 = tpu.memref_slice %arg3[%dma_start3A] : memref<32000000xi32, #tpu.memory_space<hbm>> -> memref<32000000xi32, #tpu.memory_space<hbm>>
    tpu.enqueue_indirect_dma source(%dma_start3A_21 : memref<32000000xi32, #tpu.memory_space<hbm>>) target(%arg11 : memref<16xi32, #tpu.memory_space<vmem>>) offsets(%arg10 : memref<16xi32, #tpu.memory_space<vmem>>) semaphore(%arg14 : memref<!tpu.dma_semaphore, #tpu.memory_space<semaphore_mem>>)
    %dma_wait3A = arith.constant 0 : i32
    %dma_wait3A_22 = tpu.memref_slice %arg3[%dma_wait3A] : memref<32000000xi32, #tpu.memory_space<hbm>> -> memref<32000000xi32, #tpu.memory_space<hbm>>
    tpu.wait_indirect_dma semaphore(%arg14 : memref<!tpu.dma_semaphore, #tpu.memory_space<semaphore_mem>>) src(%dma_wait3A_22 : memref<32000000xi32, #tpu.memory_space<hbm>>) dst(%arg11 : memref<16xi32, #tpu.memory_space<vmem>>)
    %get3A_23 = arith.constant 0 : index
    %get3A_24 = tpu.vector_load %arg11[%get3A_23] {strides = array<i32>} : memref<16xi32, #tpu.memory_space<vmem>>, vector<16xi32>,
    %broadcast_in_dim3A_25 = arith.constant 0 : i32
    %broadcast_in_dim3A_26 = vector.broadcast %broadcast_in_dim3A_25 : i32 to vector<16xi32>
    %scan3A_27 = arith.constant 0 : i32
    %scan3A_28 = arith.constant 125 : i32
    %scan3A_29 = arith.addi %scan3A_27, %scan3A_28 : i32
    %scan3A_30 = arith.constant 1 : i32
    %scan3A_31 = scf.for %scan3A_56 = %scan3A_27 to %scan3A_29 step %scan3A_30 iter_args(%scan3A_57 = %broadcast_in_dim3A_26) -> (vector<16xi32>)  : i32 {
      %mul3A_58 = arith.constant 8000 : i32
      %mul3A_59 = arith.muli %scan3A_56, %mul3A_58 : i32
      %add3A_60 = arith.addi %mul3A_2, %mul3A_59 : i32
      "tpu.region"() ({
        %run_scoped3A = tpu.sem_alloc : memref<!tpu.dma_semaphore, #tpu.memory_space<semaphore_mem>>
        %dma_start3A_67 = tpu.memref_slice %arg2[%add3A_60] : memref<32000000xf32, #tpu.memory_space<hbm>> -> memref<8000xf32, #tpu.memory_space<hbm>>
        %dma_start3A_68 = tpu.memref_slice %arg2[%add3A_60] : memref<32000000xf32, #tpu.memory_space<hbm>> -> memref<8000xf32, #tpu.memory_space<hbm>>
        tpu.enqueue_dma source(%dma_start3A_68 : memref<8000xf32, #tpu.memory_space<hbm>>) target(%arg7 : memref<8000xf32, #tpu.memory_space<vmem>>) target_semaphore(%run_scoped3A : memref<!tpu.dma_semaphore, #tpu.memory_space<semaphore_mem>>)
        %dma_wait3A_69 = tpu.memref_slice %arg2[%add3A_60] : memref<32000000xf32, #tpu.memory_space<hbm>> -> memref<8000xf32, #tpu.memory_space<hbm>>
        %dma_wait3A_70 = tpu.memref_slice %arg2[%add3A_60] : memref<32000000xf32, #tpu.memory_space<hbm>> -> memref<8000xf32, #tpu.memory_space<hbm>>
        tpu.wait_dma2 semaphore(%run_scoped3A : memref<!tpu.dma_semaphore, #tpu.memory_space<semaphore_mem>>) src(%dma_wait3A_70 : memref<8000xf32, #tpu.memory_space<hbm>>) dst(%arg7 : memref<8000xf32, #tpu.memory_space<vmem>>)
        tpu.yield
      }) : () -> ()
      %scan3A_61 = arith.constant 0 : i32
      %scan3A_62 = arith.constant 500 : i32
      %scan3A_63 = arith.addi %scan3A_61, %scan3A_62 : i32
      %scan3A_64 = arith.constant 1 : i32
      %scan3A_65 = scf.for %scan3A_67 = %scan3A_61 to %scan3A_63 step %scan3A_64 iter_args(%scan3A_68 = %scan3A_57) -> (vector<16xi32>)  : i32 {
        %mul3A_69 = arith.constant 16 : i32
        %mul3A_70 = arith.muli %scan3A_67, %mul3A_69 : i32
        %get3A_71 = arith.index_cast %mul3A_70 : i32 to index
        %get3A_72 = tpu.vector_load %arg7[%get3A_71] {strides = array<i32>} : memref<8000xf32, #tpu.memory_space<vmem>>, vector<16xf32>,
        %bitcast3A = vector.bitcast %get3A_72 : vector<16xf32> to vector<16xi32>
        %shift_right_logical3A = arith.constant 31 : i32
        %shift_right_logical3A_73 = vector.broadcast %shift_right_logical3A : i32 to vector<16xi32>
        %shift_right_logical3A_74 = arith.shrui %bitcast3A, %shift_right_logical3A_73 : vector<16xi32>
        %eq3A = arith.constant 1 : i32
        %eq3A_75 = vector.broadcast %eq3A : i32 to vector<16xi32>
        %eq3A_76 = arith.cmpi eq, %shift_right_logical3A_74, %eq3A_75 : vector<16xi32>
        %not3A = arith.constant dense<-1> : vector<16xi32>
        %not3A_77 = arith.xori %bitcast3A, %not3A : vector<16xi32>
        %or3A = arith.constant -2147483648 : i32
        %or3A_78 = vector.broadcast %or3A : i32 to vector<16xi32>
        %or3A_79 = arith.ori %bitcast3A, %or3A_78 : vector<16xi32>
        %select_n3A = arith.select %eq3A_76, %not3A_77, %or3A_79 : vector<16xi1>, vector<16xi32>
        %not3A_80 = arith.constant dense<-1> : vector<16xi32>
        %not3A_81 = arith.xori %select_n3A, %not3A_80 : vector<16xi32>
        %lt3A = arith.cmpi ult, %not3A_81, %get3A_24 : vector<16xi32>
        %all_reduce_population_count3A = tpu.all_reduce %lt3A {dim = 0 : i64, kind = #tpu.reduction_kind<sum>} : vector<16xi1> -> vector<16xi32>
        %add3A_82 = arith.addi %scan3A_68, %all_reduce_population_count3A : vector<16xi32>
        scf.yield %add3A_82 : vector<16xi32>
      }
      %scan3A_66 = arith.constant 500 : i32
      scf.yield %scan3A_65 : vector<16xi32>
    }
    %scan3A_32 = arith.constant 125 : i32
    %reduce_max3A = arith.constant true
    %reduce_max3A_33 = vector.broadcast %reduce_max3A : i1 to vector<16xi1>
    %reduce_max3A_34 = arith.constant -2147483648 : i32
    %reduce_max3A_35 = vector.broadcast %reduce_max3A_34 : i32 to vector<16xi32>
    %reduce_max3A_36 = arith.xori %scan3A_31, %reduce_max3A_35 : vector<16xi32>
    %reduce_max3A_37 = tpu.scan <max>, %reduce_max3A_36 masked %reduce_max3A_33 : vector<16xi32>, vector<16xi1> -> vector<16xi32>
    %reduce_max3A_38 = arith.xori %reduce_max3A_37, %reduce_max3A_35 : vector<16xi32>
    %reduce_max3A_39 = vector.extract %reduce_max3A_38[15] : i32 from vector<16xi32>
    %sub3A = arith.subi %scan3A_14#2, %reduce_max3A_39 : i32
    %scan3A_40 = arith.constant 0 : i32
    %scan3A_41 = arith.constant -1 : i32
    %scan3A_42 = arith.constant 0 : i32
    %scan3A_43 = arith.constant 125 : i32
    %scan3A_44 = arith.addi %scan3A_42, %scan3A_43 : i32
    %scan3A_45 = arith.constant 1 : i32
    %scan3A_46:2 = scf.for %scan3A_56 = %scan3A_42 to %scan3A_44 step %scan3A_45 iter_args(%scan3A_57 = %scan3A_40, %scan3A_58 = %scan3A_41) -> (i32, i32)  : i32 {
      %mul3A_59 = arith.constant 8000 : i32
      %mul3A_60 = arith.muli %scan3A_56, %mul3A_59 : i32
      %add3A_61 = arith.addi %mul3A_2, %mul3A_60 : i32
      "tpu.region"() ({
        %run_scoped3A = tpu.sem_alloc : memref<!tpu.dma_semaphore, #tpu.memory_space<semaphore_mem>>
        %dma_start3A_68 = tpu.memref_slice %arg2[%add3A_61] : memref<32000000xf32, #tpu.memory_space<hbm>> -> memref<8000xf32, #tpu.memory_space<hbm>>
        %dma_start3A_69 = tpu.memref_slice %arg2[%add3A_61] : memref<32000000xf32, #tpu.memory_space<hbm>> -> memref<8000xf32, #tpu.memory_space<hbm>>
        tpu.enqueue_dma source(%dma_start3A_69 : memref<8000xf32, #tpu.memory_space<hbm>>) target(%arg7 : memref<8000xf32, #tpu.memory_space<vmem>>) target_semaphore(%run_scoped3A : memref<!tpu.dma_semaphore, #tpu.memory_space<semaphore_mem>>)
        %dma_wait3A_70 = tpu.memref_slice %arg2[%add3A_61] : memref<32000000xf32, #tpu.memory_space<hbm>> -> memref<8000xf32, #tpu.memory_space<hbm>>
        %dma_wait3A_71 = tpu.memref_slice %arg2[%add3A_61] : memref<32000000xf32, #tpu.memory_space<hbm>> -> memref<8000xf32, #tpu.memory_space<hbm>>
        tpu.wait_dma2 semaphore(%run_scoped3A : memref<!tpu.dma_semaphore, #tpu.memory_space<semaphore_mem>>) src(%dma_wait3A_71 : memref<8000xf32, #tpu.memory_space<hbm>>) dst(%arg7 : memref<8000xf32, #tpu.memory_space<vmem>>)
        tpu.yield
      }) : () -> ()
      %scan3A_62 = arith.constant 0 : i32
      %scan3A_63 = arith.constant 500 : i32
      %scan3A_64 = arith.addi %scan3A_62, %scan3A_63 : i32
      %scan3A_65 = arith.constant 1 : i32
      %scan3A_66:2 = scf.for %scan3A_68 = %scan3A_62 to %scan3A_64 step %scan3A_65 iter_args(%scan3A_69 = %scan3A_57, %scan3A_70 = %scan3A_58) -> (i32, i32)  : i32 {
        %mul3A_71 = arith.constant 16 : i32
        %mul3A_72 = arith.muli %scan3A_68, %mul3A_71 : i32
        %get3A_73 = arith.index_cast %mul3A_72 : i32 to index
        %get3A_74 = tpu.vector_load %arg7[%get3A_73] {strides = array<i32>} : memref<8000xf32, #tpu.memory_space<vmem>>, vector<16xf32>,
        %bitcast3A = vector.bitcast %get3A_74 : vector<16xf32> to vector<16xi32>
        %shift_right_logical3A = arith.constant 31 : i32
        %shift_right_logical3A_75 = vector.broadcast %shift_right_logical3A : i32 to vector<16xi32>
        %shift_right_logical3A_76 = arith.shrui %bitcast3A, %shift_right_logical3A_75 : vector<16xi32>
        %eq3A = arith.constant 1 : i32
        %eq3A_77 = vector.broadcast %eq3A : i32 to vector<16xi32>
        %eq3A_78 = arith.cmpi eq, %shift_right_logical3A_76, %eq3A_77 : vector<16xi32>
        %not3A = arith.constant dense<-1> : vector<16xi32>
        %not3A_79 = arith.xori %bitcast3A, %not3A : vector<16xi32>
        %or3A = arith.constant -2147483648 : i32
        %or3A_80 = vector.broadcast %or3A : i32 to vector<16xi32>
        %or3A_81 = arith.ori %bitcast3A, %or3A_80 : vector<16xi32>
        %select_n3A = arith.select %eq3A_78, %not3A_79, %or3A_81 : vector<16xi1>, vector<16xi32>
        %not3A_82 = arith.constant dense<-1> : vector<16xi32>
        %not3A_83 = arith.xori %select_n3A, %not3A_82 : vector<16xi32>
        %eq3A_84 = arith.cmpi eq, %not3A_83, %get3A_24 : vector<16xi32>
        %jit3A = arith.constant 1 : i32
        %jit3A_85 = arith.constant 0 : i32
        %broadcast_in_dim3A_86 = vector.broadcast %jit3A : i32 to vector<16xi32>
        %broadcast_in_dim3A_87 = vector.broadcast %jit3A_85 : i32 to vector<16xi32>
        %select_n3A_88 = arith.select %eq3A_84, %broadcast_in_dim3A_86, %broadcast_in_dim3A_87 : vector<16xi1>, vector<16xi32>
        %broadcast_in_dim3A_89 = arith.constant true
        %broadcast_in_dim3A_90 = vector.broadcast %broadcast_in_dim3A_89 : i1 to vector<16xi1>
        %masked_cumsum3A = tpu.scan <sum>, %select_n3A_88 masked %broadcast_in_dim3A_90 : vector<16xi32>, vector<16xi1> -> vector<16xi32>
        %add3A_91 = vector.broadcast %scan3A_69 : i32 to vector<16xi32>
        %add3A_92 = arith.addi %add3A_91, %masked_cumsum3A : vector<16xi32>
        %sub3A_93 = arith.subi %add3A_92, %select_n3A_88 : vector<16xi32>
        %eq3A_94 = vector.broadcast %sub3A : i32 to vector<16xi32>
        %eq3A_95 = arith.cmpi eq, %sub3A_93, %eq3A_94 : vector<16xi32>
        %and3A = arith.andi %eq3A_84, %eq3A_95 : vector<16xi1>
        %mul3A_96 = arith.constant 8000 : i32
        %mul3A_97 = arith.muli %scan3A_56, %mul3A_96 : i32
        %mul3A_98 = arith.constant 16 : i32
        %mul3A_99 = arith.muli %scan3A_68, %mul3A_98 : i32
        %add3A_100 = arith.addi %mul3A_97, %mul3A_99 : i32
        %add3A_101 = vector.broadcast %add3A_100 : i32 to vector<16xi32>
        %add3A_102 = arith.addi %add3A_101, %iota3A : vector<16xi32>
        %jit3A_103 = arith.constant -1 : i32
        %broadcast_in_dim3A_104 = vector.broadcast %jit3A_103 : i32 to vector<16xi32>
        %select_n3A_105 = arith.select %and3A, %add3A_102, %broadcast_in_dim3A_104 : vector<16xi1>, vector<16xi32>
        %reduce_max3A_106 = arith.constant true
        %reduce_max3A_107 = vector.broadcast %reduce_max3A_106 : i1 to vector<16xi1>
        %reduce_max3A_108 = arith.constant -2147483648 : i32
        %reduce_max3A_109 = vector.broadcast %reduce_max3A_108 : i32 to vector<16xi32>
        %reduce_max3A_110 = arith.xori %select_n3A_105, %reduce_max3A_109 : vector<16xi32>
        %reduce_max3A_111 = tpu.scan <max>, %reduce_max3A_110 masked %reduce_max3A_107 : vector<16xi32>, vector<16xi1> -> vector<16xi32>
        %reduce_max3A_112 = arith.xori %reduce_max3A_111, %reduce_max3A_109 : vector<16xi32>
        %reduce_max3A_113 = vector.extract %reduce_max3A_112[15] : i32 from vector<16xi32>
        %reduce_sum3A = arith.constant true
        %reduce_sum3A_114 = vector.broadcast %reduce_sum3A : i1 to vector<16xi1>
        %reduce_sum3A_115 = tpu.scan <sum>, %select_n3A_88 masked %reduce_sum3A_114 : vector<16xi32>, vector<16xi1> -> vector<16xi32>
        %reduce_sum3A_116 = vector.extract %reduce_sum3A_115[15] : i32 from vector<16xi32>
        %add3A_117 = arith.addi %scan3A_69, %reduce_sum3A_116 : i32
        %max3A = arith.maxsi %scan3A_70, %reduce_max3A_113 : i32
        scf.yield %add3A_117, %max3A : i32, i32
      }
      %scan3A_67 = arith.constant 500 : i32
      scf.yield %scan3A_66#0, %scan3A_66#1 : i32, i32
    }
    %scan3A_47 = arith.constant 125 : i32
    %broadcast_in_dim3A_48 = arith.constant 0 : i32
    %broadcast_in_dim3A_49 = vector.broadcast %broadcast_in_dim3A_48 : i32 to vector<16xi32>
    %add3A_50 = vector.broadcast %scan3A_46#1 : i32 to vector<16xi32>
    %add3A_51 = arith.addi %broadcast_in_dim3A_49, %add3A_50 : vector<16xi32>
    %swap3A_52 = arith.constant 0 : index
    %swap3A_53 = tpu.vector_load %arg13[%swap3A_52] {strides = array<i32>} : memref<16xi32, #tpu.memory_space<vmem>>, vector<16xi32>,
    tpu.vector_store %arg13[%swap3A_52], %add3A_51 {strides = array<i32>} : memref<16xi32, #tpu.memory_space<vmem>>, vector<16xi32>,
    %mul3A_54 = arith.constant 16 : i32
    %mul3A_55 = arith.muli %add3A, %mul3A_54 : i32
    "tpu.region"() ({
      %run_scoped3A = tpu.sem_alloc : memref<!tpu.dma_semaphore, #tpu.memory_space<semaphore_mem>>
      %dma_start3A_56 = tpu.memref_slice %arg6[%mul3A_55] : memref<512xi32, #tpu.memory_space<hbm>> -> memref<16xi32, #tpu.memory_space<hbm>>
      %dma_start3A_57 = tpu.memref_slice %arg6[%mul3A_55] : memref<512xi32, #tpu.memory_space<hbm>> -> memref<16xi32, #tpu.memory_space<hbm>>
      tpu.enqueue_dma source(%arg13 : memref<16xi32, #tpu.memory_space<vmem>>) target(%dma_start3A_57 : memref<16xi32, #tpu.memory_space<hbm>>) target_semaphore(%run_scoped3A : memref<!tpu.dma_semaphore, #tpu.memory_space<semaphore_mem>>)
      %dma_wait3A_58 = tpu.memref_slice %arg6[%mul3A_55] : memref<512xi32, #tpu.memory_space<hbm>> -> memref<16xi32, #tpu.memory_space<hbm>>
      %dma_wait3A_59 = tpu.memref_slice %arg6[%mul3A_55] : memref<512xi32, #tpu.memory_space<hbm>> -> memref<16xi32, #tpu.memory_space<hbm>>
      tpu.wait_dma2 semaphore(%run_scoped3A : memref<!tpu.dma_semaphore, #tpu.memory_space<semaphore_mem>>) src(%arg13 : memref<16xi32, #tpu.memory_space<vmem>>) dst(%dma_wait3A_59 : memref<16xi32, #tpu.memory_space<hbm>>)
      tpu.yield
    }) : () -> ()
    return
  }
}

#map = affine_map<(d0, d1) -> (0)>
module attributes {stable_mosaic.version = 14 : i64} {
  func.func @body(%arg0: i32, %arg1: i32, %arg2: memref<32000000xf32, #tpu.memory_space<hbm>>, %arg3: memref<32000000xi32, #tpu.memory_space<hbm>>, %arg4: memref<65536xi32, #tpu.memory_space<vmem>>, %arg5: memref<8000xf32, #tpu.memory_space<vmem>>, %arg6: memref<8000xi32, #tpu.memory_space<vmem>>, %arg7: memref<8000xi32, #tpu.memory_space<vmem>>, %arg8: memref<16xi32, #tpu.memory_space<vmem>>, %arg9: memref<!tpu.dma_semaphore, #tpu.memory_space<semaphore_mem>>) attributes {dimension_semantics = [#tpu.dimension_semantics<core_parallel>, #tpu.dimension_semantics<subcore_parallel>], iteration_bounds = array<i64: 2, 16>, scalar_prefetch = 0 : i64, scratch_operands = 6 : i64, tpu.core_type = #tpu.core_type<sc_vector_subcore>, window_params = [{transform_indices = #map}, {transform_indices = #map}]} {
    %mul3A = arith.constant 16 : i32
    %mul3A_0 = arith.muli %arg0, %mul3A : i32
    %add3A = arith.addi %mul3A_0, %arg1 : i32
    %mul3A_1 = arith.constant 1000000 : i32
    %mul3A_2 = arith.muli %add3A, %mul3A_1 : i32
    %iota3A = tpu.iota {dimensions = array<i32: 0>} : vector<16xi32>
    %scan3A = arith.constant 0 : i32
    %scan3A_3 = arith.constant 0 : i32
    %scan3A_4 = arith.constant 4096 : i32
    %scan3A_5 = arith.addi %scan3A_3, %scan3A_4 : i32
    %scan3A_6 = arith.constant 1 : i32
    scf.for %scan3A_27 = %scan3A_3 to %scan3A_5 step %scan3A_6  : i32 {
      %broadcast_in_dim3A = arith.constant 0 : i32
      %broadcast_in_dim3A_28 = vector.broadcast %broadcast_in_dim3A : i32 to vector<16xi32>
      %mul3A_29 = arith.constant 16 : i32
      %mul3A_30 = arith.muli %scan3A_27, %mul3A_29 : i32
      %swap3A = arith.index_cast %mul3A_30 : i32 to index
      %swap3A_31 = tpu.vector_load %arg4[%swap3A] {strides = array<i32>} : memref<65536xi32, #tpu.memory_space<vmem>>, vector<16xi32>,
      tpu.vector_store %arg4[%swap3A], %broadcast_in_dim3A_28 {strides = array<i32>} : memref<65536xi32, #tpu.memory_space<vmem>>, vector<16xi32>,
    }
    %scan3A_7 = arith.constant 4096 : i32
    %scan3A_8 = arith.constant 0 : i32
    %scan3A_9 = arith.constant 0 : i32
    %scan3A_10 = arith.constant 125 : i32
    %scan3A_11 = arith.addi %scan3A_9, %scan3A_10 : i32
    %scan3A_12 = arith.constant 1 : i32
    scf.for %scan3A_27 = %scan3A_9 to %scan3A_11 step %scan3A_12  : i32 {
      %mul3A_28 = arith.constant 8000 : i32
      %mul3A_29 = arith.muli %scan3A_27, %mul3A_28 : i32
      %add3A_30 = arith.addi %mul3A_2, %mul3A_29 : i32
      "tpu.region"() ({
        %run_scoped3A = tpu.sem_alloc : memref<!tpu.dma_semaphore, #tpu.memory_space<semaphore_mem>>
        %dma_start3A = tpu.memref_slice %arg2[%add3A_30] : memref<32000000xf32, #tpu.memory_space<hbm>> -> memref<8000xf32, #tpu.memory_space<hbm>>
        %dma_start3A_36 = tpu.memref_slice %arg2[%add3A_30] : memref<32000000xf32, #tpu.memory_space<hbm>> -> memref<8000xf32, #tpu.memory_space<hbm>>
        tpu.enqueue_dma source(%dma_start3A_36 : memref<8000xf32, #tpu.memory_space<hbm>>) target(%arg5 : memref<8000xf32, #tpu.memory_space<vmem>>) target_semaphore(%run_scoped3A : memref<!tpu.dma_semaphore, #tpu.memory_space<semaphore_mem>>)
        %dma_wait3A = tpu.memref_slice %arg2[%add3A_30] : memref<32000000xf32, #tpu.memory_space<hbm>> -> memref<8000xf32, #tpu.memory_space<hbm>>
        %dma_wait3A_37 = tpu.memref_slice %arg2[%add3A_30] : memref<32000000xf32, #tpu.memory_space<hbm>> -> memref<8000xf32, #tpu.memory_space<hbm>>
        tpu.wait_dma2 semaphore(%run_scoped3A : memref<!tpu.dma_semaphore, #tpu.memory_space<semaphore_mem>>) src(%dma_wait3A_37 : memref<8000xf32, #tpu.memory_space<hbm>>) dst(%arg5 : memref<8000xf32, #tpu.memory_space<vmem>>)
        tpu.yield
      }) : () -> ()
      %scan3A_31 = arith.constant 0 : i32
      %scan3A_32 = arith.constant 500 : i32
      %scan3A_33 = arith.addi %scan3A_31, %scan3A_32 : i32
      %scan3A_34 = arith.constant 1 : i32
      scf.for %scan3A_36 = %scan3A_31 to %scan3A_33 step %scan3A_34  : i32 {
        %mul3A_37 = arith.constant 16 : i32
        %mul3A_38 = arith.muli %scan3A_36, %mul3A_37 : i32
        %get3A = arith.index_cast %mul3A_38 : i32 to index
        %get3A_39 = tpu.vector_load %arg5[%get3A] {strides = array<i32>} : memref<8000xf32, #tpu.memory_space<vmem>>, vector<16xf32>,
        %bitcast3A = vector.bitcast %get3A_39 : vector<16xf32> to vector<16xi32>
        %shift_right_logical3A = arith.constant 31 : i32
        %shift_right_logical3A_40 = vector.broadcast %shift_right_logical3A : i32 to vector<16xi32>
        %shift_right_logical3A_41 = arith.shrui %bitcast3A, %shift_right_logical3A_40 : vector<16xi32>
        %eq3A = arith.constant 1 : i32
        %eq3A_42 = vector.broadcast %eq3A : i32 to vector<16xi32>
        %eq3A_43 = arith.cmpi eq, %shift_right_logical3A_41, %eq3A_42 : vector<16xi32>
        %not3A = arith.constant dense<-1> : vector<16xi32>
        %not3A_44 = arith.xori %bitcast3A, %not3A : vector<16xi32>
        %or3A = arith.constant -2147483648 : i32
        %or3A_45 = vector.broadcast %or3A : i32 to vector<16xi32>
        %or3A_46 = arith.ori %bitcast3A, %or3A_45 : vector<16xi32>
        %select_n3A = arith.select %eq3A_43, %not3A_44, %or3A_46 : vector<16xi1>, vector<16xi32>
        %not3A_47 = arith.constant dense<-1> : vector<16xi32>
        %not3A_48 = arith.xori %select_n3A, %not3A_47 : vector<16xi32>
        %and3A = arith.constant 65535 : i32
        %and3A_49 = vector.broadcast %and3A : i32 to vector<16xi32>
        %and3A_50 = arith.andi %not3A_48, %and3A_49 : vector<16xi32>
        %shift_left3A = arith.constant 4 : i32
        %shift_left3A_51 = vector.broadcast %shift_left3A : i32 to vector<16xi32>
        %shift_left3A_52 = arith.shli %and3A_50, %shift_left3A_51 : vector<16xi32>
        %or3A_53 = arith.ori %shift_left3A_52, %iota3A : vector<16xi32>
        %masked_sort3A = arith.constant dense<true> : vector<16xi1>
        %masked_sort3A_54 = arith.constant -2147483648 : i32
        %masked_sort3A_55 = vector.broadcast %masked_sort3A_54 : i32 to vector<16xi32>
        %masked_sort3A_56 = arith.xori %or3A_53, %masked_sort3A_55 : vector<16xi32>
        %masked_sort3A_57, %masked_sort3A_58, %masked_sort3A_59 = tpu.sort %masked_sort3A_56, %iota3A masked %masked_sort3A : (vector<16xi32>, vector<16xi32>, vector<16xi1>) -> (vector<16xi1>, vector<16xi32>, vector<16xi32>)
        %masked_sort3A_60 = arith.xori %masked_sort3A_58, %masked_sort3A_55 : vector<16xi32>
        %shift_right_arithmetic3A = arith.constant 4 : i32
        %shift_right_arithmetic3A_61 = vector.broadcast %shift_right_arithmetic3A : i32 to vector<16xi32>
        %shift_right_arithmetic3A_62 = arith.shrsi %masked_sort3A_60, %shift_right_arithmetic3A_61 : vector<16xi32>
        %sub3A = arith.constant 1 : i32
        %sub3A_63 = vector.broadcast %sub3A : i32 to vector<16xi32>
        %sub3A_64 = arith.subi %iota3A, %sub3A_63 : vector<16xi32>
        %max3A = arith.constant 0 : i32
        %max3A_65 = vector.broadcast %max3A : i32 to vector<16xi32>
        %max3A_66 = arith.maxsi %sub3A_64, %max3A_65 : vector<16xi32>
        %broadcast_in_dim3A = vector.shape_cast %max3A_66 : vector<16xi32> to vector<16x1xi32>
        %gather3A = vector.shape_cast %broadcast_in_dim3A : vector<16x1xi32> to vector<16xi32>
        %gather3A_67 = tpu.dynamic_gather %masked_sort3A_60[%gather3A] in [0] : vector<16xi32>, vector<16xi32> -> vector<16xi32>
        %add3A_68 = arith.constant 1 : i32
        %add3A_69 = vector.broadcast %add3A_68 : i32 to vector<16xi32>
        %add3A_70 = arith.addi %iota3A, %add3A_69 : vector<16xi32>
        %min3A = arith.constant 15 : i32
        %min3A_71 = vector.broadcast %min3A : i32 to vector<16xi32>
        %min3A_72 = arith.minsi %add3A_70, %min3A_71 : vector<16xi32>
        %broadcast_in_dim3A_73 = vector.shape_cast %min3A_72 : vector<16xi32> to vector<16x1xi32>
        %gather3A_74 = vector.shape_cast %broadcast_in_dim3A_73 : vector<16x1xi32> to vector<16xi32>
        %gather3A_75 = tpu.dynamic_gather %masked_sort3A_60[%gather3A_74] in [0] : vector<16xi32>, vector<16xi32> -> vector<16xi32>
        %eq3A_76 = arith.constant 0 : i32
        %eq3A_77 = vector.broadcast %eq3A_76 : i32 to vector<16xi32>
        %eq3A_78 = arith.cmpi eq, %iota3A, %eq3A_77 : vector<16xi32>
        %shift_right_arithmetic3A_79 = arith.constant 4 : i32
        %shift_right_arithmetic3A_80 = vector.broadcast %shift_right_arithmetic3A_79 : i32 to vector<16xi32>
        %shift_right_arithmetic3A_81 = arith.shrsi %gather3A_67, %shift_right_arithmetic3A_80 : vector<16xi32>
        %ne3A = arith.cmpi ne, %shift_right_arithmetic3A_62, %shift_right_arithmetic3A_81 : vector<16xi32>
        %or3A_82 = arith.ori %eq3A_78, %ne3A : vector<16xi1>
        %eq3A_83 = arith.constant 15 : i32
        %eq3A_84 = vector.broadcast %eq3A_83 : i32 to vector<16xi32>
        %eq3A_85 = arith.cmpi eq, %iota3A, %eq3A_84 : vector<16xi32>
        %shift_right_arithmetic3A_86 = arith.constant 4 : i32
        %shift_right_arithmetic3A_87 = vector.broadcast %shift_right_arithmetic3A_86 : i32 to vector<16xi32>
        %shift_right_arithmetic3A_88 = arith.shrsi %gather3A_75, %shift_right_arithmetic3A_87 : vector<16xi32>
        %ne3A_89 = arith.cmpi ne, %shift_right_arithmetic3A_62, %shift_right_arithmetic3A_88 : vector<16xi32>
        %or3A_90 = arith.ori %eq3A_85, %ne3A_89 : vector<16xi1>
        %jit3A = arith.constant 0 : i32
        %broadcast_in_dim3A_91 = vector.broadcast %jit3A : i32 to vector<16xi32>
        %select_n3A_92 = arith.select %or3A_82, %iota3A, %broadcast_in_dim3A_91 : vector<16xi1>, vector<16xi32>
        %broadcast_in_dim3A_93 = arith.constant true
        %broadcast_in_dim3A_94 = vector.broadcast %broadcast_in_dim3A_93 : i1 to vector<16xi1>
        %masked_cummax3A = arith.constant -2147483648 : i32
        %masked_cummax3A_95 = vector.broadcast %masked_cummax3A : i32 to vector<16xi32>
        %masked_cummax3A_96 = arith.xori %select_n3A_92, %masked_cummax3A_95 : vector<16xi32>
        %masked_cummax3A_97 = tpu.scan <max>, %masked_cummax3A_96 masked %broadcast_in_dim3A_94 : vector<16xi32>, vector<16xi1> -> vector<16xi32>
        %masked_cummax3A_98 = arith.xori %masked_cummax3A_97, %masked_cummax3A_95 : vector<16xi32>
        %sub3A_99 = arith.subi %iota3A, %masked_cummax3A_98 : vector<16xi32>
        %add3A_100 = arith.constant 1 : i32
        %add3A_101 = vector.broadcast %add3A_100 : i32 to vector<16xi32>
        %add3A_102 = arith.addi %sub3A_99, %add3A_101 : vector<16xi32>
        tpu.vector_store_idx %arg4[%shift_right_arithmetic3A_62], %add3A_102 masked %or3A_90 {add = true} : memref<65536xi32, #tpu.memory_space<vmem>>[vector<16xi32>], vector<16xi32>, vector<16xi1>
      }
      %scan3A_35 = arith.constant 500 : i32
    }
    %scan3A_13 = arith.constant 125 : i32
    %scan3A_14 = arith.constant 0 : i32
    %scan3A_15 = arith.constant 0 : i32
    %scan3A_16 = arith.constant 4096 : i32
    %scan3A_17 = arith.addi %scan3A_15, %scan3A_16 : i32
    %scan3A_18 = arith.constant 1 : i32
    %scan3A_19 = scf.for %scan3A_27 = %scan3A_15 to %scan3A_17 step %scan3A_18 iter_args(%scan3A_28 = %scan3A_14) -> (i32)  : i32 {
      %mul3A_29 = arith.constant 16 : i32
      %mul3A_30 = arith.muli %scan3A_27, %mul3A_29 : i32
      %get3A = arith.index_cast %mul3A_30 : i32 to index
      %get3A_31 = tpu.vector_load %arg4[%get3A] {strides = array<i32>} : memref<65536xi32, #tpu.memory_space<vmem>>, vector<16xi32>,
      %broadcast_in_dim3A = arith.constant true
      %broadcast_in_dim3A_32 = vector.broadcast %broadcast_in_dim3A : i1 to vector<16xi1>
      %masked_cumsum3A = tpu.scan <sum>, %get3A_31 masked %broadcast_in_dim3A_32 : vector<16xi32>, vector<16xi1> -> vector<16xi32>
      %sub3A = arith.subi %masked_cumsum3A, %get3A_31 : vector<16xi32>
      %add3A_33 = vector.broadcast %scan3A_28 : i32 to vector<16xi32>
      %add3A_34 = arith.addi %sub3A, %add3A_33 : vector<16xi32>
      %mul3A_35 = arith.constant 16 : i32
      %mul3A_36 = arith.muli %scan3A_27, %mul3A_35 : i32
      %swap3A = arith.index_cast %mul3A_36 : i32 to index
      %swap3A_37 = tpu.vector_load %arg4[%swap3A] {strides = array<i32>} : memref<65536xi32, #tpu.memory_space<vmem>>, vector<16xi32>,
      tpu.vector_store %arg4[%swap3A], %add3A_34 {strides = array<i32>} : memref<65536xi32, #tpu.memory_space<vmem>>, vector<16xi32>,
      %reduce_sum3A = arith.constant true
      %reduce_sum3A_38 = vector.broadcast %reduce_sum3A : i1 to vector<16xi1>
      %reduce_sum3A_39 = tpu.scan <sum>, %get3A_31 masked %reduce_sum3A_38 : vector<16xi32>, vector<16xi1> -> vector<16xi32>
      %reduce_sum3A_40 = vector.extract %reduce_sum3A_39[15] : i32 from vector<16xi32>
      %add3A_41 = arith.addi %scan3A_28, %reduce_sum3A_40 : i32
      scf.yield %add3A_41 : i32
    }
    %scan3A_20 = arith.constant 4096 : i32
    %scan3A_21 = arith.constant 0 : i32
    %scan3A_22 = arith.constant 0 : i32
    %scan3A_23 = arith.constant 125 : i32
    %scan3A_24 = arith.addi %scan3A_22, %scan3A_23 : i32
    %scan3A_25 = arith.constant 1 : i32
    scf.for %scan3A_27 = %scan3A_22 to %scan3A_24 step %scan3A_25  : i32 {
      %mul3A_28 = arith.constant 8000 : i32
      %mul3A_29 = arith.muli %scan3A_27, %mul3A_28 : i32
      %add3A_30 = arith.addi %mul3A_2, %mul3A_29 : i32
      "tpu.region"() ({
        %run_scoped3A = tpu.sem_alloc : memref<!tpu.dma_semaphore, #tpu.memory_space<semaphore_mem>>
        %dma_start3A_39 = tpu.memref_slice %arg2[%add3A_30] : memref<32000000xf32, #tpu.memory_space<hbm>> -> memref<8000xf32, #tpu.memory_space<hbm>>
        %dma_start3A_40 = tpu.memref_slice %arg2[%add3A_30] : memref<32000000xf32, #tpu.memory_space<hbm>> -> memref<8000xf32, #tpu.memory_space<hbm>>
        tpu.enqueue_dma source(%dma_start3A_40 : memref<8000xf32, #tpu.memory_space<hbm>>) target(%arg5 : memref<8000xf32, #tpu.memory_space<vmem>>) target_semaphore(%run_scoped3A : memref<!tpu.dma_semaphore, #tpu.memory_space<semaphore_mem>>)
        %dma_wait3A_41 = tpu.memref_slice %arg2[%add3A_30] : memref<32000000xf32, #tpu.memory_space<hbm>> -> memref<8000xf32, #tpu.memory_space<hbm>>
        %dma_wait3A_42 = tpu.memref_slice %arg2[%add3A_30] : memref<32000000xf32, #tpu.memory_space<hbm>> -> memref<8000xf32, #tpu.memory_space<hbm>>
        tpu.wait_dma2 semaphore(%run_scoped3A : memref<!tpu.dma_semaphore, #tpu.memory_space<semaphore_mem>>) src(%dma_wait3A_42 : memref<8000xf32, #tpu.memory_space<hbm>>) dst(%arg5 : memref<8000xf32, #tpu.memory_space<vmem>>)
        tpu.yield
      }) : () -> ()
      %scan3A_31 = arith.constant 0 : i32
      %scan3A_32 = arith.constant 0 : i32
      %scan3A_33 = arith.constant 500 : i32
      %scan3A_34 = arith.addi %scan3A_32, %scan3A_33 : i32
      %scan3A_35 = arith.constant 1 : i32
      scf.for %scan3A_39 = %scan3A_32 to %scan3A_34 step %scan3A_35  : i32 {
        %mul3A_40 = arith.constant 16 : i32
        %mul3A_41 = arith.muli %scan3A_39, %mul3A_40 : i32
        %get3A = arith.index_cast %mul3A_41 : i32 to index
        %get3A_42 = tpu.vector_load %arg5[%get3A] {strides = array<i32>} : memref<8000xf32, #tpu.memory_space<vmem>>, vector<16xf32>,
        %bitcast3A = vector.bitcast %get3A_42 : vector<16xf32> to vector<16xi32>
        %shift_right_logical3A = arith.constant 31 : i32
        %shift_right_logical3A_43 = vector.broadcast %shift_right_logical3A : i32 to vector<16xi32>
        %shift_right_logical3A_44 = arith.shrui %bitcast3A, %shift_right_logical3A_43 : vector<16xi32>
        %eq3A = arith.constant 1 : i32
        %eq3A_45 = vector.broadcast %eq3A : i32 to vector<16xi32>
        %eq3A_46 = arith.cmpi eq, %shift_right_logical3A_44, %eq3A_45 : vector<16xi32>
        %not3A = arith.constant dense<-1> : vector<16xi32>
        %not3A_47 = arith.xori %bitcast3A, %not3A : vector<16xi32>
        %or3A = arith.constant -2147483648 : i32
        %or3A_48 = vector.broadcast %or3A : i32 to vector<16xi32>
        %or3A_49 = arith.ori %bitcast3A, %or3A_48 : vector<16xi32>
        %select_n3A = arith.select %eq3A_46, %not3A_47, %or3A_49 : vector<16xi1>, vector<16xi32>
        %not3A_50 = arith.constant dense<-1> : vector<16xi32>
        %not3A_51 = arith.xori %select_n3A, %not3A_50 : vector<16xi32>
        %and3A = arith.constant 65535 : i32
        %and3A_52 = vector.broadcast %and3A : i32 to vector<16xi32>
        %and3A_53 = arith.andi %not3A_51, %and3A_52 : vector<16xi32>
        %shift_left3A = arith.constant 4 : i32
        %shift_left3A_54 = vector.broadcast %shift_left3A : i32 to vector<16xi32>
        %shift_left3A_55 = arith.shli %and3A_53, %shift_left3A_54 : vector<16xi32>
        %or3A_56 = arith.ori %shift_left3A_55, %iota3A : vector<16xi32>
        %masked_sort3A = arith.constant dense<true> : vector<16xi1>
        %masked_sort3A_57 = arith.constant -2147483648 : i32
        %masked_sort3A_58 = vector.broadcast %masked_sort3A_57 : i32 to vector<16xi32>
        %masked_sort3A_59 = arith.xori %or3A_56, %masked_sort3A_58 : vector<16xi32>
        %masked_sort3A_60, %masked_sort3A_61, %masked_sort3A_62 = tpu.sort %masked_sort3A_59, %iota3A masked %masked_sort3A : (vector<16xi32>, vector<16xi32>, vector<16xi1>) -> (vector<16xi1>, vector<16xi32>, vector<16xi32>)
        %masked_sort3A_63 = arith.xori %masked_sort3A_61, %masked_sort3A_58 : vector<16xi32>
        %shift_right_arithmetic3A = arith.constant 4 : i32
        %shift_right_arithmetic3A_64 = vector.broadcast %shift_right_arithmetic3A : i32 to vector<16xi32>
        %shift_right_arithmetic3A_65 = arith.shrsi %masked_sort3A_63, %shift_right_arithmetic3A_64 : vector<16xi32>
        %sub3A = arith.constant 1 : i32
        %sub3A_66 = vector.broadcast %sub3A : i32 to vector<16xi32>
        %sub3A_67 = arith.subi %iota3A, %sub3A_66 : vector<16xi32>
        %max3A = arith.constant 0 : i32
        %max3A_68 = vector.broadcast %max3A : i32 to vector<16xi32>
        %max3A_69 = arith.maxsi %sub3A_67, %max3A_68 : vector<16xi32>
        %broadcast_in_dim3A = vector.shape_cast %max3A_69 : vector<16xi32> to vector<16x1xi32>
        %gather3A = vector.shape_cast %broadcast_in_dim3A : vector<16x1xi32> to vector<16xi32>
        %gather3A_70 = tpu.dynamic_gather %masked_sort3A_63[%gather3A] in [0] : vector<16xi32>, vector<16xi32> -> vector<16xi32>
        %add3A_71 = arith.constant 1 : i32
        %add3A_72 = vector.broadcast %add3A_71 : i32 to vector<16xi32>
        %add3A_73 = arith.addi %iota3A, %add3A_72 : vector<16xi32>
        %min3A = arith.constant 15 : i32
        %min3A_74 = vector.broadcast %min3A : i32 to vector<16xi32>
        %min3A_75 = arith.minsi %add3A_73, %min3A_74 : vector<16xi32>
        %broadcast_in_dim3A_76 = vector.shape_cast %min3A_75 : vector<16xi32> to vector<16x1xi32>
        %gather3A_77 = vector.shape_cast %broadcast_in_dim3A_76 : vector<16x1xi32> to vector<16xi32>
        %gather3A_78 = tpu.dynamic_gather %masked_sort3A_63[%gather3A_77] in [0] : vector<16xi32>, vector<16xi32> -> vector<16xi32>
        %eq3A_79 = arith.constant 0 : i32
        %eq3A_80 = vector.broadcast %eq3A_79 : i32 to vector<16xi32>
        %eq3A_81 = arith.cmpi eq, %iota3A, %eq3A_80 : vector<16xi32>
        %shift_right_arithmetic3A_82 = arith.constant 4 : i32
        %shift_right_arithmetic3A_83 = vector.broadcast %shift_right_arithmetic3A_82 : i32 to vector<16xi32>
        %shift_right_arithmetic3A_84 = arith.shrsi %gather3A_70, %shift_right_arithmetic3A_83 : vector<16xi32>
        %ne3A = arith.cmpi ne, %shift_right_arithmetic3A_65, %shift_right_arithmetic3A_84 : vector<16xi32>
        %or3A_85 = arith.ori %eq3A_81, %ne3A : vector<16xi1>
        %eq3A_86 = arith.constant 15 : i32
        %eq3A_87 = vector.broadcast %eq3A_86 : i32 to vector<16xi32>
        %eq3A_88 = arith.cmpi eq, %iota3A, %eq3A_87 : vector<16xi32>
        %shift_right_arithmetic3A_89 = arith.constant 4 : i32
        %shift_right_arithmetic3A_90 = vector.broadcast %shift_right_arithmetic3A_89 : i32 to vector<16xi32>
        %shift_right_arithmetic3A_91 = arith.shrsi %gather3A_78, %shift_right_arithmetic3A_90 : vector<16xi32>
        %ne3A_92 = arith.cmpi ne, %shift_right_arithmetic3A_65, %shift_right_arithmetic3A_91 : vector<16xi32>
        %or3A_93 = arith.ori %eq3A_88, %ne3A_92 : vector<16xi1>
        %jit3A = arith.constant 0 : i32
        %broadcast_in_dim3A_94 = vector.broadcast %jit3A : i32 to vector<16xi32>
        %select_n3A_95 = arith.select %or3A_85, %iota3A, %broadcast_in_dim3A_94 : vector<16xi1>, vector<16xi32>
        %broadcast_in_dim3A_96 = arith.constant true
        %broadcast_in_dim3A_97 = vector.broadcast %broadcast_in_dim3A_96 : i1 to vector<16xi1>
        %masked_cummax3A = arith.constant -2147483648 : i32
        %masked_cummax3A_98 = vector.broadcast %masked_cummax3A : i32 to vector<16xi32>
        %masked_cummax3A_99 = arith.xori %select_n3A_95, %masked_cummax3A_98 : vector<16xi32>
        %masked_cummax3A_100 = tpu.scan <max>, %masked_cummax3A_99 masked %broadcast_in_dim3A_97 : vector<16xi32>, vector<16xi1> -> vector<16xi32>
        %masked_cummax3A_101 = arith.xori %masked_cummax3A_100, %masked_cummax3A_98 : vector<16xi32>
        %sub3A_102 = arith.subi %iota3A, %masked_cummax3A_101 : vector<16xi32>
        %gather3A_103 = tpu.vector_load_idx %arg4[%shift_right_arithmetic3A_65] : memref<65536xi32, #tpu.memory_space<vmem>>[vector<16xi32>], vector<16xi32>,
        %add3A_104 = arith.constant 1 : i32
        %add3A_105 = vector.broadcast %add3A_104 : i32 to vector<16xi32>
        %add3A_106 = arith.addi %sub3A_102, %add3A_105 : vector<16xi32>
        tpu.vector_store_idx %arg4[%shift_right_arithmetic3A_65], %add3A_106 masked %or3A_93 {add = true} : memref<65536xi32, #tpu.memory_space<vmem>>[vector<16xi32>], vector<16xi32>, vector<16xi1>
        %add3A_107 = arith.addi %gather3A_103, %sub3A_102 : vector<16xi32>
        tpu.vector_store_idx %arg8[%masked_sort3A_62], %add3A_107 : memref<16xi32, #tpu.memory_space<vmem>>[vector<16xi32>], vector<16xi32>,
        %get3A_108 = arith.constant 0 : index
        %get3A_109 = tpu.vector_load %arg8[%get3A_108] {strides = array<i32>} : memref<16xi32, #tpu.memory_space<vmem>>, vector<16xi32>,
        %add3A_110 = vector.broadcast %mul3A_2 : i32 to vector<16xi32>
        %add3A_111 = arith.addi %get3A_109, %add3A_110 : vector<16xi32>
        %mul3A_112 = arith.constant 16 : i32
        %mul3A_113 = arith.muli %scan3A_39, %mul3A_112 : i32
        %swap3A = arith.index_cast %mul3A_113 : i32 to index
        %swap3A_114 = tpu.vector_load %arg6[%swap3A] {strides = array<i32>} : memref<8000xi32, #tpu.memory_space<vmem>>, vector<16xi32>,
        tpu.vector_store %arg6[%swap3A], %add3A_111 {strides = array<i32>} : memref<8000xi32, #tpu.memory_space<vmem>>, vector<16xi32>,
        %mul3A_115 = arith.constant 16 : i32
        %mul3A_116 = arith.muli %scan3A_39, %mul3A_115 : i32
        %swap3A_117 = arith.index_cast %mul3A_116 : i32 to index
        %swap3A_118 = tpu.vector_load %arg7[%swap3A_117] {strides = array<i32>} : memref<8000xi32, #tpu.memory_space<vmem>>, vector<16xi32>,
        tpu.vector_store %arg7[%swap3A_117], %not3A_51 {strides = array<i32>} : memref<8000xi32, #tpu.memory_space<vmem>>, vector<16xi32>,
      }
      %scan3A_36 = arith.constant 500 : i32
      %dma_start3A = arith.constant 0 : i32
      %dma_start3A_37 = tpu.memref_slice %arg3[%dma_start3A] : memref<32000000xi32, #tpu.memory_space<hbm>> -> memref<32000000xi32, #tpu.memory_space<hbm>>
      tpu.enqueue_indirect_dma source(%arg7 : memref<8000xi32, #tpu.memory_space<vmem>>) target(%dma_start3A_37 : memref<32000000xi32, #tpu.memory_space<hbm>>) offsets(%arg6 : memref<8000xi32, #tpu.memory_space<vmem>>) semaphore(%arg9 : memref<!tpu.dma_semaphore, #tpu.memory_space<semaphore_mem>>)
      %dma_wait3A = arith.constant 0 : i32
      %dma_wait3A_38 = tpu.memref_slice %arg3[%dma_wait3A] : memref<32000000xi32, #tpu.memory_space<hbm>> -> memref<32000000xi32, #tpu.memory_space<hbm>>
      tpu.wait_indirect_dma semaphore(%arg9 : memref<!tpu.dma_semaphore, #tpu.memory_space<semaphore_mem>>) src(%arg7 : memref<8000xi32, #tpu.memory_space<vmem>>) dst(%dma_wait3A_38 : memref<32000000xi32, #tpu.memory_space<hbm>>)
    }
    %scan3A_26 = arith.constant 125 : i32
    return
  }
}

#map = affine_map<(d0, d1) -> (0)>
module attributes {stable_mosaic.version = 14 : i64} {
  func.func @body(%arg0: i32, %arg1: i32, %arg2: memref<32000000xi32, #tpu.memory_space<hbm>>, %arg3: memref<32000000xi32, #tpu.memory_space<hbm>>, %arg4: memref<65536xi32, #tpu.memory_space<vmem>>, %arg5: memref<8000xi32, #tpu.memory_space<vmem>>, %arg6: memref<8000xi32, #tpu.memory_space<vmem>>, %arg7: memref<8000xi32, #tpu.memory_space<vmem>>, %arg8: memref<16xi32, #tpu.memory_space<vmem>>, %arg9: memref<!tpu.dma_semaphore, #tpu.memory_space<semaphore_mem>>) attributes {dimension_semantics = [#tpu.dimension_semantics<core_parallel>, #tpu.dimension_semantics<subcore_parallel>], iteration_bounds = array<i64: 2, 16>, scalar_prefetch = 0 : i64, scratch_operands = 6 : i64, tpu.core_type = #tpu.core_type<sc_vector_subcore>, window_params = [{transform_indices = #map}, {transform_indices = #map}]} {
    %mul3A = arith.constant 16 : i32
    %mul3A_0 = arith.muli %arg0, %mul3A : i32
    %add3A = arith.addi %mul3A_0, %arg1 : i32
    %mul3A_1 = arith.constant 1000000 : i32
    %mul3A_2 = arith.muli %add3A, %mul3A_1 : i32
    %iota3A = tpu.iota {dimensions = array<i32: 0>} : vector<16xi32>
    %scan3A = arith.constant 0 : i32
    %scan3A_3 = arith.constant 0 : i32
    %scan3A_4 = arith.constant 4096 : i32
    %scan3A_5 = arith.addi %scan3A_3, %scan3A_4 : i32
    %scan3A_6 = arith.constant 1 : i32
    scf.for %scan3A_27 = %scan3A_3 to %scan3A_5 step %scan3A_6  : i32 {
      %broadcast_in_dim3A = arith.constant 0 : i32
      %broadcast_in_dim3A_28 = vector.broadcast %broadcast_in_dim3A : i32 to vector<16xi32>
      %mul3A_29 = arith.constant 16 : i32
      %mul3A_30 = arith.muli %scan3A_27, %mul3A_29 : i32
      %swap3A = arith.index_cast %mul3A_30 : i32 to index
      %swap3A_31 = tpu.vector_load %arg4[%swap3A] {strides = array<i32>} : memref<65536xi32, #tpu.memory_space<vmem>>, vector<16xi32>,
      tpu.vector_store %arg4[%swap3A], %broadcast_in_dim3A_28 {strides = array<i32>} : memref<65536xi32, #tpu.memory_space<vmem>>, vector<16xi32>,
    }
    %scan3A_7 = arith.constant 4096 : i32
    %scan3A_8 = arith.constant 0 : i32
    %scan3A_9 = arith.constant 0 : i32
    %scan3A_10 = arith.constant 125 : i32
    %scan3A_11 = arith.addi %scan3A_9, %scan3A_10 : i32
    %scan3A_12 = arith.constant 1 : i32
    scf.for %scan3A_27 = %scan3A_9 to %scan3A_11 step %scan3A_12  : i32 {
      %mul3A_28 = arith.constant 8000 : i32
      %mul3A_29 = arith.muli %scan3A_27, %mul3A_28 : i32
      %add3A_30 = arith.addi %mul3A_2, %mul3A_29 : i32
      "tpu.region"() ({
        %run_scoped3A = tpu.sem_alloc : memref<!tpu.dma_semaphore, #tpu.memory_space<semaphore_mem>>
        %dma_start3A = tpu.memref_slice %arg2[%add3A_30] : memref<32000000xi32, #tpu.memory_space<hbm>> -> memref<8000xi32, #tpu.memory_space<hbm>>
        %dma_start3A_36 = tpu.memref_slice %arg2[%add3A_30] : memref<32000000xi32, #tpu.memory_space<hbm>> -> memref<8000xi32, #tpu.memory_space<hbm>>
        tpu.enqueue_dma source(%dma_start3A_36 : memref<8000xi32, #tpu.memory_space<hbm>>) target(%arg5 : memref<8000xi32, #tpu.memory_space<vmem>>) target_semaphore(%run_scoped3A : memref<!tpu.dma_semaphore, #tpu.memory_space<semaphore_mem>>)
        %dma_wait3A = tpu.memref_slice %arg2[%add3A_30] : memref<32000000xi32, #tpu.memory_space<hbm>> -> memref<8000xi32, #tpu.memory_space<hbm>>
        %dma_wait3A_37 = tpu.memref_slice %arg2[%add3A_30] : memref<32000000xi32, #tpu.memory_space<hbm>> -> memref<8000xi32, #tpu.memory_space<hbm>>
        tpu.wait_dma2 semaphore(%run_scoped3A : memref<!tpu.dma_semaphore, #tpu.memory_space<semaphore_mem>>) src(%dma_wait3A_37 : memref<8000xi32, #tpu.memory_space<hbm>>) dst(%arg5 : memref<8000xi32, #tpu.memory_space<vmem>>)
        tpu.yield
      }) : () -> ()
      %scan3A_31 = arith.constant 0 : i32
      %scan3A_32 = arith.constant 500 : i32
      %scan3A_33 = arith.addi %scan3A_31, %scan3A_32 : i32
      %scan3A_34 = arith.constant 1 : i32
      scf.for %scan3A_36 = %scan3A_31 to %scan3A_33 step %scan3A_34  : i32 {
        %mul3A_37 = arith.constant 16 : i32
        %mul3A_38 = arith.muli %scan3A_36, %mul3A_37 : i32
        %get3A = arith.index_cast %mul3A_38 : i32 to index
        %get3A_39 = tpu.vector_load %arg5[%get3A] {strides = array<i32>} : memref<8000xi32, #tpu.memory_space<vmem>>, vector<16xi32>,
        %shift_right_logical3A = arith.constant 16 : i32
        %shift_right_logical3A_40 = vector.broadcast %shift_right_logical3A : i32 to vector<16xi32>
        %shift_right_logical3A_41 = arith.shrui %get3A_39, %shift_right_logical3A_40 : vector<16xi32>
        %shift_left3A = arith.constant 4 : i32
        %shift_left3A_42 = vector.broadcast %shift_left3A : i32 to vector<16xi32>
        %shift_left3A_43 = arith.shli %shift_right_logical3A_41, %shift_left3A_42 : vector<16xi32>
        %or3A = arith.ori %shift_left3A_43, %iota3A : vector<16xi32>
        %masked_sort3A = arith.constant dense<true> : vector<16xi1>
        %masked_sort3A_44 = arith.constant -2147483648 : i32
        %masked_sort3A_45 = vector.broadcast %masked_sort3A_44 : i32 to vector<16xi32>
        %masked_sort3A_46 = arith.xori %or3A, %masked_sort3A_45 : vector<16xi32>
        %masked_sort3A_47, %masked_sort3A_48, %masked_sort3A_49 = tpu.sort %masked_sort3A_46, %iota3A masked %masked_sort3A : (vector<16xi32>, vector<16xi32>, vector<16xi1>) -> (vector<16xi1>, vector<16xi32>, vector<16xi32>)
        %masked_sort3A_50 = arith.xori %masked_sort3A_48, %masked_sort3A_45 : vector<16xi32>
        %shift_right_arithmetic3A = arith.constant 4 : i32
        %shift_right_arithmetic3A_51 = vector.broadcast %shift_right_arithmetic3A : i32 to vector<16xi32>
        %shift_right_arithmetic3A_52 = arith.shrsi %masked_sort3A_50, %shift_right_arithmetic3A_51 : vector<16xi32>
        %sub3A = arith.constant 1 : i32
        %sub3A_53 = vector.broadcast %sub3A : i32 to vector<16xi32>
        %sub3A_54 = arith.subi %iota3A, %sub3A_53 : vector<16xi32>
        %max3A = arith.constant 0 : i32
        %max3A_55 = vector.broadcast %max3A : i32 to vector<16xi32>
        %max3A_56 = arith.maxsi %sub3A_54, %max3A_55 : vector<16xi32>
        %broadcast_in_dim3A = vector.shape_cast %max3A_56 : vector<16xi32> to vector<16x1xi32>
        %gather3A = vector.shape_cast %broadcast_in_dim3A : vector<16x1xi32> to vector<16xi32>
        %gather3A_57 = tpu.dynamic_gather %masked_sort3A_50[%gather3A] in [0] : vector<16xi32>, vector<16xi32> -> vector<16xi32>
        %add3A_58 = arith.constant 1 : i32
        %add3A_59 = vector.broadcast %add3A_58 : i32 to vector<16xi32>
        %add3A_60 = arith.addi %iota3A, %add3A_59 : vector<16xi32>
        %min3A = arith.constant 15 : i32
        %min3A_61 = vector.broadcast %min3A : i32 to vector<16xi32>
        %min3A_62 = arith.minsi %add3A_60, %min3A_61 : vector<16xi32>
        %broadcast_in_dim3A_63 = vector.shape_cast %min3A_62 : vector<16xi32> to vector<16x1xi32>
        %gather3A_64 = vector.shape_cast %broadcast_in_dim3A_63 : vector<16x1xi32> to vector<16xi32>
        %gather3A_65 = tpu.dynamic_gather %masked_sort3A_50[%gather3A_64] in [0] : vector<16xi32>, vector<16xi32> -> vector<16xi32>
        %eq3A = arith.constant 0 : i32
        %eq3A_66 = vector.broadcast %eq3A : i32 to vector<16xi32>
        %eq3A_67 = arith.cmpi eq, %iota3A, %eq3A_66 : vector<16xi32>
        %shift_right_arithmetic3A_68 = arith.constant 4 : i32
        %shift_right_arithmetic3A_69 = vector.broadcast %shift_right_arithmetic3A_68 : i32 to vector<16xi32>
        %shift_right_arithmetic3A_70 = arith.shrsi %gather3A_57, %shift_right_arithmetic3A_69 : vector<16xi32>
        %ne3A = arith.cmpi ne, %shift_right_arithmetic3A_52, %shift_right_arithmetic3A_70 : vector<16xi32>
        %or3A_71 = arith.ori %eq3A_67, %ne3A : vector<16xi1>
        %eq3A_72 = arith.constant 15 : i32
        %eq3A_73 = vector.broadcast %eq3A_72 : i32 to vector<16xi32>
        %eq3A_74 = arith.cmpi eq, %iota3A, %eq3A_73 : vector<16xi32>
        %shift_right_arithmetic3A_75 = arith.constant 4 : i32
        %shift_right_arithmetic3A_76 = vector.broadcast %shift_right_arithmetic3A_75 : i32 to vector<16xi32>
        %shift_right_arithmetic3A_77 = arith.shrsi %gather3A_65, %shift_right_arithmetic3A_76 : vector<16xi32>
        %ne3A_78 = arith.cmpi ne, %shift_right_arithmetic3A_52, %shift_right_arithmetic3A_77 : vector<16xi32>
        %or3A_79 = arith.ori %eq3A_74, %ne3A_78 : vector<16xi1>
        %jit3A = arith.constant 0 : i32
        %broadcast_in_dim3A_80 = vector.broadcast %jit3A : i32 to vector<16xi32>
        %select_n3A = arith.select %or3A_71, %iota3A, %broadcast_in_dim3A_80 : vector<16xi1>, vector<16xi32>
        %broadcast_in_dim3A_81 = arith.constant true
        %broadcast_in_dim3A_82 = vector.broadcast %broadcast_in_dim3A_81 : i1 to vector<16xi1>
        %masked_cummax3A = arith.constant -2147483648 : i32
        %masked_cummax3A_83 = vector.broadcast %masked_cummax3A : i32 to vector<16xi32>
        %masked_cummax3A_84 = arith.xori %select_n3A, %masked_cummax3A_83 : vector<16xi32>
        %masked_cummax3A_85 = tpu.scan <max>, %masked_cummax3A_84 masked %broadcast_in_dim3A_82 : vector<16xi32>, vector<16xi1> -> vector<16xi32>
        %masked_cummax3A_86 = arith.xori %masked_cummax3A_85, %masked_cummax3A_83 : vector<16xi32>
        %sub3A_87 = arith.subi %iota3A, %masked_cummax3A_86 : vector<16xi32>
        %add3A_88 = arith.constant 1 : i32
        %add3A_89 = vector.broadcast %add3A_88 : i32 to vector<16xi32>
        %add3A_90 = arith.addi %sub3A_87, %add3A_89 : vector<16xi32>
        tpu.vector_store_idx %arg4[%shift_right_arithmetic3A_52], %add3A_90 masked %or3A_79 {add = true} : memref<65536xi32, #tpu.memory_space<vmem>>[vector<16xi32>], vector<16xi32>, vector<16xi1>
      }
      %scan3A_35 = arith.constant 500 : i32
    }
    %scan3A_13 = arith.constant 125 : i32
    %scan3A_14 = arith.constant 0 : i32
    %scan3A_15 = arith.constant 0 : i32
    %scan3A_16 = arith.constant 4096 : i32
    %scan3A_17 = arith.addi %scan3A_15, %scan3A_16 : i32
    %scan3A_18 = arith.constant 1 : i32
    %scan3A_19 = scf.for %scan3A_27 = %scan3A_15 to %scan3A_17 step %scan3A_18 iter_args(%scan3A_28 = %scan3A_14) -> (i32)  : i32 {
      %mul3A_29 = arith.constant 16 : i32
      %mul3A_30 = arith.muli %scan3A_27, %mul3A_29 : i32
      %get3A = arith.index_cast %mul3A_30 : i32 to index
      %get3A_31 = tpu.vector_load %arg4[%get3A] {strides = array<i32>} : memref<65536xi32, #tpu.memory_space<vmem>>, vector<16xi32>,
      %broadcast_in_dim3A = arith.constant true
      %broadcast_in_dim3A_32 = vector.broadcast %broadcast_in_dim3A : i1 to vector<16xi1>
      %masked_cumsum3A = tpu.scan <sum>, %get3A_31 masked %broadcast_in_dim3A_32 : vector<16xi32>, vector<16xi1> -> vector<16xi32>
      %sub3A = arith.subi %masked_cumsum3A, %get3A_31 : vector<16xi32>
      %add3A_33 = vector.broadcast %scan3A_28 : i32 to vector<16xi32>
      %add3A_34 = arith.addi %sub3A, %add3A_33 : vector<16xi32>
      %mul3A_35 = arith.constant 16 : i32
      %mul3A_36 = arith.muli %scan3A_27, %mul3A_35 : i32
      %swap3A = arith.index_cast %mul3A_36 : i32 to index
      %swap3A_37 = tpu.vector_load %arg4[%swap3A] {strides = array<i32>} : memref<65536xi32, #tpu.memory_space<vmem>>, vector<16xi32>,
      tpu.vector_store %arg4[%swap3A], %add3A_34 {strides = array<i32>} : memref<65536xi32, #tpu.memory_space<vmem>>, vector<16xi32>,
      %reduce_sum3A = arith.constant true
      %reduce_sum3A_38 = vector.broadcast %reduce_sum3A : i1 to vector<16xi1>
      %reduce_sum3A_39 = tpu.scan <sum>, %get3A_31 masked %reduce_sum3A_38 : vector<16xi32>, vector<16xi1> -> vector<16xi32>
      %reduce_sum3A_40 = vector.extract %reduce_sum3A_39[15] : i32 from vector<16xi32>
      %add3A_41 = arith.addi %scan3A_28, %reduce_sum3A_40 : i32
      scf.yield %add3A_41 : i32
    }
    %scan3A_20 = arith.constant 4096 : i32
    %scan3A_21 = arith.constant 0 : i32
    %scan3A_22 = arith.constant 0 : i32
    %scan3A_23 = arith.constant 125 : i32
    %scan3A_24 = arith.addi %scan3A_22, %scan3A_23 : i32
    %scan3A_25 = arith.constant 1 : i32
    scf.for %scan3A_27 = %scan3A_22 to %scan3A_24 step %scan3A_25  : i32 {
      %mul3A_28 = arith.constant 8000 : i32
      %mul3A_29 = arith.muli %scan3A_27, %mul3A_28 : i32
      %add3A_30 = arith.addi %mul3A_2, %mul3A_29 : i32
      "tpu.region"() ({
        %run_scoped3A = tpu.sem_alloc : memref<!tpu.dma_semaphore, #tpu.memory_space<semaphore_mem>>
        %dma_start3A_39 = tpu.memref_slice %arg2[%add3A_30] : memref<32000000xi32, #tpu.memory_space<hbm>> -> memref<8000xi32, #tpu.memory_space<hbm>>
        %dma_start3A_40 = tpu.memref_slice %arg2[%add3A_30] : memref<32000000xi32, #tpu.memory_space<hbm>> -> memref<8000xi32, #tpu.memory_space<hbm>>
        tpu.enqueue_dma source(%dma_start3A_40 : memref<8000xi32, #tpu.memory_space<hbm>>) target(%arg5 : memref<8000xi32, #tpu.memory_space<vmem>>) target_semaphore(%run_scoped3A : memref<!tpu.dma_semaphore, #tpu.memory_space<semaphore_mem>>)
        %dma_wait3A_41 = tpu.memref_slice %arg2[%add3A_30] : memref<32000000xi32, #tpu.memory_space<hbm>> -> memref<8000xi32, #tpu.memory_space<hbm>>
        %dma_wait3A_42 = tpu.memref_slice %arg2[%add3A_30] : memref<32000000xi32, #tpu.memory_space<hbm>> -> memref<8000xi32, #tpu.memory_space<hbm>>
        tpu.wait_dma2 semaphore(%run_scoped3A : memref<!tpu.dma_semaphore, #tpu.memory_space<semaphore_mem>>) src(%dma_wait3A_42 : memref<8000xi32, #tpu.memory_space<hbm>>) dst(%arg5 : memref<8000xi32, #tpu.memory_space<vmem>>)
        tpu.yield
      }) : () -> ()
      %scan3A_31 = arith.constant 0 : i32
      %scan3A_32 = arith.constant 0 : i32
      %scan3A_33 = arith.constant 500 : i32
      %scan3A_34 = arith.addi %scan3A_32, %scan3A_33 : i32
      %scan3A_35 = arith.constant 1 : i32
      scf.for %scan3A_39 = %scan3A_32 to %scan3A_34 step %scan3A_35  : i32 {
        %mul3A_40 = arith.constant 16 : i32
        %mul3A_41 = arith.muli %scan3A_39, %mul3A_40 : i32
        %get3A = arith.index_cast %mul3A_41 : i32 to index
        %get3A_42 = tpu.vector_load %arg5[%get3A] {strides = array<i32>} : memref<8000xi32, #tpu.memory_space<vmem>>, vector<16xi32>,
        %shift_right_logical3A = arith.constant 16 : i32
        %shift_right_logical3A_43 = vector.broadcast %shift_right_logical3A : i32 to vector<16xi32>
        %shift_right_logical3A_44 = arith.shrui %get3A_42, %shift_right_logical3A_43 : vector<16xi32>
        %shift_left3A = arith.constant 4 : i32
        %shift_left3A_45 = vector.broadcast %shift_left3A : i32 to vector<16xi32>
        %shift_left3A_46 = arith.shli %shift_right_logical3A_44, %shift_left3A_45 : vector<16xi32>
        %or3A = arith.ori %shift_left3A_46, %iota3A : vector<16xi32>
        %masked_sort3A = arith.constant dense<true> : vector<16xi1>
        %masked_sort3A_47 = arith.constant -2147483648 : i32
        %masked_sort3A_48 = vector.broadcast %masked_sort3A_47 : i32 to vector<16xi32>
        %masked_sort3A_49 = arith.xori %or3A, %masked_sort3A_48 : vector<16xi32>
        %masked_sort3A_50, %masked_sort3A_51, %masked_sort3A_52 = tpu.sort %masked_sort3A_49, %iota3A masked %masked_sort3A : (vector<16xi32>, vector<16xi32>, vector<16xi1>) -> (vector<16xi1>, vector<16xi32>, vector<16xi32>)
        %masked_sort3A_53 = arith.xori %masked_sort3A_51, %masked_sort3A_48 : vector<16xi32>
        %shift_right_arithmetic3A = arith.constant 4 : i32
        %shift_right_arithmetic3A_54 = vector.broadcast %shift_right_arithmetic3A : i32 to vector<16xi32>
        %shift_right_arithmetic3A_55 = arith.shrsi %masked_sort3A_53, %shift_right_arithmetic3A_54 : vector<16xi32>
        %sub3A = arith.constant 1 : i32
        %sub3A_56 = vector.broadcast %sub3A : i32 to vector<16xi32>
        %sub3A_57 = arith.subi %iota3A, %sub3A_56 : vector<16xi32>
        %max3A = arith.constant 0 : i32
        %max3A_58 = vector.broadcast %max3A : i32 to vector<16xi32>
        %max3A_59 = arith.maxsi %sub3A_57, %max3A_58 : vector<16xi32>
        %broadcast_in_dim3A = vector.shape_cast %max3A_59 : vector<16xi32> to vector<16x1xi32>
        %gather3A = vector.shape_cast %broadcast_in_dim3A : vector<16x1xi32> to vector<16xi32>
        %gather3A_60 = tpu.dynamic_gather %masked_sort3A_53[%gather3A] in [0] : vector<16xi32>, vector<16xi32> -> vector<16xi32>
        %add3A_61 = arith.constant 1 : i32
        %add3A_62 = vector.broadcast %add3A_61 : i32 to vector<16xi32>
        %add3A_63 = arith.addi %iota3A, %add3A_62 : vector<16xi32>
        %min3A = arith.constant 15 : i32
        %min3A_64 = vector.broadcast %min3A : i32 to vector<16xi32>
        %min3A_65 = arith.minsi %add3A_63, %min3A_64 : vector<16xi32>
        %broadcast_in_dim3A_66 = vector.shape_cast %min3A_65 : vector<16xi32> to vector<16x1xi32>
        %gather3A_67 = vector.shape_cast %broadcast_in_dim3A_66 : vector<16x1xi32> to vector<16xi32>
        %gather3A_68 = tpu.dynamic_gather %masked_sort3A_53[%gather3A_67] in [0] : vector<16xi32>, vector<16xi32> -> vector<16xi32>
        %eq3A = arith.constant 0 : i32
        %eq3A_69 = vector.broadcast %eq3A : i32 to vector<16xi32>
        %eq3A_70 = arith.cmpi eq, %iota3A, %eq3A_69 : vector<16xi32>
        %shift_right_arithmetic3A_71 = arith.constant 4 : i32
        %shift_right_arithmetic3A_72 = vector.broadcast %shift_right_arithmetic3A_71 : i32 to vector<16xi32>
        %shift_right_arithmetic3A_73 = arith.shrsi %gather3A_60, %shift_right_arithmetic3A_72 : vector<16xi32>
        %ne3A = arith.cmpi ne, %shift_right_arithmetic3A_55, %shift_right_arithmetic3A_73 : vector<16xi32>
        %or3A_74 = arith.ori %eq3A_70, %ne3A : vector<16xi1>
        %eq3A_75 = arith.constant 15 : i32
        %eq3A_76 = vector.broadcast %eq3A_75 : i32 to vector<16xi32>
        %eq3A_77 = arith.cmpi eq, %iota3A, %eq3A_76 : vector<16xi32>
        %shift_right_arithmetic3A_78 = arith.constant 4 : i32
        %shift_right_arithmetic3A_79 = vector.broadcast %shift_right_arithmetic3A_78 : i32 to vector<16xi32>
        %shift_right_arithmetic3A_80 = arith.shrsi %gather3A_68, %shift_right_arithmetic3A_79 : vector<16xi32>
        %ne3A_81 = arith.cmpi ne, %shift_right_arithmetic3A_55, %shift_right_arithmetic3A_80 : vector<16xi32>
        %or3A_82 = arith.ori %eq3A_77, %ne3A_81 : vector<16xi1>
        %jit3A = arith.constant 0 : i32
        %broadcast_in_dim3A_83 = vector.broadcast %jit3A : i32 to vector<16xi32>
        %select_n3A = arith.select %or3A_74, %iota3A, %broadcast_in_dim3A_83 : vector<16xi1>, vector<16xi32>
        %broadcast_in_dim3A_84 = arith.constant true
        %broadcast_in_dim3A_85 = vector.broadcast %broadcast_in_dim3A_84 : i1 to vector<16xi1>
        %masked_cummax3A = arith.constant -2147483648 : i32
        %masked_cummax3A_86 = vector.broadcast %masked_cummax3A : i32 to vector<16xi32>
        %masked_cummax3A_87 = arith.xori %select_n3A, %masked_cummax3A_86 : vector<16xi32>
        %masked_cummax3A_88 = tpu.scan <max>, %masked_cummax3A_87 masked %broadcast_in_dim3A_85 : vector<16xi32>, vector<16xi1> -> vector<16xi32>
        %masked_cummax3A_89 = arith.xori %masked_cummax3A_88, %masked_cummax3A_86 : vector<16xi32>
        %sub3A_90 = arith.subi %iota3A, %masked_cummax3A_89 : vector<16xi32>
        %gather3A_91 = tpu.vector_load_idx %arg4[%shift_right_arithmetic3A_55] : memref<65536xi32, #tpu.memory_space<vmem>>[vector<16xi32>], vector<16xi32>,
        %add3A_92 = arith.constant 1 : i32
        %add3A_93 = vector.broadcast %add3A_92 : i32 to vector<16xi32>
        %add3A_94 = arith.addi %sub3A_90, %add3A_93 : vector<16xi32>
        tpu.vector_store_idx %arg4[%shift_right_arithmetic3A_55], %add3A_94 masked %or3A_82 {add = true} : memref<65536xi32, #tpu.memory_space<vmem>>[vector<16xi32>], vector<16xi32>, vector<16xi1>
        %add3A_95 = arith.addi %gather3A_91, %sub3A_90 : vector<16xi32>
        tpu.vector_store_idx %arg8[%masked_sort3A_52], %add3A_95 : memref<16xi32, #tpu.memory_space<vmem>>[vector<16xi32>], vector<16xi32>,
        %get3A_96 = arith.constant 0 : index
        %get3A_97 = tpu.vector_load %arg8[%get3A_96] {strides = array<i32>} : memref<16xi32, #tpu.memory_space<vmem>>, vector<16xi32>,
        %add3A_98 = vector.broadcast %mul3A_2 : i32 to vector<16xi32>
        %add3A_99 = arith.addi %get3A_97, %add3A_98 : vector<16xi32>
        %mul3A_100 = arith.constant 16 : i32
        %mul3A_101 = arith.muli %scan3A_39, %mul3A_100 : i32
        %swap3A = arith.index_cast %mul3A_101 : i32 to index
        %swap3A_102 = tpu.vector_load %arg6[%swap3A] {strides = array<i32>} : memref<8000xi32, #tpu.memory_space<vmem>>, vector<16xi32>,
        tpu.vector_store %arg6[%swap3A], %add3A_99 {strides = array<i32>} : memref<8000xi32, #tpu.memory_space<vmem>>, vector<16xi32>,
        %mul3A_103 = arith.constant 16 : i32
        %mul3A_104 = arith.muli %scan3A_39, %mul3A_103 : i32
        %swap3A_105 = arith.index_cast %mul3A_104 : i32 to index
        %swap3A_106 = tpu.vector_load %arg7[%swap3A_105] {strides = array<i32>} : memref<8000xi32, #tpu.memory_space<vmem>>, vector<16xi32>,
        tpu.vector_store %arg7[%swap3A_105], %get3A_42 {strides = array<i32>} : memref<8000xi32, #tpu.memory_space<vmem>>, vector<16xi32>,
      }
      %scan3A_36 = arith.constant 500 : i32
      %dma_start3A = arith.constant 0 : i32
      %dma_start3A_37 = tpu.memref_slice %arg3[%dma_start3A] : memref<32000000xi32, #tpu.memory_space<hbm>> -> memref<32000000xi32, #tpu.memory_space<hbm>>
      tpu.enqueue_indirect_dma source(%arg7 : memref<8000xi32, #tpu.memory_space<vmem>>) target(%dma_start3A_37 : memref<32000000xi32, #tpu.memory_space<hbm>>) offsets(%arg6 : memref<8000xi32, #tpu.memory_space<vmem>>) semaphore(%arg9 : memref<!tpu.dma_semaphore, #tpu.memory_space<semaphore_mem>>)
      %dma_wait3A = arith.constant 0 : i32
      %dma_wait3A_38 = tpu.memref_slice %arg3[%dma_wait3A] : memref<32000000xi32, #tpu.memory_space<hbm>> -> memref<32000000xi32, #tpu.memory_space<hbm>>
      tpu.wait_indirect_dma semaphore(%arg9 : memref<!tpu.dma_semaphore, #tpu.memory_space<semaphore_mem>>) src(%arg7 : memref<8000xi32, #tpu.memory_space<vmem>>) dst(%dma_wait3A_38 : memref<32000000xi32, #tpu.memory_space<hbm>>)
    }
    %scan3A_26 = arith.constant 125 : i32
    return
  }
}

module attributes {stable_mosaic.version = 14 : i64} {
  func.func @_gumbel_body(%arg0: i32, %arg1: memref<8x16000xf32, #tpu.memory_space<vmem>>) attributes {dimension_semantics = [#tpu.dimension_semantics<arbitrary>], iteration_bounds = array<i64: 250>, scalar_prefetch = 0 : i64, scratch_operands = 0 : i64, tpu.core_type = #tpu.core_type<tc>, window_params = [{transform_indices = @transform_0, window_bounds = array<i64: 8, 16000>}]} {
    %iota3A = tpu.iota {dimensions = array<i32: 0>} : vector<8x16000xi32>
    %iota3A_0 = tpu.iota {dimensions = array<i32: 1>} : vector<8x16000xi32>
    %mul3A = arith.constant 128000 : i32
    %mul3A_1 = arith.muli %arg0, %mul3A : i32
    %mul3A_2 = arith.constant 16000 : i32
    %mul3A_3 = vector.broadcast %mul3A_2 : i32 to vector<8x16000xi32>
    %mul3A_4 = arith.muli %iota3A, %mul3A_3 : vector<8x16000xi32>
    %add3A = vector.broadcast %mul3A_1 : i32 to vector<8x16000xi32>
    %add3A_5 = arith.addi %add3A, %mul3A_4 : vector<8x16000xi32>
    %add3A_6 = arith.addi %add3A_5, %iota3A_0 : vector<8x16000xi32>
    %broadcast_in_dim3A = arith.constant 684292728 : i32
    %broadcast_in_dim3A_7 = vector.broadcast %broadcast_in_dim3A : i32 to vector<8x16000xi32>
    %add3A_8 = arith.constant 1995989849 : i32
    %add3A_9 = vector.broadcast %add3A_8 : i32 to vector<8x16000xi32>
    %add3A_10 = arith.addi %add3A_6, %add3A_9 : vector<8x16000xi32>
    %add3A_11 = arith.addi %broadcast_in_dim3A_7, %add3A_10 : vector<8x16000xi32>
    %shift_left3A = arith.constant 13 : i32
    %shift_left3A_12 = vector.broadcast %shift_left3A : i32 to vector<8x16000xi32>
    %shift_left3A_13 = arith.shli %add3A_10, %shift_left3A_12 : vector<8x16000xi32>
    %shift_right_logical3A = arith.constant 19 : i32
    %shift_right_logical3A_14 = vector.broadcast %shift_right_logical3A : i32 to vector<8x16000xi32>
    %shift_right_logical3A_15 = arith.shrui %add3A_10, %shift_right_logical3A_14 : vector<8x16000xi32>
    %or3A = arith.ori %shift_left3A_13, %shift_right_logical3A_15 : vector<8x16000xi32>
    %xor3A = arith.xori %or3A, %add3A_11 : vector<8x16000xi32>
    %add3A_16 = arith.addi %add3A_11, %xor3A : vector<8x16000xi32>
    %shift_left3A_17 = arith.constant 15 : i32
    %shift_left3A_18 = vector.broadcast %shift_left3A_17 : i32 to vector<8x16000xi32>
    %shift_left3A_19 = arith.shli %xor3A, %shift_left3A_18 : vector<8x16000xi32>
    %shift_right_logical3A_20 = arith.constant 17 : i32
    %shift_right_logical3A_21 = vector.broadcast %shift_right_logical3A_20 : i32 to vector<8x16000xi32>
    %shift_right_logical3A_22 = arith.shrui %xor3A, %shift_right_logical3A_21 : vector<8x16000xi32>
    %or3A_23 = arith.ori %shift_left3A_19, %shift_right_logical3A_22 : vector<8x16000xi32>
    %xor3A_24 = arith.xori %or3A_23, %add3A_16 : vector<8x16000xi32>
    %add3A_25 = arith.addi %add3A_16, %xor3A_24 : vector<8x16000xi32>
    %shift_left3A_26 = arith.constant 26 : i32
    %shift_left3A_27 = vector.broadcast %shift_left3A_26 : i32 to vector<8x16000xi32>
    %shift_left3A_28 = arith.shli %xor3A_24, %shift_left3A_27 : vector<8x16000xi32>
    %shift_right_logical3A_29 = arith.constant 6 : i32
    %shift_right_logical3A_30 = vector.broadcast %shift_right_logical3A_29 : i32 to vector<8x16000xi32>
    %shift_right_logical3A_31 = arith.shrui %xor3A_24, %shift_right_logical3A_30 : vector<8x16000xi32>
    %or3A_32 = arith.ori %shift_left3A_28, %shift_right_logical3A_31 : vector<8x16000xi32>
    %xor3A_33 = arith.xori %or3A_32, %add3A_25 : vector<8x16000xi32>
    %add3A_34 = arith.addi %add3A_25, %xor3A_33 : vector<8x16000xi32>
    %shift_left3A_35 = arith.constant 6 : i32
    %shift_left3A_36 = vector.broadcast %shift_left3A_35 : i32 to vector<8x16000xi32>
    %shift_left3A_37 = arith.shli %xor3A_33, %shift_left3A_36 : vector<8x16000xi32>
    %shift_right_logical3A_38 = arith.constant 26 : i32
    %shift_right_logical3A_39 = vector.broadcast %shift_right_logical3A_38 : i32 to vector<8x16000xi32>
    %shift_right_logical3A_40 = arith.shrui %xor3A_33, %shift_right_logical3A_39 : vector<8x16000xi32>
    %or3A_41 = arith.ori %shift_left3A_37, %shift_right_logical3A_40 : vector<8x16000xi32>
    %xor3A_42 = arith.xori %or3A_41, %add3A_34 : vector<8x16000xi32>
    %add3A_43 = arith.constant 1995989849 : i32
    %add3A_44 = vector.broadcast %add3A_43 : i32 to vector<8x16000xi32>
    %add3A_45 = arith.addi %add3A_34, %add3A_44 : vector<8x16000xi32>
    %add3A_46 = arith.constant 1172308732 : i32
    %add3A_47 = vector.broadcast %add3A_46 : i32 to vector<8x16000xi32>
    %add3A_48 = arith.addi %xor3A_42, %add3A_47 : vector<8x16000xi32>
    %add3A_49 = arith.addi %add3A_45, %add3A_48 : vector<8x16000xi32>
    %shift_left3A_50 = arith.constant 17 : i32
    %shift_left3A_51 = vector.broadcast %shift_left3A_50 : i32 to vector<8x16000xi32>
    %shift_left3A_52 = arith.shli %add3A_48, %shift_left3A_51 : vector<8x16000xi32>
    %shift_right_logical3A_53 = arith.constant 15 : i32
    %shift_right_logical3A_54 = vector.broadcast %shift_right_logical3A_53 : i32 to vector<8x16000xi32>
    %shift_right_logical3A_55 = arith.shrui %add3A_48, %shift_right_logical3A_54 : vector<8x16000xi32>
    %or3A_56 = arith.ori %shift_left3A_52, %shift_right_logical3A_55 : vector<8x16000xi32>
    %xor3A_57 = arith.xori %or3A_56, %add3A_49 : vector<8x16000xi32>
    %add3A_58 = arith.addi %add3A_49, %xor3A_57 : vector<8x16000xi32>
    %shift_left3A_59 = arith.constant 29 : i32
    %shift_left3A_60 = vector.broadcast %shift_left3A_59 : i32 to vector<8x16000xi32>
    %shift_left3A_61 = arith.shli %xor3A_57, %shift_left3A_60 : vector<8x16000xi32>
    %shift_right_logical3A_62 = arith.constant 3 : i32
    %shift_right_logical3A_63 = vector.broadcast %shift_right_logical3A_62 : i32 to vector<8x16000xi32>
    %shift_right_logical3A_64 = arith.shrui %xor3A_57, %shift_right_logical3A_63 : vector<8x16000xi32>
    %or3A_65 = arith.ori %shift_left3A_61, %shift_right_logical3A_64 : vector<8x16000xi32>
    %xor3A_66 = arith.xori %or3A_65, %add3A_58 : vector<8x16000xi32>
    %add3A_67 = arith.addi %add3A_58, %xor3A_66 : vector<8x16000xi32>
    %shift_left3A_68 = arith.constant 16 : i32
    %shift_left3A_69 = vector.broadcast %shift_left3A_68 : i32 to vector<8x16000xi32>
    %shift_left3A_70 = arith.shli %xor3A_66, %shift_left3A_69 : vector<8x16000xi32>
    %shift_right_logical3A_71 = arith.constant 16 : i32
    %shift_right_logical3A_72 = vector.broadcast %shift_right_logical3A_71 : i32 to vector<8x16000xi32>
    %shift_right_logical3A_73 = arith.shrui %xor3A_66, %shift_right_logical3A_72 : vector<8x16000xi32>
    %or3A_74 = arith.ori %shift_left3A_70, %shift_right_logical3A_73 : vector<8x16000xi32>
    %xor3A_75 = arith.xori %or3A_74, %add3A_67 : vector<8x16000xi32>
    %add3A_76 = arith.addi %add3A_67, %xor3A_75 : vector<8x16000xi32>
    %shift_left3A_77 = arith.constant 24 : i32
    %shift_left3A_78 = vector.broadcast %shift_left3A_77 : i32 to vector<8x16000xi32>
    %shift_left3A_79 = arith.shli %xor3A_75, %shift_left3A_78 : vector<8x16000xi32>
    %shift_right_logical3A_80 = arith.constant 8 : i32
    %shift_right_logical3A_81 = vector.broadcast %shift_right_logical3A_80 : i32 to vector<8x16000xi32>
    %shift_right_logical3A_82 = arith.shrui %xor3A_75, %shift_right_logical3A_81 : vector<8x16000xi32>
    %or3A_83 = arith.ori %shift_left3A_79, %shift_right_logical3A_82 : vector<8x16000xi32>
    %xor3A_84 = arith.xori %or3A_83, %add3A_76 : vector<8x16000xi32>
    %add3A_85 = arith.constant 1172308731 : i32
    %add3A_86 = vector.broadcast %add3A_85 : i32 to vector<8x16000xi32>
    %add3A_87 = arith.addi %add3A_76, %add3A_86 : vector<8x16000xi32>
    %add3A_88 = arith.constant 684292730 : i32
    %add3A_89 = vector.broadcast %add3A_88 : i32 to vector<8x16000xi32>
    %add3A_90 = arith.addi %xor3A_84, %add3A_89 : vector<8x16000xi32>
    %add3A_91 = arith.addi %add3A_87, %add3A_90 : vector<8x16000xi32>
    %shift_left3A_92 = arith.constant 13 : i32
    %shift_left3A_93 = vector.broadcast %shift_left3A_92 : i32 to vector<8x16000xi32>
    %shift_left3A_94 = arith.shli %add3A_90, %shift_left3A_93 : vector<8x16000xi32>
    %shift_right_logical3A_95 = arith.constant 19 : i32
    %shift_right_logical3A_96 = vector.broadcast %shift_right_logical3A_95 : i32 to vector<8x16000xi32>
    %shift_right_logical3A_97 = arith.shrui %add3A_90, %shift_right_logical3A_96 : vector<8x16000xi32>
    %or3A_98 = arith.ori %shift_left3A_94, %shift_right_logical3A_97 : vector<8x16000xi32>
    %xor3A_99 = arith.xori %or3A_98, %add3A_91 : vector<8x16000xi32>
    %add3A_100 = arith.addi %add3A_91, %xor3A_99 : vector<8x16000xi32>
    %shift_left3A_101 = arith.constant 15 : i32
    %shift_left3A_102 = vector.broadcast %shift_left3A_101 : i32 to vector<8x16000xi32>
    %shift_left3A_103 = arith.shli %xor3A_99, %shift_left3A_102 : vector<8x16000xi32>
    %shift_right_logical3A_104 = arith.constant 17 : i32
    %shift_right_logical3A_105 = vector.broadcast %shift_right_logical3A_104 : i32 to vector<8x16000xi32>
    %shift_right_logical3A_106 = arith.shrui %xor3A_99, %shift_right_logical3A_105 : vector<8x16000xi32>
    %or3A_107 = arith.ori %shift_left3A_103, %shift_right_logical3A_106 : vector<8x16000xi32>
    %xor3A_108 = arith.xori %or3A_107, %add3A_100 : vector<8x16000xi32>
    %add3A_109 = arith.addi %add3A_100, %xor3A_108 : vector<8x16000xi32>
    %shift_left3A_110 = arith.constant 26 : i32
    %shift_left3A_111 = vector.broadcast %shift_left3A_110 : i32 to vector<8x16000xi32>
    %shift_left3A_112 = arith.shli %xor3A_108, %shift_left3A_111 : vector<8x16000xi32>
    %shift_right_logical3A_113 = arith.constant 6 : i32
    %shift_right_logical3A_114 = vector.broadcast %shift_right_logical3A_113 : i32 to vector<8x16000xi32>
    %shift_right_logical3A_115 = arith.shrui %xor3A_108, %shift_right_logical3A_114 : vector<8x16000xi32>
    %or3A_116 = arith.ori %shift_left3A_112, %shift_right_logical3A_115 : vector<8x16000xi32>
    %xor3A_117 = arith.xori %or3A_116, %add3A_109 : vector<8x16000xi32>
    %add3A_118 = arith.addi %add3A_109, %xor3A_117 : vector<8x16000xi32>
    %shift_left3A_119 = arith.constant 6 : i32
    %shift_left3A_120 = vector.broadcast %shift_left3A_119 : i32 to vector<8x16000xi32>
    %shift_left3A_121 = arith.shli %xor3A_117, %shift_left3A_120 : vector<8x16000xi32>
    %shift_right_logical3A_122 = arith.constant 26 : i32
    %shift_right_logical3A_123 = vector.broadcast %shift_right_logical3A_122 : i32 to vector<8x16000xi32>
    %shift_right_logical3A_124 = arith.shrui %xor3A_117, %shift_right_logical3A_123 : vector<8x16000xi32>
    %or3A_125 = arith.ori %shift_left3A_121, %shift_right_logical3A_124 : vector<8x16000xi32>
    %xor3A_126 = arith.xori %or3A_125, %add3A_118 : vector<8x16000xi32>
    %add3A_127 = arith.constant 684292728 : i32
    %add3A_128 = vector.broadcast %add3A_127 : i32 to vector<8x16000xi32>
    %add3A_129 = arith.addi %add3A_118, %add3A_128 : vector<8x16000xi32>
    %add3A_130 = arith.constant 1995989852 : i32
    %add3A_131 = vector.broadcast %add3A_130 : i32 to vector<8x16000xi32>
    %add3A_132 = arith.addi %xor3A_126, %add3A_131 : vector<8x16000xi32>
    %add3A_133 = arith.addi %add3A_129, %add3A_132 : vector<8x16000xi32>
    %shift_left3A_134 = arith.constant 17 : i32
    %shift_left3A_135 = vector.broadcast %shift_left3A_134 : i32 to vector<8x16000xi32>
    %shift_left3A_136 = arith.shli %add3A_132, %shift_left3A_135 : vector<8x16000xi32>
    %shift_right_logical3A_137 = arith.constant 15 : i32
    %shift_right_logical3A_138 = vector.broadcast %shift_right_logical3A_137 : i32 to vector<8x16000xi32>
    %shift_right_logical3A_139 = arith.shrui %add3A_132, %shift_right_logical3A_138 : vector<8x16000xi32>
    %or3A_140 = arith.ori %shift_left3A_136, %shift_right_logical3A_139 : vector<8x16000xi32>
    %xor3A_141 = arith.xori %or3A_140, %add3A_133 : vector<8x16000xi32>
    %add3A_142 = arith.addi %add3A_133, %xor3A_141 : vector<8x16000xi32>
    %shift_left3A_143 = arith.constant 29 : i32
    %shift_left3A_144 = vector.broadcast %shift_left3A_143 : i32 to vector<8x16000xi32>
    %shift_left3A_145 = arith.shli %xor3A_141, %shift_left3A_144 : vector<8x16000xi32>
    %shift_right_logical3A_146 = arith.constant 3 : i32
    %shift_right_logical3A_147 = vector.broadcast %shift_right_logical3A_146 : i32 to vector<8x16000xi32>
    %shift_right_logical3A_148 = arith.shrui %xor3A_141, %shift_right_logical3A_147 : vector<8x16000xi32>
    %or3A_149 = arith.ori %shift_left3A_145, %shift_right_logical3A_148 : vector<8x16000xi32>
    %xor3A_150 = arith.xori %or3A_149, %add3A_142 : vector<8x16000xi32>
    %add3A_151 = arith.addi %add3A_142, %xor3A_150 : vector<8x16000xi32>
    %shift_left3A_152 = arith.constant 16 : i32
    %shift_left3A_153 = vector.broadcast %shift_left3A_152 : i32 to vector<8x16000xi32>
    %shift_left3A_154 = arith.shli %xor3A_150, %shift_left3A_153 : vector<8x16000xi32>
    %shift_right_logical3A_155 = arith.constant 16 : i32
    %shift_right_logical3A_156 = vector.broadcast %shift_right_logical3A_155 : i32 to vector<8x16000xi32>
    %shift_right_logical3A_157 = arith.shrui %xor3A_150, %shift_right_logical3A_156 : vector<8x16000xi32>
    %or3A_158 = arith.ori %shift_left3A_154, %shift_right_logical3A_157 : vector<8x16000xi32>
    %xor3A_159 = arith.xori %or3A_158, %add3A_151 : vector<8x16000xi32>
    %add3A_160 = arith.addi %add3A_151, %xor3A_159 : vector<8x16000xi32>
    %shift_left3A_161 = arith.constant 24 : i32
    %shift_left3A_162 = vector.broadcast %shift_left3A_161 : i32 to vector<8x16000xi32>
    %shift_left3A_163 = arith.shli %xor3A_159, %shift_left3A_162 : vector<8x16000xi32>
    %shift_right_logical3A_164 = arith.constant 8 : i32
    %shift_right_logical3A_165 = vector.broadcast %shift_right_logical3A_164 : i32 to vector<8x16000xi32>
    %shift_right_logical3A_166 = arith.shrui %xor3A_159, %shift_right_logical3A_165 : vector<8x16000xi32>
    %or3A_167 = arith.ori %shift_left3A_163, %shift_right_logical3A_166 : vector<8x16000xi32>
    %xor3A_168 = arith.xori %or3A_167, %add3A_160 : vector<8x16000xi32>
    %add3A_169 = arith.constant 1995989849 : i32
    %add3A_170 = vector.broadcast %add3A_169 : i32 to vector<8x16000xi32>
    %add3A_171 = arith.addi %add3A_160, %add3A_170 : vector<8x16000xi32>
    %add3A_172 = arith.constant 1172308735 : i32
    %add3A_173 = vector.broadcast %add3A_172 : i32 to vector<8x16000xi32>
    %add3A_174 = arith.addi %xor3A_168, %add3A_173 : vector<8x16000xi32>
    %add3A_175 = arith.addi %add3A_171, %add3A_174 : vector<8x16000xi32>
    %shift_left3A_176 = arith.constant 13 : i32
    %shift_left3A_177 = vector.broadcast %shift_left3A_176 : i32 to vector<8x16000xi32>
    %shift_left3A_178 = arith.shli %add3A_174, %shift_left3A_177 : vector<8x16000xi32>
    %shift_right_logical3A_179 = arith.constant 19 : i32
    %shift_right_logical3A_180 = vector.broadcast %shift_right_logical3A_179 : i32 to vector<8x16000xi32>
    %shift_right_logical3A_181 = arith.shrui %add3A_174, %shift_right_logical3A_180 : vector<8x16000xi32>
    %or3A_182 = arith.ori %shift_left3A_178, %shift_right_logical3A_181 : vector<8x16000xi32>
    %xor3A_183 = arith.xori %or3A_182, %add3A_175 : vector<8x16000xi32>
    %add3A_184 = arith.addi %add3A_175, %xor3A_183 : vector<8x16000xi32>
    %shift_left3A_185 = arith.constant 15 : i32
    %shift_left3A_186 = vector.broadcast %shift_left3A_185 : i32 to vector<8x16000xi32>
    %shift_left3A_187 = arith.shli %xor3A_183, %shift_left3A_186 : vector<8x16000xi32>
    %shift_right_logical3A_188 = arith.constant 17 : i32
    %shift_right_logical3A_189 = vector.broadcast %shift_right_logical3A_188 : i32 to vector<8x16000xi32>
    %shift_right_logical3A_190 = arith.shrui %xor3A_183, %shift_right_logical3A_189 : vector<8x16000xi32>
    %or3A_191 = arith.ori %shift_left3A_187, %shift_right_logical3A_190 : vector<8x16000xi32>
    %xor3A_192 = arith.xori %or3A_191, %add3A_184 : vector<8x16000xi32>
    %add3A_193 = arith.addi %add3A_184, %xor3A_192 : vector<8x16000xi32>
    %shift_left3A_194 = arith.constant 26 : i32
    %shift_left3A_195 = vector.broadcast %shift_left3A_194 : i32 to vector<8x16000xi32>
    %shift_left3A_196 = arith.shli %xor3A_192, %shift_left3A_195 : vector<8x16000xi32>
    %shift_right_logical3A_197 = arith.constant 6 : i32
    %shift_right_logical3A_198 = vector.broadcast %shift_right_logical3A_197 : i32 to vector<8x16000xi32>
    %shift_right_logical3A_199 = arith.shrui %xor3A_192, %shift_right_logical3A_198 : vector<8x16000xi32>
    %or3A_200 = arith.ori %shift_left3A_196, %shift_right_logical3A_199 : vector<8x16000xi32>
    %xor3A_201 = arith.xori %or3A_200, %add3A_193 : vector<8x16000xi32>
    %add3A_202 = arith.addi %add3A_193, %xor3A_201 : vector<8x16000xi32>
    %shift_left3A_203 = arith.constant 6 : i32
    %shift_left3A_204 = vector.broadcast %shift_left3A_203 : i32 to vector<8x16000xi32>
    %shift_left3A_205 = arith.shli %xor3A_201, %shift_left3A_204 : vector<8x16000xi32>
    %shift_right_logical3A_206 = arith.constant 26 : i32
    %shift_right_logical3A_207 = vector.broadcast %shift_right_logical3A_206 : i32 to vector<8x16000xi32>
    %shift_right_logical3A_208 = arith.shrui %xor3A_201, %shift_right_logical3A_207 : vector<8x16000xi32>
    %or3A_209 = arith.ori %shift_left3A_205, %shift_right_logical3A_208 : vector<8x16000xi32>
    %xor3A_210 = arith.xori %or3A_209, %add3A_202 : vector<8x16000xi32>
    %add3A_211 = arith.constant 1172308731 : i32
    %add3A_212 = vector.broadcast %add3A_211 : i32 to vector<8x16000xi32>
    %add3A_213 = arith.addi %add3A_202, %add3A_212 : vector<8x16000xi32>
    %add3A_214 = arith.constant 684292733 : i32
    %add3A_215 = vector.broadcast %add3A_214 : i32 to vector<8x16000xi32>
    %add3A_216 = arith.addi %xor3A_210, %add3A_215 : vector<8x16000xi32>
    %xor3A_217 = arith.xori %add3A_213, %add3A_216 : vector<8x16000xi32>
    %shift_right_logical3A_218 = arith.constant 9 : i32
    %shift_right_logical3A_219 = vector.broadcast %shift_right_logical3A_218 : i32 to vector<8x16000xi32>
    %shift_right_logical3A_220 = arith.shrui %xor3A_217, %shift_right_logical3A_219 : vector<8x16000xi32>
    %or3A_221 = arith.constant 1065353216 : i32
    %or3A_222 = vector.broadcast %or3A_221 : i32 to vector<8x16000xi32>
    %or3A_223 = arith.ori %shift_right_logical3A_220, %or3A_222 : vector<8x16000xi32>
    %bitcast_convert_type3A = tpu.bitcast %or3A_223 : vector<8x16000xi32> -> vector<8x16000xf32>
    %sub3A = arith.constant 1.000000e+00 : f32
    %sub3A_224 = vector.broadcast %sub3A : f32 to vector<8x16000xf32>
    %sub3A_225 = arith.subf %bitcast_convert_type3A, %sub3A_224 : vector<8x16000xf32>
    %mul3A_226 = arith.constant 1.000000e+00 : f32
    %mul3A_227 = vector.broadcast %mul3A_226 : f32 to vector<8x16000xf32>
    %mul3A_228 = arith.mulf %sub3A_225, %mul3A_227 : vector<8x16000xf32>
    %add3A_229 = arith.constant 1.17549435E-38 : f32
    %add3A_230 = vector.broadcast %add3A_229 : f32 to vector<8x16000xf32>
    %add3A_231 = arith.addf %mul3A_228, %add3A_230 : vector<8x16000xf32>
    %max3A = arith.constant 1.17549435E-38 : f32
    %max3A_232 = vector.broadcast %max3A : f32 to vector<8x16000xf32>
    %max3A_233 = arith.maximumf %max3A_232, %add3A_231 : vector<8x16000xf32>
    %log3A = math.log %max3A_233 : vector<8x16000xf32>
    %neg3A = arith.constant 0.000000e+00 : f32
    %neg3A_234 = vector.broadcast %neg3A : f32 to vector<8x16000xf32>
    %neg3A_235 = arith.subf %neg3A_234, %log3A : vector<8x16000xf32>
    %log3A_236 = math.log %neg3A_235 : vector<8x16000xf32>
    %neg3A_237 = arith.constant 0.000000e+00 : f32
    %neg3A_238 = vector.broadcast %neg3A_237 : f32 to vector<8x16000xf32>
    %neg3A_239 = arith.subf %neg3A_238, %log3A_236 : vector<8x16000xf32>
    %swap3A = arith.constant 0 : index
    %swap3A_240 = arith.constant 0 : index
    %swap3A_241 = vector.load %arg1[%swap3A, %swap3A_240] : memref<8x16000xf32, #tpu.memory_space<vmem>>, vector<8x16000xf32>
    tpu.vector_store %arg1[%swap3A, %swap3A_240], %neg3A_239 {strides = array<i32>} : memref<8x16000xf32, #tpu.memory_space<vmem>>, vector<8x16000xf32>,
    return
  }
  func.func @transform_0(%arg0: i32) -> (i32, i32) {
    %c0_i32 = arith.constant 0 : i32
    %c0_i32_0 = arith.constant 0 : i32
    return %arg0, %c0_i32 : i32, i32
  }
}

module attributes {stable_mosaic.version = 14 : i64} {
  func.func @_stats_body(%arg0: i32, %arg1: memref<8x125000xf32, #tpu.memory_space<vmem>>, %arg2: memref<1x8x128xf32, #tpu.memory_space<vmem>>, %arg3: memref<1x8x128xf32, #tpu.memory_space<vmem>>) attributes {dimension_semantics = [#tpu.dimension_semantics<arbitrary>], iteration_bounds = array<i64: 32>, scalar_prefetch = 0 : i64, scratch_operands = 0 : i64, tpu.core_type = #tpu.core_type<tc>, window_params = [{transform_indices = @transform_0, window_bounds = array<i64: 8, 125000>}, {transform_indices = @transform_1, window_bounds = array<i64: 1, 8, 128>}, {transform_indices = @transform_2, window_bounds = array<i64: 1, 8, 128>}]} {
    %get3A = arith.constant 0 : index
    %get3A_0 = arith.constant 0 : index
    %get3A_1 = vector.load %arg1[%get3A, %get3A_0] : memref<8x125000xf32, #tpu.memory_space<vmem>>, vector<8x125000xf32>
    %reduce_max3A = vector.shape_cast %get3A_1 : vector<8x125000xf32> to vector<1x8x125000xf32>
    %reduce_max3A_2 = arith.constant dense<0xFF800000> : vector<1xf32>
    %reduce_max3A_3 = vector.multi_reduction <maximumf>, %reduce_max3A, %reduce_max3A_2 [1, 2] : vector<1x8x125000xf32> to vector<1xf32>
    %reduce_max3A_4 = vector.shape_cast %reduce_max3A_3 : vector<1xf32> to vector<1x1x1xf32>
    %reduce_max3A_5 = vector.extract %reduce_max3A_4[0, 0, 0] : f32 from vector<1x1x1xf32>
    %sub3A = vector.broadcast %reduce_max3A_5 : f32 to vector<8x125000xf32>
    %sub3A_6 = arith.subf %get3A_1, %sub3A : vector<8x125000xf32>
    %exp3A = math.exp %sub3A_6 : vector<8x125000xf32>
    %reduce_sum3A = vector.shape_cast %exp3A : vector<8x125000xf32> to vector<1x8x125000xf32>
    %reduce_sum3A_7 = arith.constant dense<0.000000e+00> : vector<1xf32>
    %reduce_sum3A_8 = vector.multi_reduction <add>, %reduce_sum3A, %reduce_sum3A_7 [1, 2] : vector<1x8x125000xf32> to vector<1xf32>
    %reduce_sum3A_9 = vector.shape_cast %reduce_sum3A_8 : vector<1xf32> to vector<1x1x1xf32>
    %reduce_sum3A_10 = vector.extract %reduce_sum3A_9[0, 0, 0] : f32 from vector<1x1x1xf32>
    %broadcast_in_dim3A = vector.broadcast %reduce_max3A_5 : f32 to vector<1x8x128xf32>
    %swap3A = arith.constant 0 : index
    %swap3A_11 = arith.constant 0 : index
    %swap3A_12 = arith.constant 0 : index
    %swap3A_13 = vector.load %arg2[%swap3A, %swap3A_11, %swap3A_12] : memref<1x8x128xf32, #tpu.memory_space<vmem>>, vector<1x8x128xf32>
    tpu.vector_store %arg2[%swap3A, %swap3A_11, %swap3A_12], %broadcast_in_dim3A {strides = array<i32>} : memref<1x8x128xf32, #tpu.memory_space<vmem>>, vector<1x8x128xf32>,
    %broadcast_in_dim3A_14 = vector.broadcast %reduce_sum3A_10 : f32 to vector<1x8x128xf32>
    %swap3A_15 = arith.constant 0 : index
    %swap3A_16 = arith.constant 0 : index
    %swap3A_17 = arith.constant 0 : index
    %swap3A_18 = vector.load %arg3[%swap3A_15, %swap3A_16, %swap3A_17] : memref<1x8x128xf32, #tpu.memory_space<vmem>>, vector<1x8x128xf32>
    tpu.vector_store %arg3[%swap3A_15, %swap3A_16, %swap3A_17], %broadcast_in_dim3A_14 {strides = array<i32>} : memref<1x8x128xf32, #tpu.memory_space<vmem>>, vector<1x8x128xf32>,
    return
  }
  func.func @transform_0(%arg0: i32) -> (i32, i32) {
    %c0_i32 = arith.constant 0 : i32
    %c0_i32_0 = arith.constant 0 : i32
    return %arg0, %c0_i32 : i32, i32
  }
  func.func @transform_1(%arg0: i32) -> (i32, i32, i32) {
    %c0_i32 = arith.constant 0 : i32
    %c0_i32_0 = arith.constant 0 : i32
    %c0_i32_1 = arith.constant 0 : i32
    return %arg0, %c0_i32, %c0_i32_0 : i32, i32, i32
  }
  func.func @transform_2(%arg0: i32) -> (i32, i32, i32) {
    %c0_i32 = arith.constant 0 : i32
    %c0_i32_0 = arith.constant 0 : i32
    %c0_i32_1 = arith.constant 0 : i32
    return %arg0, %c0_i32, %c0_i32_0 : i32, i32, i32
  }
}

</mosaic_0001>

<sc_bundles>
// kernel: kernel.10.cloned.1.call-start
scs
__scs_entry_jumppad:
0x0: {  	(pc) =	sbr.rel $0x88, $3  }
0x1: {  	(tag) =	ssettag $0x0;
	lr =	simm.s32 $0x1  }
0x2: {  	[smem:$0x3FA0] =	sst lr;
	_ =	strace $0xD0000000  }
0x3: {  	_ = 	snop  }
0x4: {  	_ = 	snop  }
0x5: {  	_ = 	snop  }
0x6: {  	_ = 	snop  }
0x7: {  	_ = 	snop  }
__scs_overlays_trampoline_lowered:
0x8: {  	[smem:$0x3FAF] =	sst s0  }
0x9: {  	[smem:$0x3FB0] =	sst s1  }
0xa: {  	[smem:$0x3FB1] =	sst s2  }
0xb: {  	[smem:$0x3FB2] =	sst s3  }
0xc: {  	[smem:$0x3FB3] =	sst s4  }
0xd: {  	[smem:$0x3FB4] =	sst s5  }
0xe: {  	[smem:$0x3FB5] =	sst s6  }
0xf: {  	[smem:$0x3FB6] =	sst s7  }
0x10: {  	[smem:$0x3FB7] =	sst s8  }
0x11: {  	[smem:$0x3FB8] =	sst s9;
	s0 =	simm.s32 @!p0 $0x0  }
0x12: {  	s1 =	sld [smem:$0x3F9E];
	s0 =	simm.s32 @p0 $0x1  }
0x13: {  	[smem:$0x3FB9] =	sst s0;
	s0 =	simm.s32 @!p1 $0x0  }
0x14: {  	s2 =	sld [smem:$0x3F9D];
	s0 =	simm.s32 @p1 $0x1  }
0x15: {  	[smem:$0x3FBA] =	sst s0;
	s0 =	simm.s32 @!p2 $0x0  }
0x16: {  	s3 =	sld [smem:$0x3FDB];
	s0 =	simm.s32 @p2 $0x1  }
0x17: {  	s4 =	simm.s32 $0x1BF5;
	[smem:$0x3FBC] =	sst s0  }
0x18: {  	s0 =	sld [smem:$0x3F9F];
	_ =	swait.ge [sflag:s4], $0x0  }
0x19: {  	s7 =	sld [smem:$0x3FA0]  }
0x1a: {  	s8 =	sadd.s32 $0xFFFFE003, lr  }
0x1b: {  	s9 =	sadd.s32 $0xFFFFFEF7, lr;
	s5 =	simm.s32 $0xFFFFFFFF;
	p2 =	slt.u32 s8, $0xFFFFF086  }
0x1c: {  	p1 =	slt.u32 s9, $0xF7A;
	s5 =	simm.s32 @!p2 $0x0  }
0x1d: {  	s5 =	simm.s32 @p1 $0x1;
	p0 =	seq.s32 s7, s2  }
0x1e: {  	s7 =	smul.u32 @!p0 $0xF7A, s2;
	p2 =	seq.s32 @!p0 s5, $0x0  }
0x1f: {  	s9 =	smul.u32 $0xF7A, s1;
	s8 =	simm.s32 @!p0 $0x1BF5;
	p2 =	por !p2, p0  }
0x20: {  	[sflag:s8] =	ssyncset.s32 @!p0 $0xFFFFF086;
	s6 =	sadd.s32 @!p0 s3, s7;
	s7 =	simm.s32 @!p0 $0x108  }
0x21: {  	s3 =	sadd.s32 s3, s9;
	s6 =	sadd.s32 @!p0 $0x88, s6;
	s7 =	simm.s32 @p2 $0x1082  }
0x22: {  	[simem:s7], [sflag:s8] =	dma.local @!p0 [hbm:s6], $0xF7A  }
0x23: {  	s9 =	sor.u32 $0xD0000000, s2;
	s6 =	simm.s32 $0x108;
	_ =	swait.ge @!p0 [sflag:s8], $0x0  }
0x24: {  	s3 =	sadd.s32 $0x88, s3;
	s6 =	simm.s32 @!p1 $0x1082;
	[sflag:s4] =	ssyncset.s32 $0xFFFFF086  }
0x25: {  	[simem:s6], [sflag:s4] =	dma.local [hbm:s3], $0xF7A  }
0x26: {  	[smem:$0x3FA0] =	sst s1;
	(tag) =	ssettag s2;
	_ =	strace s9  }
0x27: {  	s1 =	sld [smem:$0x3FB0]  }
0x28: {  	s2 =	sld [smem:$0x3FB1]  }
0x29: {  	s4 =	sld [smem:$0x3FB3]  }
0x2a: {  	p0 =	seq.s32 s5, $0x0;
	s5 =	sld [smem:$0x3FB4]  }
0x2b: {  	s6 =	sld [smem:$0x3FB5]  }
0x2c: {  	s7 =	sld [smem:$0x3FB6]  }
0x2d: {  	s3 =	simm.s32 $0x108;
	s8 =	sld [smem:$0x3FB7]  }
0x2e: {  	s3 =	simm.s32 @!p0 $0x1082;
	s9 =	sld [smem:$0x3FB8]  }
0x2f: {  	lr =	sadd.s32 s0, s3;
	s0 =	sld [smem:$0x3FAF]  }
0x30: {  	s3 =	sld [smem:$0x3FB2]  }
0x31: {  	[smem:$0x3FBB] =	sst s10  }
0x32: {  	s10 =	sld [smem:$0x3FB9];
	_ =	sdelay $0x3  }
0x33: {  	p0 =	seq.s32 s10, $0x1;
	s10 =	sld [smem:$0x3FBB];
	_ =	sdelay $0x3  }
0x34: {  	[smem:$0x3FBB] =	sst s10  }
0x35: {  	s10 =	sld [smem:$0x3FBA];
	_ =	sdelay $0x3  }
0x36: {  	p1 =	seq.s32 s10, $0x1;
	s10 =	sld [smem:$0x3FBB];
	_ =	sdelay $0x3  }
0x37: {  	[smem:$0x3FBB] =	sst s10  }
0x38: {  	s10 =	sld [smem:$0x3FBC]  }
0x39: {  	_ = 	snop;
	(pc) =	sbr.ind lr, $3  }
0x3a: {  	_ = 	snop  }
0x3b: {  	_ = 	snop  }
0x3c: {  	p2 =	seq.s32 s10, $0x1;
	s10 =	sld [smem:$0x3FBB]  }
0x3d: {  	_ =	shalt  }
0x3e: {  	_ =	shalt  }
0x3f: {  	_ =	shalt  }
0x40: {  	_ =	shalt  }
0x41: {  	_ =	shalt  }
0x42: {  	_ =	shalt  }
0x43: {  	_ =	shalt  }
0x44: {  	_ =	shalt  }
0x45: {  	_ =	shalt  }
0x46: {  	_ =	shalt  }
0x47: {  	_ =	shalt  }
0x48: {  	_ =	shalt  }
0x49: {  	_ =	shalt  }
0x4a: {  	_ =	shalt  }
0x4b: {  	_ =	shalt  }
0x4c: {  	_ =	shalt  }
0x4d: {  	_ =	shalt  }
0x4e: {  	_ =	shalt  }
0x4f: {  	_ =	shalt  }
0x50: {  	_ =	shalt  }
0x51: {  	_ =	shalt  }
0x52: {  	_ =	shalt  }
0x53: {  	_ =	shalt  }
0x54: {  	_ =	shalt  }
0x55: {  	_ =	shalt  }
0x56: {  	_ =	shalt  }
0x57: {  	_ =	shalt  }
0x58: {  	_ =	shalt  }
0x59: {  	_ =	shalt  }
0x5a: {  	_ =	shalt  }
0x5b: {  	_ =	shalt  }
0x5c: {  	_ =	shalt  }
0x5d: {  	_ =	shalt  }
0x5e: {  	_ =	shalt  }
0x5f: {  	_ =	shalt  }
0x60: {  	_ =	shalt  }
0x61: {  	_ =	shalt  }
0x62: {  	_ =	shalt  }
0x63: {  	_ =	shalt  }
0x64: {  	_ =	shalt  }
0x65: {  	_ =	shalt  }
0x66: {  	_ =	shalt  }
0x67: {  	_ =	shalt  }
0x68: {  	_ =	shalt  }
0x69: {  	_ =	shalt  }
0x6a: {  	_ =	shalt  }
0x6b: {  	_ =	shalt  }
0x6c: {  	_ =	shalt  }
0x6d: {  	_ =	shalt  }
0x6e: {  	_ =	shalt  }
0x6f: {  	_ =	shalt  }
0x70: {  	_ =	shalt  }
0x71: {  	_ =	shalt  }
0x72: {  	_ =	shalt  }
0x73: {  	_ =	shalt  }
0x74: {  	_ =	shalt  }
0x75: {  	_ =	shalt  }
0x76: {  	_ =	shalt  }
0x77: {  	_ =	shalt  }
0x78: {  	_ =	shalt  }
0x79: {  	_ =	shalt  }
0x7a: {  	_ =	shalt  }
0x7b: {  	_ =	shalt  }
0x7c: {  	_ =	shalt  }
0x7d: {  	_ =	shalt  }
0x7e: {  	_ =	shalt  }
0x7f: {  	_ =	shalt  }
0x80: {  	_ =	shalt  }
0x81: {  	_ =	shalt  }
0x82: {  	_ =	shalt  }
0x83: {  	_ =	shalt  }
0x84: {  	_ =	shalt  }
0x85: {  	_ =	shalt  }
0x86: {  	_ =	shalt  }
0x87: {  	_ =	shalt  }
.Lfunc_end0:
.L_simem_size_0:
called_computation.1_lowered:
.L_overlay_start_0:
0x88: {  	s2 =	sld [smem:$0x3FD9]  }
0x89: {  	s3 =	sld [smem:$0x3FFE];
	_ =	sdelay $0x1  }
0x8a: {  	s1 =	srdreg.scid  }
0x8b: {  	s0 =	sand.u32 $0x1, s1  }
0x8c: {  	s16 =	sshll.u32 s0, $0xA;
	s2 =	sadd.s32 s3, s2  }
0x8d: {  	s2 =	sadd.s32 s2, s16  }
0x8e: {  	[smem:$0x3FC7] =	sst s2  }
0x8f: {  	_ = 	snop  }
0x90: {  	(tm) =	ssettm $0x1  }
0x91: {  	s17 =	sld [smem:$0x3FFB];
	_ =	sdelay $0x3  }
0x92: {  	_ =	strace s17  }
0x93: {  	s2 =	sld [smem:$0x3FFC];
	_ =	sdelay $0x3  }
0x94: {  	_ =	strace s2  }
0x95: {  	s2 =	sld [smem:$0x3FFD];
	_ =	sdelay $0x3  }
0x96: {  	_ =	strace s2  }
0x97: {  	_ =	strace $0x8FFFFFFF  }
0x98: {  	s18 =	sld [smem:$0x3FDB];
	_ =	sdelay $0x1  }
0x99: {  	s19 =	simm.s32 $_scs_section_size  }
0x9a: {  	s4 =	simm.s32 $_size__tile_overlayer_lowered;
	s5 =	simm.s32 $_tile_overlayer_lowered  }
0x9b: {  	s22 =	simm.s32 $0x1BFF;
	s21 =	sshll.u32 s5, $0x1;
	s2 =	sadd.s32 s19, s18  }
0x9c: {  	s6 =	simm.s32 $0x0;
	s20 =	sshll.u32 s4, $0x1;
	s4 =	sadd.s32 s21, s2  }
0x9d: {  	[timem:s6], [sflag:s22] =	dma.local [hbm:s4], s20  }
0x9e: {  	_ =	swait.ge [sflag:s22], s20  }
0x9f: {  	s3 =	ssub.s32 $0x0, s20;
	[sflag:s22] =	ssyncset.done $0x0  }
0xa0: {  	[sflag:s22] =	ssyncadd.s32 s3;
	_ =	sdelay $0x1  }
0xa1: {  	s23 =	simm.s32 $0x1B8B  }
0xa2: {  	_ =	swait.ge [sflag:s23], $0x1  }
0xa3: {  	[sflag:s23] =	ssyncset.done $0x0  }
0xa4: {  	s25 =	simm.s32 $0x1B8E;
	s24 =	sld [smem:$0x3FFE];
	[sflag:s23] =	ssyncadd.s32 $0xFFFFFFFF  }
0xa5: {  	s26 =	simm.s32 $execute0_lowered;
	[smem:$0x3FD2] =	sst s25  }
0xa6: {  	s4 =	sshll.u32 s26, $0x1;
	_ =	strace $0x80000049;
	[dreg:$0x1] =	wrdreg $0xFFFFFFFF  }
0xa7: {  	s28 =	simm.s32 $_size_execute0_lowered;
	s2 =	sadd.s32 s2, s4;
	[dreg:$0x0] =	wrdreg $0x0  }
0xa8: {  	s4 =	sshll.u32 s28, $0x1;
	[dreg:$0x2] =	wrdreg s2  }
0xa9: {  	[dreg:$0x3] =	wrdreg s4  }
0xaa: {  	[dreg:$0x4] =	wrdreg $0xC0  }
0xab: {  	_ =	task [dreg:s6], $0x5FFFF  }
0xac: {  	[dreg:$0x1] =	wrdreg $0xFFFFFFFF  }
0xad: {  	[dreg:$0x0] =	wrdreg $0x60  }
0xae: {  	[dreg:$0x2] =	wrdreg s24  }
0xaf: {  	[dreg:$0x3] =	wrdreg $0x9  }
0xb0: {  	_ =	task.clear_ibuf [dreg:s6], $0x4FFFF;
	_ =	strace $0x90000049  }
0xb1: {  	s29 =	simm.s32 $0x9;
	_ =	strace $0x8000004B  }
0xb2: {  	_ =	swait.ge [sflag:s29], $0x1  }
0xb3: {  	[sflag:s29] =	ssyncadd.s32 $0xFFFFFFFF  }
0xb4: {  	_ =	strace $0x9000004B  }
0xb5: {  	_ =	sfence  }
0xb6: {  	s30 =	sld [smem:$0x0];
	_ =	sdelay $0x2  }
0xb7: {  	s31 =	sshll.u32 s1, $0xD;
	s1 =	sshrl.u32 s1, $0x2  }
0xb8: {  	s3 =	sand.u32 $0x4000, s31;
	s1 =	sadd.s32 s1, s30  }
0xb9: {  	s0 =	sor.u32 s3, s0;
	s1 =	sshll.u32 s1, $0x11  }
0xba: {  	s0 =	sor.u32 s1, s0  }
0xbb: {  	s0 =	sadd.s32 $0x8F2B, s0  }
0xbc: {  	[sflag:s0] =	ssyncadd.remote.s32 $0x1  }
0xbd: {  	_ =	sfence.sel $0xFFFF  }
0xbe: {  	[dreg:$0x0] =	wrdreg $0xFFFFFFFF;
	(pc) =	sbr.abs _section_cstart, $3  }
0xbf: {  	[dreg:$0x1] =	wrdreg $0xFFFFFFFF  }
0xc0: {  	_ =	task.clear_ibuf [dreg:s6], $0x2FFFF;
	_ =	strace $0x9FFFFFFF  }
0xc1: {  	(tm) =	ssettm $0x7FFFFFFF  }
tec
execute0_lowered:
.L_overlay_start_1:
0x0: {  	(tag) =	ssettag $0x1  }
0x1: {  	s5 =	rddreg [dreg:$0x0]  }
0x2: {  	s0 =	srdreg.scid;
	v0 =	vimm.s32 $0xEDCBA987;
	s1 =	rddreg [dreg:$0x1];
	s2 =	simm.s32 $0x0  }
0x3: {  	v1 =	vimm.s32 $0x65432100;
	s8 =	simm.s32 $0x2;
	s9 =	simm.s32 $0x15E80;
	s3 =	sand.u32 $0x1, s0;
	v0 =	vunpack.c.l.s4.s8 v0  }
0x4: {  	v3 =	vimm.s32 $0x87654321;
	s10 =	simm.s32 $0x1F40;
	s0 =	stileid.u32;
	v2 =	vunpack.c.l.s4.s8 v1;
	v1 =	vimm.s32 $0xFFEDCBA9;
	s4 =	sshll.u32 s3, $0x4  }
0x5: {  	s11 =	simm.s32 $0x11F80;
	s12 =	simm.s32 $0x13F00;
	v3 =	vunpack.c.l.s4.s8 v3;
	v5 =	vunpack.c.l.s4.s8 v1;
	s4 =	sor.u32 s0, s4;
	v4 =	vunpack.c.0.s8.s32 v0  }
0x6: {  	vm0 =	vcmask $0x3F3C;
	s13 =	simm.s32 $0x1;
	s6 =	ssub.s32 $0x2, s3;
	v1 =	vlaneseq.u32;
	v6 =	vunpack.c.0.s8.s32 v2;
	s3 =	smul.u32 $0xF4240, s4  }
0x7: {  	s14 =	simm.s32 $0x0;
	[smem:$0x7FF] =	sst s2;
	s7 =	sshrl.u32 s6, $0x1;
	v7 =	vunpack.c.0.s8.s32 v3;
	v5 =	vunpack.c.0.s8.s32 v5;
	v4 =	vand.u32 $0xF, v4  }
0x8: {  	_ =	strace $0x8000004A;
	v2 =	vimm.s32 $0x0;
	s4 =	sadd.s32 $0x3D1000, s5;
	s6 =	ssub.s32 s6, s7;
	v0 =	vmov s3;
	v3 =	vcombine.low v6, v4  }
0x9: {  	s5 =	sadd.s32 $0x7A1A00, s5;
	s7 =	simm.s32 $0x10000;
	s6 =	smax.u32 s6, $0x1;
	v4 =	vor.u32 $0x80000000, v1;
	v5 =	vcombine.low v7, v5;
	v6 =	vadd.s32 $0x1, v1  }
.LBB2_1:
0xa: {  	s15 =	simm.s32 $0x40;
	s16 =	simm.s32 $0x0  }
.LBB2_2:
0xb: {  	p0 =	sne.s32 s15, $0x3FFC0;
	[tilespmem:s16+$0x0] =	vst v2;
	s16 =	smov.u32 s15;
	s15 =	sadd.s32 $0x40, s15  }
.Ltmp0:
0xc: {  	(pc) =	sbr.rel @p0 .LBB2_2-.Ltmp0, $2  }
0xd: {  	_ =	sdelay $0x2  }
0xe: {  	s16 =	sshra.s32 s16, $0x2  }
0xf: {  	[tilespmem:s16+$0x0] =	vst v2;
	s16 =	simm.s32 $0x0;
	s17 =	simm.s32 $0x0  }
.LBB2_4:
0x10: {  	s15 =	smul.u32 $0x1F40, s17;
	_ =	sdelay $0x1  }
0x11: {  	s15 =	sadd.s32 s3, s15  }
0x12: {  	s15 =	sshrl.u32 s15, $0x3  }
0x13: {  	s15 =	sadd.s32 s4, s15  }
0x14: {  	[tilespmem:s7], [sflag:$0x2] =	stream.linear.gather [hbm4b:s15+s16], $0x1F40, $0x38;
	[tilespmem:$0x15F00] =	vst v63  }
0x15: {  	_ =	swait.ge [sflag:s8], $0x1F40  }
0x16: {  	[sflag:s8] =	ssyncset.done $0x0  }
0x17: {  	s18 =	simm.s32 $0x0;
	s15 =	simm.s32 $0x40;
	[sflag:s8] =	ssyncadd.s32 $0xFFFFE0C0  }
.LBB2_5:
0x18: {  	p0 =	sne.s32 s15, $0x7CC0;
	v7 =	vld [tilespmem:s18+$0x10000];
	_ =	sdelay $0x4  }
0x19: {  	v7 =	vshrl.u32 v7, $0xC  }
0x1a: {  	v7 =	vand.u32 $0xFFFF0, v7  }
0x1b: {  	v7 =	vor.u32 v4, v7  }
0x1c: {  	(xrf1) =	vsort.ascd.msk.u32 $0xffff, v7, v1;
	_ =	sdelay $0xd  }
0x1d: {  	v7, _, _ =	vpop (xrf1)  }
0x1e: {  	v7 =	vxor.u32 $0x80000000, v7  }
0x1f: {  	v8 =	vperm.xlane v7, v3;
	_ =	sdelay $0x1  }
0x20: {  	v9 =	vshra.s32 v7, $0x4;
	v8 =	vshra.s32 v8, $0x4  }
0x21: {  	vm1 =	veq.s32 v9, v8  }
0x22: {  	v7 =	vperm.xlane v7, v5;
	v8 =	vsel vm1, $0x80000000, v4  }
0x23: {  	(xrf0) =	vmax.scan.msk.u32 $0xffff, v8  }
0x24: {  	v7 =	vshra.s32 v7, $0x4  }
0x25: {  	vm1 =	vne.s32 v9, v7  }
0x26: {  	vm1 =	vmor vm1, vm0;
	_ =	sdelay $0x1  }
.Ltmp1:
0x27: {  	(pc) =	sbr.rel @p0 .LBB2_5-.Ltmp1, $4  }
0x28: {  	v7, _, _ =	vpop (xrf0)  }
0x29: {  	v7 =	vxor.u32 $0x80000000, v7  }
0x2a: {  	v7 =	vsub.s32 v6, v7  }
0x2b: {  	s18 =	sshra.s32 s15, $0x2;
	s15 =	sadd.s32 $0x40, s15;
	[tilespmem:v9+s2+$0x0] =	vst.idx.add.s32.msk vm1, v7  }
0x2c: {  	v7 =	vld [tilespmem:s18+$0x10000];
	_ =	sdelay $0x4  }
0x2d: {  	v7 =	vshrl.u32 v7, $0xC  }
0x2e: {  	v7 =	vand.u32 $0xFFFF0, v7  }
0x2f: {  	v7 =	vor.u32 v4, v7  }
0x30: {  	(xrf1) =	vsort.ascd.msk.u32 $0xffff, v7, v1;
	_ =	sdelay $0xd  }
0x31: {  	v7, _, _ =	vpop (xrf1)  }
0x32: {  	v7 =	vxor.u32 $0x80000000, v7  }
0x33: {  	v8 =	vperm.xlane v7, v3;
	_ =	sdelay $0x1  }
0x34: {  	v9 =	vshra.s32 v7, $0x4;
	v8 =	vshra.s32 v8, $0x4  }
0x35: {  	vm1 =	veq.s32 v9, v8  }
0x36: {  	v7 =	vperm.xlane v7, v5;
	v8 =	vsel vm1, $0x80000000, v4  }
0x37: {  	(xrf0) =	vmax.scan.msk.u32 $0xffff, v8  }
0x38: {  	v7 =	vshra.s32 v7, $0x4  }
0x39: {  	vm1 =	vne.s32 v9, v7  }
0x3a: {  	s17 =	sadd.s32 $0x1, s17;
	vm1 =	vmor vm1, vm0  }
0x3b: {  	p0 =	sne.s32 s17, $0x7D  }
.Ltmp2:
0x3c: {  	_ = 	snop;
	(pc) =	sbr.rel @p0 .LBB2_4-.Ltmp2, $4  }
0x3d: {  	v7, _, _ =	vpop (xrf0)  }
0x3e: {  	v7 =	vxor.u32 $0x80000000, v7  }
0x3f: {  	v7 =	vsub.s32 v6, v7  }
0x40: {  	s15 =	simm.s32 $0x0;
	[tilespmem:v9+s2+$0x0] =	vst.idx.add.s32.msk vm1, v7  }
0x41: {  	s17 =	sshra.s32 s15, $0x2  }
0x42: {  	v7 =	vld [tilespmem:s17+$0x0];
	_ =	sdelay $0x4  }
0x43: {  	(xrf0) =	vadd.scan.msk.s32 $0xffff, v7;
	_ =	sdelay $0x5  }
0x44: {  	v8, _, _ =	vpop (xrf0)  }
0x45: {  	(v2sf) =	vpush v8, $0xF  }
0x46: {  	v7 =	vsub.s32 s15, v7  }
0x47: {  	s18 =	sadd.s32 $0x40, s15;
	v7 =	vadd.s32 v8, v7  }
0x48: {  	s16 =	sshra.s32 s18, $0x2;
	s18 =	sadd.s32 $0x40, s18;
	[tilespmem:s17+$0x0] =	vst v7;
	s17 =	simm.s32 $0x0  }
.LBB2_8:
0x49: {  	p0 =	sne.s32 s18, $0x3FFC0;
	v7 =	vld [tilespmem:s16+$0x0];
	_ =	sdelay $0x4  }
0x4a: {  	(xrf0) =	vadd.scan.msk.s32 $0xffff, v7;
	_ =	sdelay $0x5  }
.Ltmp3:
0x4b: {  	v8, _, _ =	vpop (xrf0);
	s19 =	spop (v2sf);
	(pc) =	sbr.rel @p0 .LBB2_8-.Ltmp3, $4  }
0x4c: {  	(v2sf) =	vpush v8, $0xF;
	s17 =	sadd.s32 s17, s19  }
0x4d: {  	v7 =	vsub.s32 s17, v7  }
0x4e: {  	v7 =	vadd.s32 v8, v7  }
0x4f: {  	[tilespmem:s16+$0x0] =	vst v7;
	s16 =	sshra.s32 s18, $0x2;
	s18 =	sadd.s32 $0x40, s18  }
0x50: {  	v7 =	vld [tilespmem:s16+$0x0];
	_ =	sdelay $0x4  }
0x51: {  	(xrf0) =	vadd.scan.msk.s32 $0xffff, v7;
	_ =	sdelay $0x5  }
0x52: {  	v8, _, _ =	vpop (xrf0)  }
0x53: {  	(v2sf) =	vpush v8, $0xF;
	_ =	sdelay $0xa  }
0x54: {  	s18 =	spop (v2sf)  }
0x55: {  	s17 =	sadd.s32 s17, s18  }
0x56: {  	v7 =	vsub.s32 s17, v7  }
0x57: {  	v7 =	vadd.s32 v8, v7  }
0x58: {  	[tilespmem:s16+$0x0] =	vst v7;
	s31 =	spop (v2sf)  }
.LBB2_10:
0x59: {  	s16 =	smul.u32 $0x1F40, s15;
	_ =	sdelay $0x1  }
0x5a: {  	s16 =	sadd.s32 s3, s16  }
0x5b: {  	s16 =	sshrl.u32 s16, $0x3  }
0x5c: {  	s17 =	simm.s32 $0x0;
	s16 =	sadd.s32 s4, s16  }
0x5d: {  	[tilespmem:s7], [sflag:$0x2] =	stream.linear.gather [hbm4b:s16+s17], $0x1F40, $0x38;
	[tilespmem:$0x15F00] =	vst v63  }
0x5e: {  	_ =	swait.ge [sflag:s8], $0x1F40  }
0x5f: {  	[sflag:s8] =	ssyncset.done $0x0  }
0x60: {  	s16 =	simm.s32 $0x0;
	[sflag:s8] =	ssyncadd.s32 $0xFFFFE0C0  }
0x61: {  	v9 =	vld [tilespmem:s16+$0x10000];
	_ =	sdelay $0x4  }
0x62: {  	v7 =	vshrl.u32 v9, $0xC  }
0x63: {  	v7 =	vand.u32 $0xFFFF0, v7  }
0x64: {  	v7 =	vor.u32 v4, v7  }
0x65: {  	(xrf1) =	vsort.ascd.msk.u32 $0xffff, v7, v1;
	_ =	sdelay $0xd  }
0x66: {  	v7, v8, _ =	vpop (xrf1)  }
0x67: {  	v7 =	vxor.u32 $0x80000000, v7  }
0x68: {  	v10 =	vperm.xlane v7, v3;
	_ =	sdelay $0x1  }
0x69: {  	v11 =	vshra.s32 v7, $0x4;
	v10 =	vshra.s32 v10, $0x4  }
0x6a: {  	vm1 =	veq.s32 v11, v10  }
0x6b: {  	v7 =	vperm.xlane v7, v5;
	v10 =	vsel vm1, $0x80000000, v4  }
0x6c: {  	(xrf0) =	vmax.scan.msk.u32 $0xffff, v10  }
0x6d: {  	v7 =	vshra.s32 v7, $0x4  }
0x6e: {  	vm1 =	vne.s32 v11, v7  }
0x6f: {  	v7 =	vld.idx.msk [tilespmem:v11+s2+$0x0], $0xffff;
	vm1 =	vmor vm1, vm0;
	_ =	sdelay $0x2  }
0x70: {  	v10, _, _ =	vpop (xrf0)  }
0x71: {  	v10 =	vxor.u32 $0x80000000, v10  }
0x72: {  	v12 =	vsub.s32 v6, v10;
	v7 =	vsub.s32 v7, v10  }
0x73: {  	[tilespmem:v11+s2+$0x0] =	vst.idx.add.s32.msk vm1, v12;
	v7 =	vadd.s32 v1, v7  }
0x74: {  	s18 =	simm.s32 $0x10;
	[tilespmem:v8+s9+$0x0] =	vst.idx.msk $0xffff, v7  }
0x75: {  	v7 =	vld [tilespmem:s18+$0x10000]  }
0x76: {  	v8 =	vld [tilespmem:$0x15E80];
	_ =	sdelay $0x3  }
0x77: {  	s17 =	simm.s32 $0x80;
	[tilespmem:s16+$0x13F00] =	vst v9;
	v9 =	vshrl.u32 v7, $0xC  }
.LBB2_11:
0x78: {  	p0 =	sne.s32 s17, $0x7CC0;
	v9 =	vand.u32 $0xFFFF0, v9;
	v8 =	vadd.s32 v0, v8;
	s19 =	smov.u32 s17;
	s17 =	sadd.s32 $0x40, s17  }
0x79: {  	v9 =	vor.u32 v4, v9;
	[tilespmem:s16+$0x11F80] =	vst v8;
	s16 =	smov.u32 s18  }
0x7a: {  	(xrf1) =	vsort.ascd.msk.u32 $0xffff, v9, v1;
	_ =	sdelay $0xd  }
0x7b: {  	v8, v9, _ =	vpop (xrf1)  }
0x7c: {  	v8 =	vxor.u32 $0x80000000, v8  }
0x7d: {  	v10 =	vperm.xlane v8, v3;
	v11 =	vperm.xlane v8, v5;
	_ =	sdelay $0x1  }
0x7e: {  	v8 =	vshra.s32 v8, $0x4;
	v10 =	vshra.s32 v10, $0x4;
	v11 =	vshra.s32 v11, $0x4  }
0x7f: {  	vm1 =	veq.s32 v8, v10;
	vm2 =	vne.s32 v8, v11  }
0x80: {  	v10 =	vsel vm1, $0x80000000, v4  }
0x81: {  	(xrf0) =	vmax.scan.msk.u32 $0xffff, v10;
	_ =	sdelay $0x1  }
0x82: {  	v10 =	vld.idx.msk [tilespmem:v8+s2+$0x0], $0xffff  }
0x83: {  	vm1 =	vmor vm2, vm0;
	_ =	sdelay $0x2  }
0x84: {  	v11, _, _ =	vpop (xrf0)  }
0x85: {  	v11 =	vxor.u32 $0x80000000, v11  }
0x86: {  	v12 =	vsub.s32 v6, v11;
	v10 =	vsub.s32 v10, v11  }
0x87: {  	[tilespmem:v8+s2+$0x0] =	vst.idx.add.s32.msk vm1, v12;
	v8 =	vadd.s32 v1, v10  }
0x88: {  	s18 =	sshra.s32 s19, $0x2;
	[tilespmem:v9+s9+$0x0] =	vst.idx.msk $0xffff, v8  }
0x89: {  	v10 =	vld [tilespmem:s18+$0x10000]  }
.Ltmp4:
0x8a: {  	v8 =	vld [tilespmem:$0x15E80];
	(pc) =	sbr.rel @p0 .LBB2_11-.Ltmp4, $2  }
0x8b: {  	[tilespmem:s16+$0x13F00] =	vst v7;
	_ =	sdelay $0x2  }
0x8c: {  	v9 =	vshrl.u32 v10, $0xC;
	v7 =	vmov v10  }
0x8d: {  	v9 =	vand.u32 $0xFFFF0, v9  }
0x8e: {  	v9 =	vor.u32 v4, v9  }
0x8f: {  	(xrf1) =	vsort.ascd.msk.u32 $0xffff, v9, v1;
	_ =	sdelay $0xd  }
0x90: {  	v9, v10, _ =	vpop (xrf1)  }
0x91: {  	v9 =	vxor.u32 $0x80000000, v9  }
0x92: {  	v11 =	vperm.xlane v9, v3;
	_ =	sdelay $0x1  }
0x93: {  	v12 =	vshra.s32 v9, $0x4;
	v11 =	vshra.s32 v11, $0x4  }
0x94: {  	vm1 =	veq.s32 v12, v11  }
0x95: {  	v9 =	vperm.xlane v9, v5;
	v11 =	vsel vm1, $0x80000000, v4  }
0x96: {  	(xrf0) =	vmax.scan.msk.u32 $0xffff, v11  }
0x97: {  	v8 =	vadd.s32 v0, v8;
	v9 =	vshra.s32 v9, $0x4  }
0x98: {  	[tilespmem:s16+$0x11F80] =	vst v8;
	vm1 =	vne.s32 v12, v9  }
0x99: {  	v8 =	vld.idx.msk [tilespmem:v12+s2+$0x0], $0xffff;
	vm1 =	vmor vm1, vm0;
	_ =	sdelay $0x2  }
0x9a: {  	v62, _, _ =	vpop (xrf0)  }
0x9b: {  	v9 =	vxor.u32 $0x80000000, v62  }
0x9c: {  	v63 =	vsub.s32 v6, v9;
	v8 =	vsub.s32 v8, v9  }
0x9d: {  	[tilespmem:v12+s2+$0x0] =	vst.idx.add.s32.msk vm1, v63;
	v8 =	vadd.s32 v1, v8  }
0x9e: {  	[tilespmem:v10+s9+$0x0] =	vst.idx.msk $0xffff, v8  }
0x9f: {  	v8 =	vld [tilespmem:$0x15E80];
	_ =	sdelay $0x3  }
0xa0: {  	s15 =	sadd.s32 $0x1, s15  }
0xa1: {  	p0 =	sne.s32 s15, $0x7D;
	[tilespmem:s18+$0x13F00] =	vst v7;
	v7 =	vadd.s32 v0, v8  }
.Ltmp5:
0xa2: {  	[tilespmem:s18+$0x11F80] =	vst v7;
	(pc) =	sbr.rel @p0 .LBB2_10-.Ltmp5, $4  }
0xa3: {  	[hbm4b:s5+s10] =	stream.indirect.scatter [tilespmem:s12], [sflag:$0x1], $0x1, s11, s10, $0xb8;
	[tilespmem:$0x15F00] =	vst v63  }
0xa4: {  	_ =	swait.ge [sflag:s13], $0x1F40  }
0xa5: {  	[sflag:s13] =	ssyncset.done $0x0  }
0xa6: {  	[sflag:s13] =	ssyncadd.s32 $0xFFFFE0C0  }
0xa7: {  	s14 =	sadd.s32 $0x1, s14  }
0xa8: {  	p0 =	sne.s32 s14, s6  }
.Ltmp6:
0xa9: {  	_ = 	snop;
	(pc) =	sbr.rel @p0 .LBB2_1-.Ltmp6, $1  }
0xaa: {  	_ =	sdelay $0x3  }
0xab: {  	_ =	sfence.sel $0x180000  }
0xac: {  	[bflag:$0x0] =	sbarrier.arrive $0xFFFF  }
0xad: {  	p0 =	sne.s32 s0, $0x0;
	_ =	strace $0x9000004A  }
0xae: {  	s0 =	sadd.s32 @!p0 $0x100000, s1;
	[bflag:$0x2] =	sbarrier.arrive $0xFFFF  }
0xaf: {  	[sflag:s0] =	ssyncadd.tile.s32 @!p0 $0x1;
	_ =	shalt  }
.Lfunc_end2:
_tile_overlayer_lowered:
.L_overlay_start_2:
0xb0: {  	(tag) =	ssettag $0x2  }
0xb1: {  	s0 =	rddreg [dreg:$0x0];
	s2 =	stileid.u32  }
0xb2: {  	s1 =	rddreg [dreg:$0x1];
	p0 =	sne.s32 s2, $0x0  }
0xb3: {  	s3 =	rddreg [dreg:$0x2];
	[bflag:$0x3] =	sbarrier.arrive $0xFFFF;
	s2 =	simm.s32 @!p0 $0x1C02  }
0xb4: {  	[timem:s3], [sflag:s2] =	dma.local @!p0 [hbm:s0], s1  }
0xb5: {  	s0 =	simm.s32 @!p0 $0x2  }
0xb6: {  	_ =	swait.ge @!p0 [sflag:s0], s1  }
0xb7: {  	s1 =	ssub.s32 @!p0 $0x0, s1;
	[sflag:s0] =	ssyncset.done @!p0 $0x0  }
0xb8: {  	[sflag:s0] =	ssyncadd.s32 @!p0 s1  }
0xb9: {  	[bflag:$0x3] =	sbarrier.arrive $0xFFFF  }
0xba: {  	_ =	shalt  }

// kernel: kernel.13.cloned.1.call-start
scs
__scs_entry_jumppad:
0x0: {  	(pc) =	sbr.rel $0x88, $3  }
0x1: {  	(tag) =	ssettag $0x0;
	lr =	simm.s32 $0x1  }
0x2: {  	[smem:$0x3FA0] =	sst lr;
	_ =	strace $0xD0000000  }
0x3: {  	_ = 	snop  }
0x4: {  	_ = 	snop  }
0x5: {  	_ = 	snop  }
0x6: {  	_ = 	snop  }
0x7: {  	_ = 	snop  }
__scs_overlays_trampoline_lowered:
0x8: {  	[smem:$0x3FAF] =	sst s0  }
0x9: {  	[smem:$0x3FB0] =	sst s1  }
0xa: {  	[smem:$0x3FB1] =	sst s2  }
0xb: {  	[smem:$0x3FB2] =	sst s3  }
0xc: {  	[smem:$0x3FB3] =	sst s4  }
0xd: {  	[smem:$0x3FB4] =	sst s5  }
0xe: {  	[smem:$0x3FB5] =	sst s6  }
0xf: {  	[smem:$0x3FB6] =	sst s7  }
0x10: {  	[smem:$0x3FB7] =	sst s8  }
0x11: {  	[smem:$0x3FB8] =	sst s9;
	s0 =	simm.s32 @!p0 $0x0  }
0x12: {  	s1 =	sld [smem:$0x3F9E];
	s0 =	simm.s32 @p0 $0x1  }
0x13: {  	[smem:$0x3FB9] =	sst s0;
	s0 =	simm.s32 @!p1 $0x0  }
0x14: {  	s2 =	sld [smem:$0x3F9D];
	s0 =	simm.s32 @p1 $0x1  }
0x15: {  	[smem:$0x3FBA] =	sst s0;
	s0 =	simm.s32 @!p2 $0x0  }
0x16: {  	s3 =	sld [smem:$0x3FDB];
	s0 =	simm.s32 @p2 $0x1  }
0x17: {  	s4 =	simm.s32 $0x1BF5;
	[smem:$0x3FBC] =	sst s0  }
0x18: {  	s0 =	sld [smem:$0x3F9F];
	_ =	swait.ge [sflag:s4], $0x0  }
0x19: {  	s7 =	sld [smem:$0x3FA0]  }
0x1a: {  	s8 =	sadd.s32 $0xFFFFE003, lr  }
0x1b: {  	s9 =	sadd.s32 $0xFFFFFEF7, lr;
	s5 =	simm.s32 $0xFFFFFFFF;
	p2 =	slt.u32 s8, $0xFFFFF086  }
0x1c: {  	p1 =	slt.u32 s9, $0xF7A;
	s5 =	simm.s32 @!p2 $0x0  }
0x1d: {  	s5 =	simm.s32 @p1 $0x1;
	p0 =	seq.s32 s7, s2  }
0x1e: {  	s7 =	smul.u32 @!p0 $0xF7A, s2;
	p2 =	seq.s32 @!p0 s5, $0x0  }
0x1f: {  	s9 =	smul.u32 $0xF7A, s1;
	s8 =	simm.s32 @!p0 $0x1BF5;
	p2 =	por !p2, p0  }
0x20: {  	[sflag:s8] =	ssyncset.s32 @!p0 $0xFFFFF086;
	s6 =	sadd.s32 @!p0 s3, s7;
	s7 =	simm.s32 @!p0 $0x108  }
0x21: {  	s3 =	sadd.s32 s3, s9;
	s6 =	sadd.s32 @!p0 $0x88, s6;
	s7 =	simm.s32 @p2 $0x1082  }
0x22: {  	[simem:s7], [sflag:s8] =	dma.local @!p0 [hbm:s6], $0xF7A  }
0x23: {  	s9 =	sor.u32 $0xD0000000, s2;
	s6 =	simm.s32 $0x108;
	_ =	swait.ge @!p0 [sflag:s8], $0x0  }
0x24: {  	s3 =	sadd.s32 $0x88, s3;
	s6 =	simm.s32 @!p1 $0x1082;
	[sflag:s4] =	ssyncset.s32 $0xFFFFF086  }
0x25: {  	[simem:s6], [sflag:s4] =	dma.local [hbm:s3], $0xF7A  }
0x26: {  	[smem:$0x3FA0] =	sst s1;
	(tag) =	ssettag s2;
	_ =	strace s9  }
0x27: {  	s1 =	sld [smem:$0x3FB0]  }
0x28: {  	s2 =	sld [smem:$0x3FB1]  }
0x29: {  	s4 =	sld [smem:$0x3FB3]  }
0x2a: {  	p0 =	seq.s32 s5, $0x0;
	s5 =	sld [smem:$0x3FB4]  }
0x2b: {  	s6 =	sld [smem:$0x3FB5]  }
0x2c: {  	s7 =	sld [smem:$0x3FB6]  }
0x2d: {  	s3 =	simm.s32 $0x108;
	s8 =	sld [smem:$0x3FB7]  }
0x2e: {  	s3 =	simm.s32 @!p0 $0x1082;
	s9 =	sld [smem:$0x3FB8]  }
0x2f: {  	lr =	sadd.s32 s0, s3;
	s0 =	sld [smem:$0x3FAF]  }
0x30: {  	s3 =	sld [smem:$0x3FB2]  }
0x31: {  	[smem:$0x3FBB] =	sst s10  }
0x32: {  	s10 =	sld [smem:$0x3FB9];
	_ =	sdelay $0x3  }
0x33: {  	p0 =	seq.s32 s10, $0x1;
	s10 =	sld [smem:$0x3FBB];
	_ =	sdelay $0x3  }
0x34: {  	[smem:$0x3FBB] =	sst s10  }
0x35: {  	s10 =	sld [smem:$0x3FBA];
	_ =	sdelay $0x3  }
0x36: {  	p1 =	seq.s32 s10, $0x1;
	s10 =	sld [smem:$0x3FBB];
	_ =	sdelay $0x3  }
0x37: {  	[smem:$0x3FBB] =	sst s10  }
0x38: {  	s10 =	sld [smem:$0x3FBC]  }
0x39: {  	_ = 	snop;
	(pc) =	sbr.ind lr, $3  }
0x3a: {  	_ = 	snop  }
0x3b: {  	_ = 	snop  }
0x3c: {  	p2 =	seq.s32 s10, $0x1;
	s10 =	sld [smem:$0x3FBB]  }
0x3d: {  	_ =	shalt  }
0x3e: {  	_ =	shalt  }
0x3f: {  	_ =	shalt  }
0x40: {  	_ =	shalt  }
0x41: {  	_ =	shalt  }
0x42: {  	_ =	shalt  }
0x43: {  	_ =	shalt  }
0x44: {  	_ =	shalt  }
0x45: {  	_ =	shalt  }
0x46: {  	_ =	shalt  }
0x47: {  	_ =	shalt  }
0x48: {  	_ =	shalt  }
0x49: {  	_ =	shalt  }
0x4a: {  	_ =	shalt  }
0x4b: {  	_ =	shalt  }
0x4c: {  	_ =	shalt  }
0x4d: {  	_ =	shalt  }
0x4e: {  	_ =	shalt  }
0x4f: {  	_ =	shalt  }
0x50: {  	_ =	shalt  }
0x51: {  	_ =	shalt  }
0x52: {  	_ =	shalt  }
0x53: {  	_ =	shalt  }
0x54: {  	_ =	shalt  }
0x55: {  	_ =	shalt  }
0x56: {  	_ =	shalt  }
0x57: {  	_ =	shalt  }
0x58: {  	_ =	shalt  }
0x59: {  	_ =	shalt  }
0x5a: {  	_ =	shalt  }
0x5b: {  	_ =	shalt  }
0x5c: {  	_ =	shalt  }
0x5d: {  	_ =	shalt  }
0x5e: {  	_ =	shalt  }
0x5f: {  	_ =	shalt  }
0x60: {  	_ =	shalt  }
0x61: {  	_ =	shalt  }
0x62: {  	_ =	shalt  }
0x63: {  	_ =	shalt  }
0x64: {  	_ =	shalt  }
0x65: {  	_ =	shalt  }
0x66: {  	_ =	shalt  }
0x67: {  	_ =	shalt  }
0x68: {  	_ =	shalt  }
0x69: {  	_ =	shalt  }
0x6a: {  	_ =	shalt  }
0x6b: {  	_ =	shalt  }
0x6c: {  	_ =	shalt  }
0x6d: {  	_ =	shalt  }
0x6e: {  	_ =	shalt  }
0x6f: {  	_ =	shalt  }
0x70: {  	_ =	shalt  }
0x71: {  	_ =	shalt  }
0x72: {  	_ =	shalt  }
0x73: {  	_ =	shalt  }
0x74: {  	_ =	shalt  }
0x75: {  	_ =	shalt  }
0x76: {  	_ =	shalt  }
0x77: {  	_ =	shalt  }
0x78: {  	_ =	shalt  }
0x79: {  	_ =	shalt  }
0x7a: {  	_ =	shalt  }
0x7b: {  	_ =	shalt  }
0x7c: {  	_ =	shalt  }
0x7d: {  	_ =	shalt  }
0x7e: {  	_ =	shalt  }
0x7f: {  	_ =	shalt  }
0x80: {  	_ =	shalt  }
0x81: {  	_ =	shalt  }
0x82: {  	_ =	shalt  }
0x83: {  	_ =	shalt  }
0x84: {  	_ =	shalt  }
0x85: {  	_ =	shalt  }
0x86: {  	_ =	shalt  }
0x87: {  	_ =	shalt  }
.Lfunc_end0:
.L_simem_size_0:
called_computation.2_lowered:
.L_overlay_start_0:
0x88: {  	s2 =	sld [smem:$0x3FD9]  }
0x89: {  	s3 =	sld [smem:$0x3FFE];
	_ =	sdelay $0x1  }
0x8a: {  	s1 =	srdreg.scid  }
0x8b: {  	s0 =	sand.u32 $0x1, s1  }
0x8c: {  	s16 =	sshll.u32 s0, $0xA;
	s2 =	sadd.s32 s3, s2  }
0x8d: {  	s2 =	sadd.s32 s2, s16  }
0x8e: {  	[smem:$0x3FC7] =	sst s2  }
0x8f: {  	_ = 	snop  }
0x90: {  	(tm) =	ssettm $0x1  }
0x91: {  	s17 =	sld [smem:$0x3FFB];
	_ =	sdelay $0x3  }
0x92: {  	_ =	strace s17  }
0x93: {  	s2 =	sld [smem:$0x3FFC];
	_ =	sdelay $0x3  }
0x94: {  	_ =	strace s2  }
0x95: {  	s2 =	sld [smem:$0x3FFD];
	_ =	sdelay $0x3  }
0x96: {  	_ =	strace s2  }
0x97: {  	_ =	strace $0x8FFFFFFF  }
0x98: {  	s18 =	sld [smem:$0x3FDB];
	_ =	sdelay $0x1  }
0x99: {  	s19 =	simm.s32 $_scs_section_size  }
0x9a: {  	s4 =	simm.s32 $_size__tile_overlayer_lowered;
	s5 =	simm.s32 $_tile_overlayer_lowered  }
0x9b: {  	s22 =	simm.s32 $0x1BFF;
	s21 =	sshll.u32 s5, $0x1;
	s2 =	sadd.s32 s19, s18  }
0x9c: {  	s6 =	simm.s32 $0x0;
	s20 =	sshll.u32 s4, $0x1;
	s4 =	sadd.s32 s21, s2  }
0x9d: {  	[timem:s6], [sflag:s22] =	dma.local [hbm:s4], s20  }
0x9e: {  	_ =	swait.ge [sflag:s22], s20  }
0x9f: {  	s3 =	ssub.s32 $0x0, s20;
	[sflag:s22] =	ssyncset.done $0x0  }
0xa0: {  	[sflag:s22] =	ssyncadd.s32 s3;
	_ =	sdelay $0x1  }
0xa1: {  	s23 =	simm.s32 $0x1B8B  }
0xa2: {  	_ =	swait.ge [sflag:s23], $0x1  }
0xa3: {  	[sflag:s23] =	ssyncset.done $0x0  }
0xa4: {  	s25 =	simm.s32 $0x1B8E;
	s24 =	sld [smem:$0x3FFE];
	[sflag:s23] =	ssyncadd.s32 $0xFFFFFFFF  }
0xa5: {  	s26 =	simm.s32 $execute0_lowered;
	[smem:$0x3FD2] =	sst s25  }
0xa6: {  	s4 =	sshll.u32 s26, $0x1;
	_ =	strace $0x8000004C;
	[dreg:$0x1] =	wrdreg $0xFFFFFFFF  }
0xa7: {  	s28 =	simm.s32 $_size_execute0_lowered;
	s2 =	sadd.s32 s2, s4;
	[dreg:$0x0] =	wrdreg $0x0  }
0xa8: {  	s4 =	sshll.u32 s28, $0x1;
	[dreg:$0x2] =	wrdreg s2  }
0xa9: {  	[dreg:$0x3] =	wrdreg s4  }
0xaa: {  	[dreg:$0x4] =	wrdreg $0xC0  }
0xab: {  	_ =	task [dreg:s6], $0x5FFFF  }
0xac: {  	[dreg:$0x1] =	wrdreg $0xFFFFFFFF  }
0xad: {  	[dreg:$0x0] =	wrdreg $0x60  }
0xae: {  	[dreg:$0x2] =	wrdreg s24  }
0xaf: {  	[dreg:$0x3] =	wrdreg $0x9  }
0xb0: {  	_ =	task.clear_ibuf [dreg:s6], $0x4FFFF;
	_ =	strace $0x9000004C  }
0xb1: {  	s29 =	simm.s32 $0x9;
	_ =	strace $0x8000004E  }
0xb2: {  	_ =	swait.ge [sflag:s29], $0x1  }
0xb3: {  	[sflag:s29] =	ssyncadd.s32 $0xFFFFFFFF  }
0xb4: {  	_ =	strace $0x9000004E  }
0xb5: {  	_ =	sfence  }
0xb6: {  	s30 =	sld [smem:$0x0];
	_ =	sdelay $0x2  }
0xb7: {  	s31 =	sshll.u32 s1, $0xD;
	s1 =	sshrl.u32 s1, $0x2  }
0xb8: {  	s3 =	sand.u32 $0x4000, s31;
	s1 =	sadd.s32 s1, s30  }
0xb9: {  	s0 =	sor.u32 s3, s0;
	s1 =	sshll.u32 s1, $0x11  }
0xba: {  	s0 =	sor.u32 s1, s0  }
0xbb: {  	s0 =	sadd.s32 $0x8F2B, s0  }
0xbc: {  	[sflag:s0] =	ssyncadd.remote.s32 $0x1  }
0xbd: {  	_ =	sfence.sel $0xFFFF  }
0xbe: {  	[dreg:$0x0] =	wrdreg $0xFFFFFFFF;
	(pc) =	sbr.abs _section_cstart, $3  }
0xbf: {  	[dreg:$0x1] =	wrdreg $0xFFFFFFFF  }
0xc0: {  	_ =	task.clear_ibuf [dreg:s6], $0x2FFFF;
	_ =	strace $0x9FFFFFFF  }
0xc1: {  	(tm) =	ssettm $0x7FFFFFFF  }
tec
execute0_lowered:
.L_overlay_start_1:
0x0: {  	(tag) =	ssettag $0x1  }
0x1: {  	s0 =	rddreg [dreg:$0x0]  }
0x2: {  	s1 =	simm.s32 $0x0;
	s2 =	srdreg.scid;
	s7 =	stileid.u32  }
0x3: {  	s11 =	simm.s32 $0x2;
	s12 =	simm.s32 $0x1F80;
	s13 =	simm.s32 $0x3F00  }
0x4: {  	s17 =	simm.s32 $0x1;
	s19 =	simm.s32 $0x0;
	[smem:$0x7FF] =	sst s1  }
0x5: {  	s2 =	sand.u32 $0x1, s2;
	s3 =	sadd.s32 $0x600, s0;
	s4 =	sadd.s32 $0x7A1A00, s0  }
0x6: {  	s5 =	sadd.s32 $0xB72600, s0;
	s6 =	sshll.u32 s2, $0x4;
	s2 =	ssub.s32 $0x2, s2  }
0x7: {  	_ =	strace $0x8000004D;
	s6 =	sor.u32 s7, s6;
	s31 =	sshrl.u32 s2, $0x1  }
0x8: {  	s7 =	sshll.u32 s6, $0x2;
	s8 =	sshll.u32 s6, $0x1;
	s2 =	ssub.s32 s2, s31  }
0x9: {  	v0 =	vlaneseq.u32;
	s6 =	smul.u32 $0xF4240, s6;
	s7 =	sadd.s32 s7, s0;
	s0 =	sadd.s32 s8, s0  }
0xa: {  	v1 =	vimm.s32 $0x0;
	v0 =	vor.u32 $0x80000000, v0;
	s9 =	smax.u32 s2, $0x1;
	s7 =	sadd.s32 $0xB72400, s7;
	s8 =	sadd.s32 $0x3D1000, s0  }
.LBB2_1:
0xb: {  	s0 =	simm.s32 $0x5F80  }
0xc: {  	[tilespmem:s0], [sflag:$0x2] =	stream.linear.gather [hbm4b:s7+s1], $0x20, $0x38;
	[tilespmem:$0x6080] =	vst v63  }
0xd: {  	_ =	swait.ge [sflag:s11], $0x20  }
0xe: {  	[sflag:s11] =	ssyncset.done $0x0  }
0xf: {  	[sflag:s11] =	ssyncadd.s32 $0xFFFFFFE0  }
0x10: {  	v2 =	vld [tilespmem:$0x5F90];
	_ =	sdelay $0x4  }
0x11: {  	(erf) = vrcp.f32 v2;
	_ =	sdelay $0x5  }
0x12: {  	v2 =	vld [tilespmem:$0x5F80];
	_ =	sdelay $0x1  }
0x13: {  	s2 =	simm.f32 $0.0e+00;
	s21 =	simm.f32 $-Inf  }
0x14: {  	s22 =	simm.s32 $0x0;
	s20 =	simm.s32 $0x0;
	s23 =	simm.s32 $0x0;
	v3 =	vpop (erf)  }
.LBB2_2:
0x15: {  	s0 =	smul.u32 $0x1F40, s23;
	_ =	sdelay $0x1  }
0x16: {  	s0 =	sadd.s32 s6, s0  }
0x17: {  	s0 =	sshrl.u32 s0, $0x3  }
0x18: {  	s14 =	simm.s32 $0x0;
	s10 =	sadd.s32 s4, s0  }
0x19: {  	[tilespmem:s12], [sflag:$0x2] =	stream.linear.gather [hbm4b:s10+s14], $0x1F40, $0x38;
	[tilespmem:$0x6080] =	vst v63  }
0x1a: {  	_ =	swait.ge [sflag:s11], $0x1F40  }
0x1b: {  	[sflag:s11] =	ssyncset.done $0x0  }
0x1c: {  	s0 =	sadd.s32 s5, s0;
	[sflag:s11] =	ssyncadd.s32 $0xFFFFE0C0  }
0x1d: {  	[tilespmem:s13], [sflag:$0x2] =	stream.linear.gather [hbm4b:s0+s14], $0x1F40, $0x38;
	[tilespmem:$0x6080] =	vst v63  }
0x1e: {  	_ =	swait.ge [sflag:s11], $0x1F40  }
0x1f: {  	[sflag:s11] =	ssyncset.done $0x0  }
0x20: {  	s15 =	simm.s32 $0x0;
	[sflag:s11] =	ssyncadd.s32 $0xFFFFE0C0  }
0x21: {  	v4 =	vld [tilespmem:s15+$0x1F80];
	_ =	sdelay $0x4  }
0x22: {  	vm0 =	vlt.s32 v4, $0x0;
	v5 =	vandn.u32 $0x7FFFFFFF, v4  }
0x23: {  	s16 =	simm.s32 $0x10;
	v4 =	vsel vm0, v4, v5  }
0x24: {  	v5 =	vld [tilespmem:s16+$0x1F80];
	v6 =	vsub.f32 v4, v2;
	_ =	sdelay $0x1  }
0x25: {  	v6 =	vmul.f32 $1.442695020e+00, v6;
	_ =	sdelay $0x1  }
0x26: {  	(erf) = vpow2.f32 v6  }
0x27: {  	vm0 =	vlt.s32 v5, $0x0;
	v6 =	vandn.u32 $0x7FFFFFFF, v5  }
0x28: {  	s18 =	simm.s32 $0x20;
	v5 =	vsel vm0, v5, v6  }
0x29: {  	v7 =	vld [tilespmem:s18+$0x1F80];
	v6 =	vsub.f32 v5, v2;
	_ =	sdelay $0x1  }
0x2a: {  	v6 =	vmul.f32 $1.442695020e+00, v6;
	_ =	sdelay $0x1  }
0x2b: {  	(erf) = vpow2.f32 v6  }
0x2c: {  	v8 =	vandn.u32 $0x7FFFFFFF, v7;
	vm0 =	vlt.s32 v7, $0x0  }
0x2d: {  	v7 =	vsel vm0, v7, v8;
	v6 =	vpop (erf)  }
0x2e: {  	v9 =	vsub.f32 v7, v2;
	v6 =	vmul.f32 v6, v3;
	_ =	sdelay $0x1  }
0x2f: {  	v9 =	vmul.f32 $1.442695020e+00, v9;
	(xrf2) =	vadd.scan.msk.f32 $0xffff, v6  }
0x30: {  	s25 =	simm.s32 $0x30  }
0x31: {  	v8 =	vld [tilespmem:s25+$0x1F80];
	_ =	sdelay $0x1  }
0x32: {  	(erf) = vpow2.f32 v9;
	v9 =	vpop (erf)  }
0x33: {  	v9 =	vmul.f32 v9, v3;
	_ =	sdelay $0x1  }
0x34: {  	vm0 =	vlt.s32 v8, $0x0;
	v10 =	vandn.u32 $0x7FFFFFFF, v8;
	(xrf2) =	vadd.scan.msk.f32 $0xffff, v9  }
0x35: {  	v8 =	vsel vm0, v8, v10  }
0x36: {  	s0 =	simm.s32 $0x40;
	v10 =	vsub.f32 v8, v2  }
0x37: {  	v11 =	vld [tilespmem:s0+$0x1F80];
	v12, _, _ =	vpop (xrf2)  }
0x38: {  	v10 =	vmul.f32 $1.442695020e+00, v10;
	(v2sf) =	vpush v12, $0xF;
	_ =	sdelay $0x2  }
0x39: {  	(erf) = vpow2.f32 v10  }
0x3a: {  	v13 =	vandn.u32 $0x7FFFFFFF, v11;
	vm0 =	vlt.s32 v11, $0x0;
	v10 =	vpop (erf)  }
0x3b: {  	s29 =	simm.s32 $0x50;
	v14 =	vmul.f32 v10, v3;
	v10 =	vsel vm0, v11, v13  }
0x3c: {  	v11 =	vld [tilespmem:s29+$0x1F80];
	v13 =	vsub.f32 v10, v2;
	v16, _, _ =	vpop (xrf2)  }
0x3d: {  	v15 =	vld [tilespmem:s15+$0x3F00];
	(v2sf) =	vpush v16, $0xF  }
0x3e: {  	v13 =	vmul.f32 $1.442695020e+00, v13  }
0x3f: {  	(xrf2) =	vadd.scan.msk.f32 $0xffff, v14;
	v6 =	vsub.f32 v12, v6  }
0x40: {  	(erf) = vpow2.f32 v13  }
0x41: {  	vm0 =	vlt.s32 v11, $0x0;
	v13 =	vadd.f32 s2, v6;
	v6 =	vandn.u32 $0x7FFFFFFF, v11  }
0x42: {  	s26 =	simm.s32 $0x60;
	v4 =	vadd.f32 v4, v15;
	v12 =	vpop (erf);
	v6 =	vsel vm0, v11, v6  }
0x43: {  	v12 =	vmul.f32 v12, v3;
	vm0 =	vle.f32 v13, $8.999999760e-01;
	v11 =	vsub.f32 v6, v2;
	v13 =	vld [tilespmem:s26+$0x1F80]  }
0x44: {  	v15 =	vld [tilespmem:s16+$0x3F00]  }
0x45: {  	(xrf2) =	vadd.scan.msk.f32 $0xffff, v12;
	v4 =	vnsel vm0, $0xFF800000, v4;
	v11 =	vmul.f32 $1.442695020e+00, v11;
	s30 =	spop (v2sf)  }
0x46: {  	(xrf0) =	vmax.scan.msk.f32 $0xffff, v4;
	v9 =	vsub.f32 v16, v9;
	s15 =	sadd.f32 s30, s2  }
0x47: {  	(erf) = vpow2.f32 v11  }
0x48: {  	vm0 =	vlt.s32 v13, $0x0;
	v16 =	vandn.u32 $0x7FFFFFFF, v13;
	v9 =	vadd.f32 s15, v9  }
0x49: {  	s24 =	simm.s32 $0x70;
	v15 =	vadd.f32 v5, v15;
	v17, _, _ =	vpop (xrf2);
	v5 =	vsel vm0, v13, v16  }
0x4a: {  	(v2sf) =	vpush v17, $0xF;
	v13 =	vld [tilespmem:s24+$0x1F80];
	v16 =	vsub.f32 v5, v2  }
0x4b: {  	v11 =	vpop (erf);
	vm0 =	vle.f32 v9, $8.999999760e-01  }
0x4c: {  	v14 =	vsub.f32 v17, v14;
	v16 =	vmul.f32 $1.442695020e+00, v16;
	v15 =	vnsel vm0, $0xFF800000, v15;
	s16 =	spop (v2sf);
	v9, _, _ =	vpop (xrf0)  }
0x4d: {  	v18 =	vld [tilespmem:s18+$0x3F00];
	v11 =	vmul.f32 v11, v3;
	(xrf0) =	vmax.scan.msk.f32 $0xffff, v15;
	s2 =	sadd.f32 s16, s15;
	(v2sf) =	vpush v9, $0xF;
	v9 =	vbroadcast v9, $0xF  }
0x4e: {  	v20 =	vor.u32 s22, v0;
	(erf) = vpow2.f32 v16  }
0x4f: {  	(xrf2) =	vadd.scan.msk.f32 $0xffff, v11;
	v19, _, _ =	vpop (xrf2);
	v17 =	vandn.u32 $0x7FFFFFFF, v13;
	v14 =	vadd.f32 s2, v14;
	vm0 =	veq.f32 v4, v9  }
0x50: {  	(v2sf) =	vpush v19, $0xF;
	v4 =	vpop (erf);
	v16 =	vnsel vm0, $0xC0000000, v20;
	vm0 =	vlt.s32 v13, $0x0  }
0x51: {  	v9 =	vmul.f32 v4, v3;
	v4 =	vsel vm0, v13, v17  }
0x52: {  	v7 =	vadd.f32 v7, v18;
	(xrf0) =	vmin.scan.msk.u32 $0xffff, v16;
	v13 =	vsub.f32 v4, v2  }
0x53: {  	vm0 =	vle.f32 v14, $8.999999760e-01;
	v14, _, _ =	vpop (xrf0);
	(xrf2) =	vadd.scan.msk.f32 $0xffff, v9  }
0x54: {  	v17 =	vnsel vm0, $0xFF800000, v7;
	v7 =	vbroadcast v14, $0xF;
	v13 =	vmul.f32 $1.442695020e+00, v13  }
0x55: {  	s28 =	simm.s32 $0x80;
	s18 =	sadd.s32 $0x10, s22  }
0x56: {  	v62 =	vor.u32 s18, v0;
	v16 =	vld [tilespmem:s28+$0x1F80];
	(xrf0) =	vmax.scan.msk.f32 $0xffff, v17;
	vm0 =	veq.f32 v15, v7  }
0x57: {  	v7 =	vsub.f32 v19, v12;
	v12 =	vnsel vm0, $0xC0000000, v62  }
0x58: {  	v18 =	vld [tilespmem:s25+$0x3F00];
	(v2sf) =	vpush v14, $0xF;
	(erf) = vpow2.f32 v13;
	v13, _, _ =	vpop (xrf0);
	(xrf0) =	vmin.scan.msk.u32 $0xffff, v12  }
0x59: {  	s25 =	spop (v2sf);
	v15, _, _ =	vpop (xrf2)  }
0x5a: {  	s2 =	sadd.f32 s25, s2;
	(v2sf) =	vpush v15, $0xF  }
0x5b: {  	vm0 =	vlt.s32 v16, $0x0;
	v12 =	vandn.u32 $0x7FFFFFFF, v16;
	(v2sf) =	vpush v13, $0xF;
	v13 =	vpop (erf)  }
0x5c: {  	v19 =	vadd.f32 s2, v7;
	v7 =	vsel vm0, v16, v12;
	v16, _, _ =	vpop (xrf0)  }
0x5d: {  	v12 =	vadd.f32 v8, v18;
	v8 =	vmul.f32 v13, v3;
	s14 =	spop (v2sf);
	(v2sf) =	vpush v16, $0xF;
	v13, _, _ =	vpop (xrf2)  }
0x5e: {  	v11 =	vsub.f32 v15, v11;
	(v2sf) =	vpush v13, $0xF;
	v15, _, _ =	vpop (xrf0)  }
0x5f: {  	s25 =	simm.s32 $0x90;
	vm0 =	vle.f32 v19, $8.999999760e-01;
	s30 =	spop (v2sf);
	(v2sf) =	vpush v15, $0xF  }
0x60: {  	v14 =	vld [tilespmem:s25+$0x1F80];
	v18 =	vsub.f32 v7, v2;
	v12 =	vnsel vm0, $0xFF800000, v12;
	(xrf2) =	vadd.scan.msk.f32 $0xffff, v8  }
0x61: {  	s31 =	sadd.s32 $0x10, s18;
	v19 =	vld [tilespmem:s0+$0x3F00];
	v63 =	vbroadcast v16, $0xF;
	(xrf0) =	vmax.scan.msk.f32 $0xffff, v12  }
0x62: {  	v16 =	vmul.f32 $1.442695020e+00, v18;
	v18 =	vor.u32 s31, v0  }
0x63: {  	vm0 =	veq.f32 v17, v63;
	s2 =	sadd.f32 s30, s2  }
0x64: {  	p0 =	sgt.f32 s14, s21;
	(erf) = vpow2.f32 v16;
	v16 =	vnsel vm0, $0xC0000000, v18  }
0x65: {  	s10 =	simm.s32 $0x280;
	v17 =	vandn.u32 $0x7FFFFFFF, v14;
	v18 =	vpop (erf);
	(xrf0) =	vmin.scan.msk.u32 $0xffff, v16;
	v15 =	vadd.f32 s2, v11  }
0x66: {  	s0 =	simm.s32 $0x2C0;
	vm0 =	vlt.s32 v14, $0x0;
	s21 =	smov.u32 @p0 s14;
	p0 =	por p0, p0;
	v16 =	vadd.f32 v10, v19;
	v11 =	vmul.f32 v18, v3  }
.LBB2_3:
0x67: {  	p1 =	sne.s32 s0, $0x7CC0;
	s14 =	sshra.s32 s10, $0x2;
	v20 =	vsel vm0, v14, v17;
	vm0 =	vle.f32 v15, $8.999999760e-01;
	v15, _, _ =	vpop (xrf0);
	s15 =	spop (v2sf);
	v18 =	vmov v4  }
0x68: {  	v4 =	vmovc v7;
	s10 =	smov.u32 s0;
	v14 =	vld [tilespmem:s14+$0x1F80];
	v21 =	vsub.f32 v20, v2;
	(xrf2) =	vadd.scan.msk.f32 $0xffff, v11;
	v16 =	vnsel vm0, $0xFF800000, v16;
	(v2sf) =	vpush v15, $0xF;
	p2 =	sgt.f32 s15, s21  }
0x69: {  	s31 =	sadd.s32 $0x10, s31;
	v10 =	vmovc v8;
	v15 =	vbroadcast v15, $0xF;
	v7 =	vmov v20;
	v8 =	vmov v11;
	v19 =	vld [tilespmem:s29+$0x3F00];
	(xrf0) =	vmax.scan.msk.f32 $0xffff, v16;
	s29 =	smov.u32 s26;
	s26 =	smov.u32 s24  }
.Ltmp0:
0x6a: {  	v20 =	vor.u32 s31, v0;
	v11 =	vmul.f32 $1.442695020e+00, v21;
	v17, _, _ =	vpop (xrf2);
	s24 =	spop (v2sf);
	s21 =	smov.u32 @p2 s15;
	(pc) =	sbr.rel @p1 .LBB2_3-.Ltmp0, $4  }
0x6b: {  	v21 =	vsub.f32 v13, v9;
	vm0 =	veq.f32 v12, v15;
	(v2sf) =	vpush v17, $0xF;
	s2 =	sadd.f32 s24, s2;
	v12, _, _ =	vpop (xrf0);
	s15 =	spop (v2sf);
	s24 =	smov.u32 s28  }
0x6c: {  	v13 =	vmovc v17;
	s28 =	smov.u32 s25;
	s25 =	smov.u32 s14;
	(erf) = vpow2.f32 v11;
	v11 =	vnsel vm0, $0xC0000000, v20;
	(v2sf) =	vpush v12, $0xF;
	s15 =	sxor.u32 $0x80000000, s15;
	v12 =	vmovc v16  }
0x6d: {  	v9 =	vmov v10;
	vm0 =	vlt.s32 v14, $0x0;
	v16 =	vpop (erf);
	v15 =	vadd.f32 s2, v21;
	(xrf0) =	vmin.scan.msk.u32 $0xffff, v11;
	s20 =	smov.u32 @p0 s15;
	p0 =	por p2, p2  }
0x6e: {  	s0 =	sadd.s32 $0x40, s0;
	v17 =	vandn.u32 $0x7FFFFFFF, v14;
	v11 =	vmul.f32 v16, v3;
	v16 =	vadd.f32 v6, v19;
	v6 =	vmovc v5;
	v5 =	vmovc v18  }
0x6f: {  	v10 =	vsel vm0, v14, v17  }
0x70: {  	v14 =	vsub.f32 v10, v2;
	_ =	sdelay $0x1  }
0x71: {  	v14 =	vmul.f32 $1.442695020e+00, v14;
	_ =	sdelay $0x1  }
0x72: {  	vm13 =	vle.f32 v15, $8.999999760e-01;
	(xrf2) =	vadd.scan.msk.f32 $0xffff, v11;
	(erf) = vpow2.f32 v14  }
0x73: {  	s0 =	sshra.s32 s10, $0x2;
	v63 =	vld [tilespmem:s29+$0x3F00];
	v15 =	vnsel vm13, $0xFF800000, v16  }
0x74: {  	v62, _, _ =	vpop (xrf0);
	s30 =	spop (v2sf);
	v61 =	vld [tilespmem:s0+$0x1F80];
	(xrf0) =	vmax.scan.msk.f32 $0xffff, v15  }
0x75: {  	v18 =	vbroadcast v62, $0xF;
	s15 =	spop (v2sf)  }
0x76: {  	s14 =	sadd.s32 $0x10, s31;
	v9 =	vsub.f32 v13, v9;
	(v2sf) =	vpush v62, $0xF;
	s2 =	sadd.f32 s15, s2;
	v21, _, _ =	vpop (xrf2)  }
0x77: {  	v22 =	vor.u32 s14, v0;
	vm14 =	veq.f32 v12, v18;
	(v2sf) =	vpush v21, $0xF;
	v23 =	vpop (erf)  }
0x78: {  	s29 =	spop (v2sf);
	v12 =	vnsel vm14, $0xC0000000, v22;
	v9 =	vadd.f32 s2, v9;
	v13 =	vmul.f32 v23, v3  }
0x79: {  	v25 =	vld [tilespmem:s26+$0x3F00];
	v24, _, _ =	vpop (xrf0);
	v6 =	vadd.f32 v6, v63;
	vm15 =	vlt.s32 v61, $0x0;
	v19 =	vandn.u32 $0x7FFFFFFF, v61;
	s31 =	spop (v2sf)  }
0x7a: {  	v8 =	vsub.f32 v21, v8;
	vm4 =	vle.f32 v9, $8.999999760e-01;
	v14 =	vsel vm15, v61, v19;
	v26, _, _ =	vpop (xrf0);
	(xrf2) =	vadd.scan.msk.f32 $0xffff, v13;
	s16 =	spop (v2sf)  }
0x7b: {  	(v2sf) =	vpush v24, $0xF;
	v6 =	vnsel vm4, $0xFF800000, v6;
	v27 =	vsub.f32 v14, v2;
	s10 =	sadd.f32 s16, s2;
	v28 =	vpop (erf)  }
0x7c: {  	(xrf0) =	vmin.scan.msk.u32 $0xffff, v12;
	(v2sf) =	vpush v26, $0xF;
	v9 =	vbroadcast v26, $0xF;
	v29, _, _ =	vpop (xrf2);
	v16 =	vmul.f32 v28, v3  }
0x7d: {  	s14 =	sadd.s32 $0x10, s14;
	(xrf0) =	vmax.scan.msk.f32 $0xffff, v6;
	(v2sf) =	vpush v29, $0xF;
	v8 =	vadd.f32 s10, v8  }
0x7e: {  	v30 =	vor.u32 s14, v0;
	v5 =	vadd.f32 v5, v25;
	vm5 =	veq.f32 v15, v9;
	(xrf2) =	vadd.scan.msk.f32 $0xffff, v16  }
0x7f: {  	v31 =	vmul.f32 $1.442695020e+00, v27;
	v15 =	vnsel vm5, $0xC0000000, v30;
	vm6 =	vle.f32 v8, $8.999999760e-01  }
0x80: {  	(xrf0) =	vmin.scan.msk.u32 $0xffff, v15;
	v5 =	vnsel vm6, $0xFF800000, v5  }
0x81: {  	(erf) = vpow2.f32 v31;
	(xrf0) =	vmax.scan.msk.f32 $0xffff, v5  }
0x82: {  	v32, _, _ =	vpop (xrf0)  }
0x83: {  	(v2sf) =	vpush v32, $0xF;
	v33, _, _ =	vpop (xrf0)  }
0x84: {  	(v2sf) =	vpush v33, $0xF;
	v34, _, _ =	vpop (xrf2)  }
0x85: {  	(v2sf) =	vpush v34, $0xF  }
0x86: {  	s2 =	spop (v2sf);
	v15, _, _ =	vpop (xrf0)  }
0x87: {  	v36 =	vld [tilespmem:s24+$0x3F00];
	s26 =	spop (v2sf);
	(v2sf) =	vpush v15, $0xF;
	v35, _, _ =	vpop (xrf0)  }
0x88: {  	s15 =	spop (v2sf);
	(v2sf) =	vpush v35, $0xF;
	v37, _, _ =	vpop (xrf2)  }
0x89: {  	v38 =	vsub.f32 v29, v11;
	s15 =	sadd.f32 s15, s10;
	(v2sf) =	vpush v37, $0xF  }
0x8a: {  	v8 =	vbroadcast v33, $0xF;
	s24 =	spop (v2sf);
	v39 =	vpop (erf)  }
0x8b: {  	v40 =	vld [tilespmem:s28+$0x3F00];
	s14 =	sadd.s32 $0x10, s14;
	v12 =	vmul.f32 v39, v3;
	v11 =	vadd.f32 s15, v38;
	s10 =	spop (v2sf)  }
0x8c: {  	v20 =	vor.u32 s14, v0;
	v4 =	vadd.f32 v4, v36;
	vm7 =	veq.f32 v6, v8;
	s18 =	spop (v2sf)  }
0x8d: {  	v8 =	vnsel vm7, $0xC0000000, v20;
	v41 =	vsub.f32 v34, v13;
	(xrf2) =	vadd.scan.msk.f32 $0xffff, v12;
	vm8 =	vle.f32 v11, $8.999999760e-01;
	s16 =	sadd.f32 s18, s15  }
0x8e: {  	(xrf0) =	vmin.scan.msk.u32 $0xffff, v8;
	v42 =	vbroadcast v35, $0xF;
	v4 =	vnsel vm8, $0xFF800000, v4  }
0x8f: {  	(xrf0) =	vmax.scan.msk.f32 $0xffff, v4;
	s18 =	sadd.s32 $0x10, s14;
	v6 =	vadd.f32 s16, v41  }
0x90: {  	vm9 =	veq.f32 v5, v42;
	v5 =	vadd.f32 v7, v40;
	v43 =	vor.u32 s18, v0  }
0x91: {  	v44 =	vnsel vm9, $0xC0000000, v43;
	vm10 =	vle.f32 v6, $8.999999760e-01  }
0x92: {  	s28 =	spop (v2sf);
	(xrf0) =	vmin.scan.msk.u32 $0xffff, v44;
	v5 =	vnsel vm10, $0xFF800000, v5  }
0x93: {  	v45 =	vld [tilespmem:s25+$0x3F00];
	s15 =	spop (v2sf);
	(xrf0) =	vmax.scan.msk.f32 $0xffff, v5  }
0x94: {  	v46, _, _ =	vpop (xrf0);
	s25 =	spop (v2sf)  }
0x95: {  	v48 =	vsub.f32 v37, v16;
	v47, _, _ =	vpop (xrf0);
	s16 =	sadd.f32 s25, s16  }
0x96: {  	v51 =	vbroadcast v47, $0xF;
	s25 =	spop (v2sf)  }
0x97: {  	v50 =	vld [tilespmem:s0+$0x3F00];
	s18 =	sadd.s32 $0x10, s18;
	v49, _, _ =	vpop (xrf2);
	v9 =	vadd.f32 s16, v48;
	s14 =	spop (v2sf)  }
0x98: {  	v53 =	vor.u32 s18, v0;
	v6 =	vadd.f32 v10, v45;
	vm11 =	veq.f32 v4, v51;
	v52, _, _ =	vpop (xrf0);
	s0 =	spop (v2sf)  }
0x99: {  	v12 =	vsub.f32 v49, v12;
	v55 =	vnsel vm11, $0xC0000000, v53;
	v54, _, _ =	vpop (xrf0);
	vm1 =	vle.f32 v9, $8.999999760e-01;
	s0 =	sadd.f32 s0, s16  }
0x9a: {  	(xrf0) =	vmin.scan.msk.u32 $0xffff, v55;
	v4 =	vbroadcast v54, $0xF;
	v6 =	vnsel vm1, $0xFF800000, v6  }
0x9b: {  	(v2sf) =	vpush v46, $0xF;
	s18 =	sadd.s32 $0x10, s18;
	(xrf0) =	vmax.scan.msk.f32 $0xffff, v6;
	v12 =	vadd.f32 s0, v12  }
0x9c: {  	v56 =	vor.u32 s18, v0;
	vm12 =	veq.f32 v5, v4;
	v4 =	vadd.f32 v14, v50  }
0x9d: {  	v5 =	vnsel vm12, $0xC0000000, v56;
	vm13 =	vle.f32 v12, $8.999999760e-01  }
0x9e: {  	(v2sf) =	vpush v47, $0xF;
	(xrf0) =	vmin.scan.msk.u32 $0xffff, v5;
	v4 =	vnsel vm13, $0xFF800000, v4  }
0x9f: {  	p2 =	sgt.f32 s30, s21;
	(xrf0) =	vmax.scan.msk.f32 $0xffff, v4  }
0xa0: {  	v5, _, _ =	vpop (xrf0)  }
0xa1: {  	s21 =	smov.u32 @p2 s30;
	v57, _, _ =	vpop (xrf0)  }
0xa2: {  	p1 =	sgt.f32 s31, s21;
	v58 =	vbroadcast v57, $0xF  }
0xa3: {  	(v2sf) =	vpush v49, $0xF;
	s16 =	sadd.s32 $0x10, s18  }
0xa4: {  	s21 =	smov.u32 @p1 s31;
	(v2sf) =	vpush v52, $0xF;
	v61 =	vor.u32 s16, v0;
	v59, _, _ =	vpop (xrf0);
	vm14 =	veq.f32 v6, v58  }
0xa5: {  	p4 =	sgt.f32 s26, s21;
	(v2sf) =	vpush v54, $0xF;
	v8 =	vnsel vm14, $0xC0000000, v61;
	v60, _, _ =	vpop (xrf0)  }
0xa6: {  	(xrf0) =	vmin.scan.msk.u32 $0xffff, v8;
	v62 =	vbroadcast v60, $0xF  }
0xa7: {  	s21 =	smov.u32 @p4 s26;
	s16 =	sadd.s32 $0x10, s16;
	(v2sf) =	vpush v5, $0xF  }
0xa8: {  	p3 =	sgt.f32 s10, s21;
	v63 =	vor.u32 s16, v0;
	(v2sf) =	vpush v57, $0xF;
	vm15 =	veq.f32 v4, v62  }
0xa9: {  	v4 =	vnsel vm15, $0xC0000000, v63  }
0xaa: {  	s2 =	sxor.u32 $0x80000000, s2;
	s21 =	smov.u32 @p3 s10;
	s16 =	sxor.u32 $0x80000000, s29;
	(v2sf) =	vpush v59, $0xF  }
0xab: {  	s31 =	spop (v2sf);
	s20 =	smov.u32 @p0 s16;
	p0 =	por p2, p2;
	(v2sf) =	vpush v60, $0xF;
	(xrf0) =	vmin.scan.msk.u32 $0xffff, v4  }
0xac: {  	s20 =	smov.u32 @p0 s2;
	p0 =	sgt.f32 s15, s21;
	v4, _, _ =	vpop (xrf0)  }
0xad: {  	s16 =	spop (v2sf);
	(v2sf) =	vpush v4, $0xF  }
0xae: {  	p1 =	por p1, p1;
	s2 =	sxor.u32 $0x80000000, s24;
	s21 =	smov.u32 @p0 s15  }
0xaf: {  	s20 =	smov.u32 @p1 s2;
	p1 =	sgt.f32 s14, s21  }
0xb0: {  	s18 =	sxor.u32 $0x80000000, s25;
	p2 =	por p4, p4;
	s2 =	sxor.u32 $0x80000000, s28  }
0xb1: {  	s20 =	smov.u32 @p2 s2;
	p2 =	por p3, p3;
	s21 =	smov.u32 @p1 s14;
	v4, _, _ =	vpop (xrf0)  }
0xb2: {  	s20 =	smov.u32 @p2 s18;
	p2 =	sgt.f32 s16, s21;
	s24 =	spop (v2sf);
	(v2sf) =	vpush v4, $0xF  }
0xb3: {  	s10 =	sxor.u32 $0x80000000, s31;
	s26 =	spop (v2sf)  }
0xb4: {  	p0 =	por p0, p0;
	s21 =	smov.u32 @p2 s16;
	s14 =	spop (v2sf)  }
0xb5: {  	s20 =	smov.u32 @p0 s10;
	p0 =	por p1, p1;
	p1 =	sgt.f32 s14, s21  }
0xb6: {  	s28 =	spop (v2sf)  }
0xb7: {  	s2 =	sxor.u32 $0x80000000, s26;
	s21 =	smov.u32 @p1 s14;
	s10 =	spop (v2sf)  }
0xb8: {  	s20 =	smov.u32 @p0 s2;
	p0 =	por p2, p2;
	p2 =	sgt.f32 s10, s21  }
0xb9: {  	s2 =	sxor.u32 $0x80000000, s28;
	s29 =	spop (v2sf)  }
0xba: {  	s20 =	smov.u32 @p0 s2;
	s21 =	smov.u32 @p2 s10;
	s10 =	spop (v2sf)  }
0xbb: {  	p0 =	por p1, p1;
	s2 =	sxor.u32 $0x80000000, s29;
	p1 =	sgt.f32 s10, s21  }
0xbc: {  	s23 =	sadd.s32 $0x1, s23;
	s20 =	smov.u32 @p0 s2;
	s30 =	spop (v2sf)  }
0xbd: {  	p0 =	por p2, p2;
	s21 =	smov.u32 @p1 s10;
	s2 =	sxor.u32 $0x80000000, s30  }
0xbe: {  	s20 =	smov.u32 @p0 s2;
	p0 =	por p1, p1;
	p1 =	sne.s32 s23, $0x7D  }
.Ltmp1:
0xbf: {  	_ = 	snop;
	(pc) =	sbr.rel @p1 .LBB2_2-.Ltmp1, $4  }
0xc0: {  	_ = 	snop  }
0xc1: {  	s31 =	spop (v2sf)  }
0xc2: {  	s10 =	sxor.u32 $0x80000000, s31  }
0xc3: {  	s22 =	sadd.s32 $0x1F40, s22;
	s2 =	sadd.f32 s24, s0;
	s20 =	smov.u32 @p0 s10  }
0xc4: {  	s0 =	sadd.s32 s6, s20  }
0xc5: {  	v2 =	vmov s0  }
0xc6: {  	s31 =	simm.s32 $0x10;
	s2 =	simm.s32 $0x5E80;
	s10 =	simm.s32 $0x5F00;
	[tilespmem:$0x5E80] =	vst v2  }
0xc7: {  	[tilespmem:s10], [sflag:$0x1] =	stream.indirect.gather [hbm4b:s4+s31], $0x1, s2, s31, $0xb8;
	[tilespmem:$0x6080] =	vst v63  }
0xc8: {  	_ =	swait.ge [sflag:s17], $0x10  }
0xc9: {  	[sflag:s17] =	ssyncset.done $0x0  }
0xca: {  	[sflag:s17] =	ssyncadd.s32 $0xFFFFFFF0  }
0xcb: {  	v2 =	vld [tilespmem:$0x5F00];
	_ =	sdelay $0x1  }
0xcc: {  	v3 =	vimm.s32 $0x0;
	s0 =	simm.s32 $0x0;
	s2 =	simm.s32 $0x0  }
.LBB2_6:
0xcd: {  	s10 =	smul.u32 $0x1F40, s2;
	_ =	sdelay $0x1  }
0xce: {  	s10 =	sadd.s32 s6, s10  }
0xcf: {  	s10 =	sshrl.u32 s10, $0x3  }
0xd0: {  	s10 =	sadd.s32 s3, s10  }
0xd1: {  	[tilespmem:s0], [sflag:$0x2] =	stream.linear.gather [hbm4b:s10+s0], $0x1F40, $0x38;
	[tilespmem:$0x6080] =	vst v63  }
0xd2: {  	_ =	swait.ge [sflag:s11], $0x1F40  }
0xd3: {  	[sflag:s11] =	ssyncset.done $0x0  }
0xd4: {  	s14 =	simm.s32 $0x0;
	[sflag:s11] =	ssyncadd.s32 $0xFFFFE0C0  }
0xd5: {  	v4 =	vld [tilespmem:s14+$0x0];
	_ =	sdelay $0x3  }
0xd6: {  	s10 =	simm.s32 $0x40  }
.LBB2_7:
0xd7: {  	s14 =	sshra.s32 s10, $0x2;
	p0 =	sne.s32 s10, $0x7CC0;
	s10 =	sadd.s32 $0x40, s10;
	vm0 =	vlt.s32 v4, $0x0;
	v5 =	vandn.u32 $0x7FFFFFFF, v4  }
.Ltmp2:
0xd8: {  	v5 =	vsel vm0, v4, v5;
	v4 =	vld [tilespmem:s14+$0x0];
	(pc) =	sbr.rel @p0 .LBB2_7-.Ltmp2, $3  }
0xd9: {  	vm0 =	vlt.u32 v5, v2  }
0xda: {  	v5 =	vmpcnt.ones.xlane vm0;
	_ =	sdelay $0x1  }
0xdb: {  	v3 =	vadd.s32 v3, v5  }
0xdc: {  	s2 =	sadd.s32 $0x1, s2  }
0xdd: {  	vm0 =	vlt.s32 v4, $0x0;
	v5 =	vandn.u32 $0x7FFFFFFF, v4;
	p0 =	sne.s32 s2, $0x7D  }
.Ltmp3:
0xde: {  	v4 =	vsel vm0, v4, v5;
	(pc) =	sbr.rel @p0 .LBB2_6-.Ltmp3, $3  }
0xdf: {  	vm0 =	vlt.u32 v4, v2  }
0xe0: {  	v4 =	vmpcnt.ones.xlane vm0;
	_ =	sdelay $0x1  }
0xe1: {  	v3 =	vadd.s32 v3, v4  }
0xe2: {  	v3 =	vxor.u32 $0x80000000, v3  }
0xe3: {  	(xrf0) =	vmax.scan.msk.u32 $0xffff, v3;
	_ =	sdelay $0x5  }
0xe4: {  	v3, _, _ =	vpop (xrf0)  }
0xe5: {  	(v2sf) =	vpush v3, $0xF;
	_ =	sdelay $0xe  }
0xe6: {  	s0 =	spop (v2sf)  }
0xe7: {  	s0 =	sxor.u32 $0x80000000, s0  }
0xe8: {  	s23 =	simm.s32 $0xFFFFFFFF;
	s21 =	simm.s32 $0x0;
	s0 =	ssub.s32 s20, s0  }
0xe9: {  	s22 =	simm.s32 $0x0;
	s20 =	simm.s32 $0x0;
	v3 =	vmov s0;
	s0 =	simm.s32 $0x0  }
.LBB2_10:
0xea: {  	s2 =	smul.u32 $0x1F40, s22;
	_ =	sdelay $0x1  }
0xeb: {  	s2 =	sadd.s32 s6, s2  }
0xec: {  	s2 =	sshrl.u32 s2, $0x3  }
0xed: {  	s2 =	sadd.s32 s3, s2  }
0xee: {  	[tilespmem:s20], [sflag:$0x2] =	stream.linear.gather [hbm4b:s2+s20], $0x1F40, $0x38;
	[tilespmem:$0x6080] =	vst v63  }
0xef: {  	_ =	swait.ge [sflag:s11], $0x1F40  }
0xf0: {  	[sflag:s11] =	ssyncset.done $0x0  }
0xf1: {  	s29 =	simm.s32 $0x0;
	[sflag:s11] =	ssyncadd.s32 $0xFFFFE0C0  }
0xf2: {  	v4 =	vld [tilespmem:s29+$0x0];
	_ =	sdelay $0x2  }
0xf3: {  	s30 =	simm.s32 $0x10  }
0xf4: {  	v6 =	vld [tilespmem:s30+$0x0]  }
0xf5: {  	vm0 =	vlt.s32 v4, $0x0;
	v5 =	vandn.u32 $0x7FFFFFFF, v4  }
0xf6: {  	v4 =	vsel vm0, v4, v5  }
0xf7: {  	vm0 =	veq.s32 v4, v2  }
0xf8: {  	v4 =	vsel vm0, $0x1, v1  }
0xf9: {  	vm1 =	vlt.s32 v6, $0x0;
	(xrf0) =	vadd.scan.msk.s32 $0xffff, v4;
	v4 =	vandn.u32 $0x7FFFFFFF, v6  }
0xfa: {  	s31 =	simm.s32 $0x20;
	v4 =	vsel vm1, v6, v4  }
0xfb: {  	v5 =	vld [tilespmem:s31+$0x0];
	vm1 =	veq.s32 v4, v2  }
0xfc: {  	v4 =	vsel vm1, $0x1, v1;
	_ =	sdelay $0x2  }
0xfd: {  	(xrf0) =	vadd.scan.msk.s32 $0xffff, v4;
	v4, _, _ =	vpop (xrf0)  }
0xfe: {  	s10 =	simm.s32 $0x30;
	vm2 =	vlt.s32 v5, $0x0;
	v6 =	vandn.u32 $0x7FFFFFFF, v5;
	(v2sf) =	vpush v4, $0xF  }
0xff: {  	v7 =	vld [tilespmem:s10+$0x0];
	v5 =	vsel vm2, v5, v6  }
0x100: {  	vm2 =	veq.s32 v5, v2  }
0x101: {  	v5 =	vsel vm2, $0x1, v1;
	_ =	sdelay $0x2  }
0x102: {  	s14 =	simm.s32 $0x40;
	vm3 =	vlt.s32 v7, $0x0;
	vm0 =	vmmov vm0;
	v6 =	vandn.u32 $0x7FFFFFFF, v7;
	(xrf0) =	vadd.scan.msk.s32 $0xffff, v5;
	v5, _, _ =	vpop (xrf0)  }
0x103: {  	v8 =	vld [tilespmem:s14+$0x0];
	vm0 =	vmmov vm0;
	v6 =	vsel vm3, v7, v6;
	(v2sf) =	vpush v5, $0xF  }
0x104: {  	vm0 =	vmmov vm0;
	vm3 =	veq.s32 v6, v2  }
0x105: {  	vm0 =	vmmov vm0;
	v6 =	vsel vm3, $0x1, v1  }
0x106: {  	vm1 =	vmmov vm1;
	v7 =	vsel vm0, $0xFFFFFFFF, v1  }
0x107: {  	vm1 =	vmmov vm1;
	v7 =	vadd.s32 s0, v7  }
0x108: {  	vm4 =	vlt.s32 v8, $0x0;
	vm1 =	vmmov vm1;
	v4 =	vadd.s32 v4, v7;
	(xrf0) =	vadd.scan.msk.s32 $0xffff, v6;
	v6, _, _ =	vpop (xrf0)  }
0x109: {  	s15 =	simm.s32 $0x50;
	v7 =	vandn.u32 $0x7FFFFFFF, v8;
	vm5 =	veq.s32 v4, v3;
	(v2sf) =	vpush v6, $0xF  }
0x10a: {  	v4 =	vld [tilespmem:s15+$0x0];
	v7 =	vsel vm4, v8, v7;
	v8 =	vor.u32 s21, v0;
	vm0 =	vmand vm0, vm5  }
0x10b: {  	vm4 =	veq.s32 v7, v2;
	v7 =	vnsel vm0, $0x7FFFFFFF, v8;
	vm0 =	vmmov vm1;
	s16 =	spop (v2sf)  }
0x10c: {  	vm2 =	vmmov vm2;
	v8 =	vsel vm4, $0x1, v1;
	v9 =	vsel vm0, $0xFFFFFFFF, v1;
	(xrf0) =	vmax.scan.msk.u32 $0xffff, v7;
	s18 =	sadd.s32 s0, s16  }
0x10d: {  	vm2 =	vmmov vm2;
	(xrf0) =	vadd.scan.msk.s32 $0xffff, v8;
	v8 =	vadd.s32 s18, v9  }
0x10e: {  	vm1 =	vmmov vm3;
	vm3 =	vmmov vm4;
	v5 =	vadd.s32 v5, v8  }
0x10f: {  	s10 =	sadd.s32 $0x10, s21;
	vm4 =	vlt.s32 v4, $0x0;
	v8 =	vandn.u32 $0x7FFFFFFF, v4;
	vm5 =	veq.s32 v5, v3  }
0x110: {  	s24 =	simm.s32 $0x60;
	v4 =	vsel vm4, v4, v8;
	v8 =	vor.u32 s10, v0;
	vm0 =	vmand vm0, vm5  }
0x111: {  	vm2 =	vmmov vm2;
	v5 =	vld [tilespmem:s24+$0x0];
	vm4 =	veq.s32 v4, v2;
	v4 =	vnsel vm0, $0x7FFFFFFF, v8  }
0x112: {  	vm1 =	vmmov vm1;
	v7, _, _ =	vpop (xrf0);
	s25 =	spop (v2sf);
	vm0 =	vmmov vm2  }
0x113: {  	vm1 =	vmmov vm1;
	(v2sf) =	vpush v7, $0xF;
	s0 =	sadd.s32 s18, s25;
	v9 =	vsel vm0, $0xFFFFFFFF, v1  }
0x114: {  	v8 =	vsel vm4, $0x1, v1;
	vm2 =	vmmov vm3;
	(xrf0) =	vmax.scan.msk.u32 $0xffff, v4;
	v9 =	vadd.s32 s0, v9;
	v4, _, _ =	vpop (xrf0)  }
0x115: {  	vm3 =	vmmov vm4;
	(v2sf) =	vpush v4, $0xF;
	v4 =	vadd.s32 v6, v9  }
0x116: {  	s26 =	simm.s32 $0x70;
	s10 =	sadd.s32 $0x10, s10;
	vm4 =	vlt.s32 v5, $0x0;
	v6 =	vandn.u32 $0x7FFFFFFF, v5;
	vm5 =	veq.s32 v4, v3  }
0x117: {  	v9 =	vld [tilespmem:s26+$0x0];
	v4 =	vsel vm4, v5, v6;
	v5 =	vor.u32 s10, v0;
	vm0 =	vmand vm0, vm5  }
0x118: {  	s28 =	spop (v2sf);
	(xrf0) =	vadd.scan.msk.s32 $0xffff, v8;
	vm4 =	veq.s32 v4, v2;
	v4 =	vnsel vm0, $0x7FFFFFFF, v5;
	vm0 =	vmmov vm1  }
0x119: {  	s0 =	sadd.s32 s0, s28;
	v8, _, _ =	vpop (xrf0);
	v5 =	vsel vm4, $0x1, v1;
	v6 =	vsel vm0, $0xFFFFFFFF, v1;
	(xrf0) =	vmax.scan.msk.u32 $0xffff, v4  }
0x11a: {  	(v2sf) =	vpush v8, $0xF;
	v10, _, _ =	vpop (xrf0);
	vm1 =	vmmov vm2;
	(xrf0) =	vadd.scan.msk.s32 $0xffff, v5;
	v5 =	vadd.s32 s0, v6  }
0x11b: {  	vm2 =	vmmov vm3;
	vm3 =	vmmov vm4;
	v5 =	vadd.s32 v7, v5  }
0x11c: {  	s10 =	sadd.s32 $0x10, s10;
	vm4 =	vlt.s32 v9, $0x0;
	v6 =	vandn.u32 $0x7FFFFFFF, v9;
	vm5 =	veq.s32 v5, v3  }
0x11d: {  	v5 =	vsel vm4, v9, v6;
	v6 =	vor.u32 s10, v0;
	vm0 =	vmand vm0, vm5  }
0x11e: {  	vm4 =	veq.s32 v5, v2;
	v5 =	vnsel vm0, $0x7FFFFFFF, v6;
	_ =	sdelay $0x1  }
0x11f: {  	(v2sf) =	vpush v10, $0xF;
	v4, _, _ =	vpop (xrf0)  }
0x120: {  	s29 =	simm.s32 $0x80;
	(v2sf) =	vpush v4, $0xF;
	(xrf0) =	vmax.scan.msk.u32 $0xffff, v5;
	v5, _, _ =	vpop (xrf0)  }
0x121: {  	s30 =	spop (v2sf);
	vm1 =	vmmov vm1;
	v7 =	vld [tilespmem:s29+$0x0];
	(v2sf) =	vpush v5, $0xF;
	v5, _, _ =	vpop (xrf0)  }
0x122: {  	s2 =	sadd.s32 s0, s30;
	v9 =	vsel vm1, $0xFFFFFFFF, v1;
	(v2sf) =	vpush v5, $0xF  }
0x123: {  	v9 =	vadd.s32 s2, v9  }
0x124: {  	s0 =	sadd.s32 $0x10, s10;
	vm5 =	vmmov vm3;
	v6 =	vsel vm4, $0x1, v1;
	v8 =	vadd.s32 v8, v9  }
0x125: {  	vm0 =	vmmov vm4;
	vm4 =	veq.s32 v8, v3;
	v8 =	vor.u32 s0, v0  }
0x126: {  	vm3 =	vlt.s32 v7, $0x0;
	v9 =	vandn.u32 $0x7FFFFFFF, v7;
	vm1 =	vmand vm1, vm4;
	(xrf0) =	vadd.scan.msk.s32 $0xffff, v6  }
0x127: {  	v7 =	vsel vm3, v7, v9;
	v9 =	vnsel vm1, $0x7FFFFFFF, v8  }
0x128: {  	s14 =	simm.s32 $0x90;
	vm2 =	vmmov vm2;
	s31 =	spop (v2sf)  }
0x129: {  	v6 =	vld [tilespmem:s14+$0x0];
	vm1 =	vmmov vm2;
	vm3 =	veq.s32 v7, v2;
	s15 =	spop (v2sf);
	s24 =	sxor.u32 $0x80000000, s31  }
0x12a: {  	s10 =	simm.s32 $0x280;
	vm2 =	vmmov vm5;
	v7 =	vsel vm1, $0xFFFFFFFF, v1;
	(xrf0) =	vmax.scan.msk.u32 $0xffff, v9;
	v8 =	vsel vm3, $0x1, v1;
	v9, _, _ =	vpop (xrf0);
	s2 =	sadd.s32 s2, s15;
	p0 =	sgt.s32 s23, s24  }
.LBB2_11:
0x12b: {  	s14 =	smov.u32 s23;
	p1 =	sne.s32 s10, $0x7CC0;
	v7 =	vadd.s32 s2, v7;
	s23 =	smov.u32 s24  }
0x12c: {  	vm4 =	vmmov vm0;
	vm0 =	vmmov vm3;
	(xrf0) =	vadd.scan.msk.s32 $0xffff, v8;
	v8, _, _ =	vpop (xrf0);
	(v2sf) =	vpush v9, $0xF;
	s23 =	smov.u32 @p0 s14;
	s14 =	smov.u32 s10;
	s10 =	sadd.s32 $0x40, s10  }
.Ltmp4:
0x12d: {  	v7 =	vadd.s32 v4, v7;
	v4 =	vmovc v5;
	(v2sf) =	vpush v8, $0xF;
	v5 =	vmov v8;
	(pc) =	sbr.rel @p1 .LBB2_11-.Ltmp4, $4  }
0x12e: {  	s0 =	sadd.s32 $0x10, s0;
	s14 =	sshra.s32 s14, $0x2;
	vm3 =	vlt.s32 v6, $0x0;
	v8 =	vandn.u32 $0x7FFFFFFF, v6;
	vm5 =	veq.s32 v7, v3  }
0x12f: {  	v7 =	vsel vm3, v6, v8;
	vm1 =	vmand vm1, vm5;
	v8 =	vor.u32 s0, v0;
	v6 =	vld [tilespmem:s14+$0x0];
	s14 =	spop (v2sf)  }
0x130: {  	vm3 =	veq.s32 v7, v2;
	v10 =	vnsel vm1, $0x7FFFFFFF, v8;
	vm1 =	vmmov vm2;
	s15 =	spop (v2sf);
	s24 =	sxor.u32 $0x80000000, s14  }
0x131: {  	vm2 =	vmmov vm4;
	v8 =	vsel vm3, $0x1, v1;
	v7 =	vsel vm1, $0xFFFFFFFF, v1;
	s2 =	sadd.s32 s2, s15;
	(xrf0) =	vmax.scan.msk.u32 $0xffff, v10;
	v9, _, _ =	vpop (xrf0);
	p0 =	sgt.s32 s23, s24  }
0x132: {  	(xrf0) =	vadd.scan.msk.s32 $0xffff, v8;
	_ =	sdelay $0x3  }
0x133: {  	v54, _, _ =	vpop (xrf0);
	(v2sf) =	vpush v9, $0xF  }
0x134: {  	(v2sf) =	vpush v54, $0xF;
	v55, _, _ =	vpop (xrf0)  }
0x135: {  	(v2sf) =	vpush v55, $0xF;
	v56, _, _ =	vpop (xrf0)  }
0x136: {  	(v2sf) =	vpush v56, $0xF;
	_ =	sdelay $0x2  }
0x137: {  	v7 =	vadd.s32 s2, v7  }
0x138: {  	vm0 =	vmmov vm0;
	vm3 =	vmmov vm3;
	vm2 =	vmmov vm2  }
0x139: {  	v4 =	vadd.s32 v4, v7;
	v58 =	vsel vm2, $0xFFFFFFFF, v1;
	vm0 =	vmmov vm0  }
0x13a: {  	s10 =	spop (v2sf);
	s0 =	sadd.s32 $0x10, s0;
	vm9 =	vmmov vm3;
	vm4 =	vlt.s32 v6, $0x0;
	v57 =	vandn.u32 $0x7FFFFFFF, v6  }
0x13b: {  	s14 =	spop (v2sf);
	vm15 =	veq.s32 v4, v3;
	v4 =	vor.u32 s0, v0;
	v6 =	vsel vm4, v6, v57  }
0x13c: {  	s14 =	sadd.s32 s2, s14;
	vm0 =	vmmov vm0;
	vm1 =	vmand vm1, vm15;
	vm8 =	veq.s32 v6, v2  }
0x13d: {  	v4 =	vnsel vm1, $0x7FFFFFFF, v4;
	v6 =	vadd.s32 s14, v58;
	vm1 =	vmmov vm9;
	s28 =	spop (v2sf)  }
0x13e: {  	s0 =	sadd.s32 $0x10, s0;
	v59 =	vsel vm8, $0x1, v1;
	v5 =	vadd.s32 v5, v6;
	(xrf0) =	vmax.scan.msk.u32 $0xffff, v4;
	vm10 =	vmmov vm8;
	s15 =	spop (v2sf)  }
0x13f: {  	v4 =	vor.u32 s0, v0;
	vm11 =	veq.s32 v5, v3;
	(xrf0) =	vadd.scan.msk.s32 $0xffff, v59;
	v5 =	vsel vm0, $0xFFFFFFFF, v1;
	s14 =	sadd.s32 s14, s15  }
0x140: {  	vm1 =	vmmov vm1;
	vm2 =	vmand vm2, vm11;
	v5 =	vadd.s32 s14, v5;
	s29 =	spop (v2sf)  }
0x141: {  	vm12 =	vmmov vm10;
	v4 =	vnsel vm2, $0x7FFFFFFF, v4;
	v5 =	vadd.s32 v54, v5;
	s16 =	spop (v2sf)  }
0x142: {  	s18 =	sadd.s32 $0x10, s0;
	vm2 =	vmmov vm12;
	vm13 =	veq.s32 v5, v3;
	v5 =	vsel vm1, $0xFFFFFFFF, v1;
	s14 =	sadd.s32 s14, s16;
	s30 =	spop (v2sf)  }
0x143: {  	v60 =	vor.u32 s18, v0;
	vm2 =	vmmov vm2;
	v5 =	vadd.s32 s14, v5;
	s31 =	spop (v2sf)  }
0x144: {  	(xrf0) =	vmax.scan.msk.u32 $0xffff, v4;
	v61 =	vsel vm2, $0xFFFFFFFF, v1;
	v4, _, _ =	vpop (xrf0);
	vm0 =	vmand vm0, vm13;
	v5 =	vadd.s32 v56, v5;
	s0 =	sadd.s32 s14, s31  }
0x145: {  	s18 =	sadd.s32 $0x10, s18;
	v62, _, _ =	vpop (xrf0);
	v6 =	vnsel vm0, $0x7FFFFFFF, v60;
	vm14 =	veq.s32 v5, v3;
	v5 =	vadd.s32 s0, v61  }
0x146: {  	v63 =	vor.u32 s18, v0;
	(xrf0) =	vmax.scan.msk.u32 $0xffff, v6;
	vm0 =	vmand vm1, vm14;
	s14 =	sadd.s32 $0x10, s18;
	v5 =	vadd.s32 v62, v5  }
0x147: {  	v6 =	vnsel vm0, $0x7FFFFFFF, v63;
	vm15 =	veq.s32 v5, v3;
	v5 =	vor.u32 s14, v0  }
0x148: {  	(xrf0) =	vmax.scan.msk.u32 $0xffff, v6;
	vm0 =	vmand vm2, vm15  }
0x149: {  	(v2sf) =	vpush v4, $0xF;
	v4 =	vnsel vm0, $0x7FFFFFFF, v5  }
0x14a: {  	(v2sf) =	vpush v62, $0xF;
	v5, _, _ =	vpop (xrf0);
	(xrf0) =	vmax.scan.msk.u32 $0xffff, v4  }
0x14b: {  	(v2sf) =	vpush v5, $0xF  }
0x14c: {  	v4, _, _ =	vpop (xrf0)  }
0x14d: {  	(v2sf) =	vpush v4, $0xF  }
0x14e: {  	v4, _, _ =	vpop (xrf0)  }
0x14f: {  	(v2sf) =	vpush v4, $0xF  }
0x150: {  	v4, _, _ =	vpop (xrf0)  }
0x151: {  	s24 =	smov.u32 @p0 s23;
	s10 =	sxor.u32 $0x80000000, s10;
	(v2sf) =	vpush v4, $0xF  }
0x152: {  	p0 =	sgt.s32 s24, s10  }
0x153: {  	s10 =	smov.u32 @p0 s24;
	s2 =	sxor.u32 $0x80000000, s28  }
0x154: {  	p0 =	sgt.s32 s10, s2  }
0x155: {  	s2 =	smov.u32 @p0 s10;
	s10 =	sxor.u32 $0x80000000, s29  }
0x156: {  	p0 =	sgt.s32 s2, s10  }
0x157: {  	s10 =	smov.u32 @p0 s2;
	s2 =	sxor.u32 $0x80000000, s30  }
0x158: {  	p0 =	sgt.s32 s10, s2;
	s25 =	spop (v2sf)  }
0x159: {  	s2 =	smov.u32 @p0 s10;
	s26 =	spop (v2sf);
	s14 =	sxor.u32 $0x80000000, s25  }
0x15a: {  	p0 =	sgt.s32 s2, s14;
	s28 =	spop (v2sf)  }
0x15b: {  	s14 =	smov.u32 @p0 s2;
	s2 =	sxor.u32 $0x80000000, s28  }
0x15c: {  	p0 =	sgt.s32 s14, s2;
	s29 =	spop (v2sf)  }
0x15d: {  	s22 =	sadd.s32 $0x1, s22;
	s2 =	smov.u32 @p0 s14;
	s14 =	sxor.u32 $0x80000000, s29  }
0x15e: {  	p1 =	sne.s32 s22, $0x7D;
	s30 =	spop (v2sf);
	p0 =	sgt.s32 s2, s14  }
.Ltmp5:
0x15f: {  	s14 =	smov.u32 @p0 s2;
	s2 =	sxor.u32 $0x80000000, s30;
	(pc) =	sbr.rel @p1 .LBB2_10-.Ltmp5, $4  }
0x160: {  	p0 =	sgt.s32 s14, s2;
	s31 =	spop (v2sf)  }
0x161: {  	s2 =	smov.u32 @p0 s14;
	s23 =	sxor.u32 $0x80000000, s31  }
0x162: {  	p0 =	sgt.s32 s2, s23  }
0x163: {  	s21 =	sadd.s32 $0x1F40, s21;
	s0 =	sadd.s32 s0, s26;
	s23 =	smov.u32 @p0 s2  }
0x164: {  	s19 =	sadd.s32 $0x1, s19  }
0x165: {  	v2 =	vmov s23;
	p0 =	sne.s32 s19, s9  }
.Ltmp6:
0x166: {  	s0 =	simm.s32 $0x6000;
	[tilespmem:$0x6000] =	vst v2;
	(pc) =	sbr.rel @p0 .LBB2_1-.Ltmp6, $4  }
0x167: {  	[hbm4b:s8+s1] =	stream.linear.scatter [tilespmem:s0], [sflag:$0x2], $0x10, $0x38;
	[tilespmem:$0x6080] =	vst v63  }
0x168: {  	_ =	swait.ge [sflag:s11], $0x10  }
0x169: {  	[sflag:s11] =	ssyncset.done $0x0  }
0x16a: {  	[sflag:s11] =	ssyncadd.s32 $0xFFFFFFF0  }
0x16b: {  	_ =	sfence.sel $0x180000  }
0x16c: {  	[bflag:$0x0] =	sbarrier.arrive $0xFFFF  }
0x16d: {  	_ =	strace $0x9000004D  }
0x16e: {  	s0 =	stileid.u32;
	[bflag:$0x2] =	sbarrier.arrive $0xFFFF  }
0x16f: {  	p0 =	sne.s32 s0, $0x0;
	s0 =	rddreg [dreg:$0x1]  }
0x170: {  	s0 =	sadd.s32 @!p0 $0x100000, s0  }
0x171: {  	[sflag:s0] =	ssyncadd.tile.s32 @!p0 $0x1;
	_ =	shalt  }
.Lfunc_end2:
_tile_overlayer_lowered:
.L_overlay_start_2:
0x172: {  	(tag) =	ssettag $0x2  }
0x173: {  	s0 =	rddreg [dreg:$0x0];
	s2 =	stileid.u32  }
0x174: {  	s1 =	rddreg [dreg:$0x1];
	p0 =	sne.s32 s2, $0x0  }
0x175: {  	s3 =	rddreg [dreg:$0x2];
	[bflag:$0x3] =	sbarrier.arrive $0xFFFF;
	s2 =	simm.s32 @!p0 $0x1C02  }
0x176: {  	[timem:s3], [sflag:s2] =	dma.local @!p0 [hbm:s0], s1  }
0x177: {  	s0 =	simm.s32 @!p0 $0x2  }
0x178: {  	_ =	swait.ge @!p0 [sflag:s0], s1  }
0x179: {  	s1 =	ssub.s32 @!p0 $0x0, s1;
	[sflag:s0] =	ssyncset.done @!p0 $0x0  }
0x17a: {  	[sflag:s0] =	ssyncadd.s32 @!p0 s1  }
0x17b: {  	[bflag:$0x3] =	sbarrier.arrive $0xFFFF  }
0x17c: {  	_ =	shalt  }

// kernel: kernel.7.cloned.1.call-start
scs
__scs_entry_jumppad:
0x0: {  	(pc) =	sbr.rel $0x88, $3  }
0x1: {  	(tag) =	ssettag $0x0;
	lr =	simm.s32 $0x1  }
0x2: {  	[smem:$0x3FA0] =	sst lr;
	_ =	strace $0xD0000000  }
0x3: {  	_ = 	snop  }
0x4: {  	_ = 	snop  }
0x5: {  	_ = 	snop  }
0x6: {  	_ = 	snop  }
0x7: {  	_ = 	snop  }
__scs_overlays_trampoline_lowered:
0x8: {  	[smem:$0x3FAF] =	sst s0  }
0x9: {  	[smem:$0x3FB0] =	sst s1  }
0xa: {  	[smem:$0x3FB1] =	sst s2  }
0xb: {  	[smem:$0x3FB2] =	sst s3  }
0xc: {  	[smem:$0x3FB3] =	sst s4  }
0xd: {  	[smem:$0x3FB4] =	sst s5  }
0xe: {  	[smem:$0x3FB5] =	sst s6  }
0xf: {  	[smem:$0x3FB6] =	sst s7  }
0x10: {  	[smem:$0x3FB7] =	sst s8  }
0x11: {  	[smem:$0x3FB8] =	sst s9;
	s0 =	simm.s32 @!p0 $0x0  }
0x12: {  	s1 =	sld [smem:$0x3F9E];
	s0 =	simm.s32 @p0 $0x1  }
0x13: {  	[smem:$0x3FB9] =	sst s0;
	s0 =	simm.s32 @!p1 $0x0  }
0x14: {  	s2 =	sld [smem:$0x3F9D];
	s0 =	simm.s32 @p1 $0x1  }
0x15: {  	[smem:$0x3FBA] =	sst s0;
	s0 =	simm.s32 @!p2 $0x0  }
0x16: {  	s3 =	sld [smem:$0x3FDB];
	s0 =	simm.s32 @p2 $0x1  }
0x17: {  	s4 =	simm.s32 $0x1BF5;
	[smem:$0x3FBC] =	sst s0  }
0x18: {  	s0 =	sld [smem:$0x3F9F];
	_ =	swait.ge [sflag:s4], $0x0  }
0x19: {  	s7 =	sld [smem:$0x3FA0]  }
0x1a: {  	s8 =	sadd.s32 $0xFFFFE003, lr  }
0x1b: {  	s9 =	sadd.s32 $0xFFFFFEF7, lr;
	s5 =	simm.s32 $0xFFFFFFFF;
	p2 =	slt.u32 s8, $0xFFFFF086  }
0x1c: {  	p1 =	slt.u32 s9, $0xF7A;
	s5 =	simm.s32 @!p2 $0x0  }
0x1d: {  	s5 =	simm.s32 @p1 $0x1;
	p0 =	seq.s32 s7, s2  }
0x1e: {  	s7 =	smul.u32 @!p0 $0xF7A, s2;
	p2 =	seq.s32 @!p0 s5, $0x0  }
0x1f: {  	s9 =	smul.u32 $0xF7A, s1;
	s8 =	simm.s32 @!p0 $0x1BF5;
	p2 =	por !p2, p0  }
0x20: {  	[sflag:s8] =	ssyncset.s32 @!p0 $0xFFFFF086;
	s6 =	sadd.s32 @!p0 s3, s7;
	s7 =	simm.s32 @!p0 $0x108  }
0x21: {  	s3 =	sadd.s32 s3, s9;
	s6 =	sadd.s32 @!p0 $0x88, s6;
	s7 =	simm.s32 @p2 $0x1082  }
0x22: {  	[simem:s7], [sflag:s8] =	dma.local @!p0 [hbm:s6], $0xF7A  }
0x23: {  	s9 =	sor.u32 $0xD0000000, s2;
	s6 =	simm.s32 $0x108;
	_ =	swait.ge @!p0 [sflag:s8], $0x0  }
0x24: {  	s3 =	sadd.s32 $0x88, s3;
	s6 =	simm.s32 @!p1 $0x1082;
	[sflag:s4] =	ssyncset.s32 $0xFFFFF086  }
0x25: {  	[simem:s6], [sflag:s4] =	dma.local [hbm:s3], $0xF7A  }
0x26: {  	[smem:$0x3FA0] =	sst s1;
	(tag) =	ssettag s2;
	_ =	strace s9  }
0x27: {  	s1 =	sld [smem:$0x3FB0]  }
0x28: {  	s2 =	sld [smem:$0x3FB1]  }
0x29: {  	s4 =	sld [smem:$0x3FB3]  }
0x2a: {  	p0 =	seq.s32 s5, $0x0;
	s5 =	sld [smem:$0x3FB4]  }
0x2b: {  	s6 =	sld [smem:$0x3FB5]  }
0x2c: {  	s7 =	sld [smem:$0x3FB6]  }
0x2d: {  	s3 =	simm.s32 $0x108;
	s8 =	sld [smem:$0x3FB7]  }
0x2e: {  	s3 =	simm.s32 @!p0 $0x1082;
	s9 =	sld [smem:$0x3FB8]  }
0x2f: {  	lr =	sadd.s32 s0, s3;
	s0 =	sld [smem:$0x3FAF]  }
0x30: {  	s3 =	sld [smem:$0x3FB2]  }
0x31: {  	[smem:$0x3FBB] =	sst s10  }
0x32: {  	s10 =	sld [smem:$0x3FB9];
	_ =	sdelay $0x3  }
0x33: {  	p0 =	seq.s32 s10, $0x1;
	s10 =	sld [smem:$0x3FBB];
	_ =	sdelay $0x3  }
0x34: {  	[smem:$0x3FBB] =	sst s10  }
0x35: {  	s10 =	sld [smem:$0x3FBA];
	_ =	sdelay $0x3  }
0x36: {  	p1 =	seq.s32 s10, $0x1;
	s10 =	sld [smem:$0x3FBB];
	_ =	sdelay $0x3  }
0x37: {  	[smem:$0x3FBB] =	sst s10  }
0x38: {  	s10 =	sld [smem:$0x3FBC]  }
0x39: {  	_ = 	snop;
	(pc) =	sbr.ind lr, $3  }
0x3a: {  	_ = 	snop  }
0x3b: {  	_ = 	snop  }
0x3c: {  	p2 =	seq.s32 s10, $0x1;
	s10 =	sld [smem:$0x3FBB]  }
0x3d: {  	_ =	shalt  }
0x3e: {  	_ =	shalt  }
0x3f: {  	_ =	shalt  }
0x40: {  	_ =	shalt  }
0x41: {  	_ =	shalt  }
0x42: {  	_ =	shalt  }
0x43: {  	_ =	shalt  }
0x44: {  	_ =	shalt  }
0x45: {  	_ =	shalt  }
0x46: {  	_ =	shalt  }
0x47: {  	_ =	shalt  }
0x48: {  	_ =	shalt  }
0x49: {  	_ =	shalt  }
0x4a: {  	_ =	shalt  }
0x4b: {  	_ =	shalt  }
0x4c: {  	_ =	shalt  }
0x4d: {  	_ =	shalt  }
0x4e: {  	_ =	shalt  }
0x4f: {  	_ =	shalt  }
0x50: {  	_ =	shalt  }
0x51: {  	_ =	shalt  }
0x52: {  	_ =	shalt  }
0x53: {  	_ =	shalt  }
0x54: {  	_ =	shalt  }
0x55: {  	_ =	shalt  }
0x56: {  	_ =	shalt  }
0x57: {  	_ =	shalt  }
0x58: {  	_ =	shalt  }
0x59: {  	_ =	shalt  }
0x5a: {  	_ =	shalt  }
0x5b: {  	_ =	shalt  }
0x5c: {  	_ =	shalt  }
0x5d: {  	_ =	shalt  }
0x5e: {  	_ =	shalt  }
0x5f: {  	_ =	shalt  }
0x60: {  	_ =	shalt  }
0x61: {  	_ =	shalt  }
0x62: {  	_ =	shalt  }
0x63: {  	_ =	shalt  }
0x64: {  	_ =	shalt  }
0x65: {  	_ =	shalt  }
0x66: {  	_ =	shalt  }
0x67: {  	_ =	shalt  }
0x68: {  	_ =	shalt  }
0x69: {  	_ =	shalt  }
0x6a: {  	_ =	shalt  }
0x6b: {  	_ =	shalt  }
0x6c: {  	_ =	shalt  }
0x6d: {  	_ =	shalt  }
0x6e: {  	_ =	shalt  }
0x6f: {  	_ =	shalt  }
0x70: {  	_ =	shalt  }
0x71: {  	_ =	shalt  }
0x72: {  	_ =	shalt  }
0x73: {  	_ =	shalt  }
0x74: {  	_ =	shalt  }
0x75: {  	_ =	shalt  }
0x76: {  	_ =	shalt  }
0x77: {  	_ =	shalt  }
0x78: {  	_ =	shalt  }
0x79: {  	_ =	shalt  }
0x7a: {  	_ =	shalt  }
0x7b: {  	_ =	shalt  }
0x7c: {  	_ =	shalt  }
0x7d: {  	_ =	shalt  }
0x7e: {  	_ =	shalt  }
0x7f: {  	_ =	shalt  }
0x80: {  	_ =	shalt  }
0x81: {  	_ =	shalt  }
0x82: {  	_ =	shalt  }
0x83: {  	_ =	shalt  }
0x84: {  	_ =	shalt  }
0x85: {  	_ =	shalt  }
0x86: {  	_ =	shalt  }
0x87: {  	_ =	shalt  }
.Lfunc_end0:
.L_simem_size_0:
called_computation_lowered:
.L_overlay_start_0:
0x88: {  	s2 =	sld [smem:$0x3FD9]  }
0x89: {  	s3 =	sld [smem:$0x3FFE];
	_ =	sdelay $0x1  }
0x8a: {  	s1 =	srdreg.scid  }
0x8b: {  	s0 =	sand.u32 $0x1, s1  }
0x8c: {  	s16 =	sshll.u32 s0, $0xA;
	s2 =	sadd.s32 s3, s2  }
0x8d: {  	s2 =	sadd.s32 s2, s16  }
0x8e: {  	[smem:$0x3FC7] =	sst s2  }
0x8f: {  	_ = 	snop  }
0x90: {  	(tm) =	ssettm $0x1  }
0x91: {  	s17 =	sld [smem:$0x3FFB];
	_ =	sdelay $0x3  }
0x92: {  	_ =	strace s17  }
0x93: {  	s2 =	sld [smem:$0x3FFC];
	_ =	sdelay $0x3  }
0x94: {  	_ =	strace s2  }
0x95: {  	s2 =	sld [smem:$0x3FFD];
	_ =	sdelay $0x3  }
0x96: {  	_ =	strace s2  }
0x97: {  	_ =	strace $0x8FFFFFFF  }
0x98: {  	s18 =	sld [smem:$0x3FDB];
	_ =	sdelay $0x1  }
0x99: {  	s19 =	simm.s32 $_scs_section_size  }
0x9a: {  	s4 =	simm.s32 $_size__tile_overlayer_lowered;
	s5 =	simm.s32 $_tile_overlayer_lowered  }
0x9b: {  	s22 =	simm.s32 $0x1BFF;
	s21 =	sshll.u32 s5, $0x1;
	s2 =	sadd.s32 s19, s18  }
0x9c: {  	s6 =	simm.s32 $0x0;
	s20 =	sshll.u32 s4, $0x1;
	s4 =	sadd.s32 s21, s2  }
0x9d: {  	[timem:s6], [sflag:s22] =	dma.local [hbm:s4], s20  }
0x9e: {  	_ =	swait.ge [sflag:s22], s20  }
0x9f: {  	s3 =	ssub.s32 $0x0, s20;
	[sflag:s22] =	ssyncset.done $0x0  }
0xa0: {  	[sflag:s22] =	ssyncadd.s32 s3;
	_ =	sdelay $0x1  }
0xa1: {  	s23 =	simm.s32 $0x1B8B  }
0xa2: {  	_ =	swait.ge [sflag:s23], $0x1  }
0xa3: {  	[sflag:s23] =	ssyncset.done $0x0  }
0xa4: {  	s25 =	simm.s32 $0x1B8E;
	s24 =	sld [smem:$0x3FFE];
	[sflag:s23] =	ssyncadd.s32 $0xFFFFFFFF  }
0xa5: {  	s26 =	simm.s32 $execute0_lowered;
	[smem:$0x3FD2] =	sst s25  }
0xa6: {  	s4 =	sshll.u32 s26, $0x1;
	_ =	strace $0x80000046;
	[dreg:$0x1] =	wrdreg $0xFFFFFFFF  }
0xa7: {  	s28 =	simm.s32 $_size_execute0_lowered;
	s2 =	sadd.s32 s2, s4;
	[dreg:$0x0] =	wrdreg $0x0  }
0xa8: {  	s4 =	sshll.u32 s28, $0x1;
	[dreg:$0x2] =	wrdreg s2  }
0xa9: {  	[dreg:$0x3] =	wrdreg s4  }
0xaa: {  	[dreg:$0x4] =	wrdreg $0xC0  }
0xab: {  	_ =	task [dreg:s6], $0x5FFFF  }
0xac: {  	[dreg:$0x1] =	wrdreg $0xFFFFFFFF  }
0xad: {  	[dreg:$0x0] =	wrdreg $0x60  }
0xae: {  	[dreg:$0x2] =	wrdreg s24  }
0xaf: {  	[dreg:$0x3] =	wrdreg $0x9  }
0xb0: {  	_ =	task.clear_ibuf [dreg:s6], $0x4FFFF;
	_ =	strace $0x90000046  }
0xb1: {  	s29 =	simm.s32 $0x9;
	_ =	strace $0x80000048  }
0xb2: {  	_ =	swait.ge [sflag:s29], $0x1  }
0xb3: {  	[sflag:s29] =	ssyncadd.s32 $0xFFFFFFFF  }
0xb4: {  	_ =	strace $0x90000048  }
0xb5: {  	_ =	sfence  }
0xb6: {  	s30 =	sld [smem:$0x0];
	_ =	sdelay $0x2  }
0xb7: {  	s31 =	sshll.u32 s1, $0xD;
	s1 =	sshrl.u32 s1, $0x2  }
0xb8: {  	s3 =	sand.u32 $0x4000, s31;
	s1 =	sadd.s32 s1, s30  }
0xb9: {  	s0 =	sor.u32 s3, s0;
	s1 =	sshll.u32 s1, $0x11  }
0xba: {  	s0 =	sor.u32 s1, s0  }
0xbb: {  	s0 =	sadd.s32 $0x8F2B, s0  }
0xbc: {  	[sflag:s0] =	ssyncadd.remote.s32 $0x1  }
0xbd: {  	_ =	sfence.sel $0xFFFF  }
0xbe: {  	[dreg:$0x0] =	wrdreg $0xFFFFFFFF;
	(pc) =	sbr.abs _section_cstart, $3  }
0xbf: {  	[dreg:$0x1] =	wrdreg $0xFFFFFFFF  }
0xc0: {  	_ =	task.clear_ibuf [dreg:s6], $0x2FFFF;
	_ =	strace $0x9FFFFFFF  }
0xc1: {  	(tm) =	ssettm $0x7FFFFFFF  }
tec
execute0_lowered:
.L_overlay_start_1:
0x0: {  	(tag) =	ssettag $0x1  }
0x1: {  	s5 =	rddreg [dreg:$0x0]  }
0x2: {  	s0 =	srdreg.scid;
	v0 =	vimm.s32 $0xEDCBA987;
	s1 =	rddreg [dreg:$0x1];
	s2 =	simm.s32 $0x0  }
0x3: {  	v1 =	vimm.s32 $0x65432100;
	s8 =	simm.s32 $0x2;
	s9 =	simm.s32 $0x15E80;
	s3 =	sand.u32 $0x1, s0;
	v0 =	vunpack.c.l.s4.s8 v0  }
0x4: {  	v3 =	vimm.s32 $0x87654321;
	s10 =	simm.s32 $0x1F40;
	s0 =	stileid.u32;
	v2 =	vunpack.c.l.s4.s8 v1;
	v1 =	vimm.s32 $0xFFEDCBA9;
	s4 =	sshll.u32 s3, $0x4  }
0x5: {  	s11 =	simm.s32 $0x11F80;
	s12 =	simm.s32 $0x13F00;
	v3 =	vunpack.c.l.s4.s8 v3;
	v5 =	vunpack.c.l.s4.s8 v1;
	s4 =	sor.u32 s0, s4;
	v4 =	vunpack.c.0.s8.s32 v0  }
0x6: {  	vm0 =	vcmask $0x3F3C;
	s13 =	simm.s32 $0x1;
	s6 =	ssub.s32 $0x2, s3;
	v1 =	vlaneseq.u32;
	v6 =	vunpack.c.0.s8.s32 v2;
	s3 =	smul.u32 $0xF4240, s4  }
0x7: {  	s14 =	simm.s32 $0x0;
	[smem:$0x7FF] =	sst s2;
	s7 =	sshrl.u32 s6, $0x1;
	v7 =	vunpack.c.0.s8.s32 v3;
	v5 =	vunpack.c.0.s8.s32 v5;
	v4 =	vand.u32 $0xF, v4  }
0x8: {  	_ =	strace $0x80000047;
	v2 =	vimm.s32 $0x0;
	s4 =	sadd.s32 $0x600, s5;
	s6 =	ssub.s32 s6, s7;
	v0 =	vmov s3;
	v3 =	vcombine.low v6, v4  }
0x9: {  	s5 =	sadd.s32 $0x3D1000, s5;
	s7 =	simm.s32 $0x10000;
	s6 =	smax.u32 s6, $0x1;
	v4 =	vor.u32 $0x80000000, v1;
	v5 =	vcombine.low v7, v5;
	v6 =	vadd.s32 $0x1, v1  }
.LBB2_1:
0xa: {  	s15 =	simm.s32 $0x40;
	s16 =	simm.s32 $0x0  }
.LBB2_2:
0xb: {  	p0 =	sne.s32 s15, $0x3FFC0;
	[tilespmem:s16+$0x0] =	vst v2;
	s16 =	smov.u32 s15;
	s15 =	sadd.s32 $0x40, s15  }
.Ltmp0:
0xc: {  	(pc) =	sbr.rel @p0 .LBB2_2-.Ltmp0, $2  }
0xd: {  	_ =	sdelay $0x2  }
0xe: {  	s16 =	sshra.s32 s16, $0x2  }
0xf: {  	[tilespmem:s16+$0x0] =	vst v2;
	s16 =	simm.s32 $0x0;
	s17 =	simm.s32 $0x0  }
.LBB2_4:
0x10: {  	s15 =	smul.u32 $0x1F40, s17;
	_ =	sdelay $0x1  }
0x11: {  	s15 =	sadd.s32 s3, s15  }
0x12: {  	s15 =	sshrl.u32 s15, $0x3  }
0x13: {  	s15 =	sadd.s32 s4, s15  }
0x14: {  	[tilespmem:s7], [sflag:$0x2] =	stream.linear.gather [hbm4b:s15+s16], $0x1F40, $0x38;
	[tilespmem:$0x15F00] =	vst v63  }
0x15: {  	_ =	swait.ge [sflag:s8], $0x1F40  }
0x16: {  	[sflag:s8] =	ssyncset.done $0x0  }
0x17: {  	s18 =	simm.s32 $0x0;
	s15 =	simm.s32 $0x40;
	[sflag:s8] =	ssyncadd.s32 $0xFFFFE0C0  }
.LBB2_5:
0x18: {  	p0 =	sne.s32 s15, $0x7CC0;
	v7 =	vld [tilespmem:s18+$0x10000];
	_ =	sdelay $0x4  }
0x19: {  	vm1 =	vgt.s32 v7, $0xFFFFFFFF  }
0x1a: {  	v8 =	vsel vm1, $0xFFFFFFFF, v2  }
0x1b: {  	v7 =	vxor.u32 v8, v7  }
0x1c: {  	v7 =	vshll.u32 v7, $0x4  }
0x1d: {  	v7 =	vand.u32 $0xFFFF0, v7  }
0x1e: {  	v7 =	vor.u32 v4, v7  }
0x1f: {  	(xrf1) =	vsort.ascd.msk.u32 $0xffff, v7, v1;
	_ =	sdelay $0xd  }
0x20: {  	v7, _, _ =	vpop (xrf1)  }
0x21: {  	v7 =	vxor.u32 $0x80000000, v7  }
0x22: {  	v8 =	vperm.xlane v7, v3;
	_ =	sdelay $0x1  }
0x23: {  	v9 =	vshra.s32 v7, $0x4;
	v8 =	vshra.s32 v8, $0x4  }
0x24: {  	vm1 =	veq.s32 v9, v8  }
0x25: {  	v7 =	vperm.xlane v7, v5;
	v8 =	vsel vm1, $0x80000000, v4  }
0x26: {  	(xrf0) =	vmax.scan.msk.u32 $0xffff, v8  }
0x27: {  	v7 =	vshra.s32 v7, $0x4  }
0x28: {  	vm1 =	vne.s32 v9, v7  }
0x29: {  	vm1 =	vmor vm1, vm0;
	_ =	sdelay $0x1  }
.Ltmp1:
0x2a: {  	(pc) =	sbr.rel @p0 .LBB2_5-.Ltmp1, $4  }
0x2b: {  	v7, _, _ =	vpop (xrf0)  }
0x2c: {  	v7 =	vxor.u32 $0x80000000, v7  }
0x2d: {  	v7 =	vsub.s32 v6, v7  }
0x2e: {  	s18 =	sshra.s32 s15, $0x2;
	s15 =	sadd.s32 $0x40, s15;
	[tilespmem:v9+s2+$0x0] =	vst.idx.add.s32.msk vm1, v7  }
0x2f: {  	v7 =	vld [tilespmem:s18+$0x10000];
	_ =	sdelay $0x4  }
0x30: {  	vm1 =	vgt.s32 v7, $0xFFFFFFFF  }
0x31: {  	v8 =	vsel vm1, $0xFFFFFFFF, v2  }
0x32: {  	v7 =	vxor.u32 v8, v7  }
0x33: {  	v7 =	vshll.u32 v7, $0x4  }
0x34: {  	v7 =	vand.u32 $0xFFFF0, v7  }
0x35: {  	v7 =	vor.u32 v4, v7  }
0x36: {  	(xrf1) =	vsort.ascd.msk.u32 $0xffff, v7, v1;
	_ =	sdelay $0xd  }
0x37: {  	v7, _, _ =	vpop (xrf1)  }
0x38: {  	v7 =	vxor.u32 $0x80000000, v7  }
0x39: {  	v8 =	vperm.xlane v7, v3;
	_ =	sdelay $0x1  }
0x3a: {  	v9 =	vshra.s32 v7, $0x4;
	v8 =	vshra.s32 v8, $0x4  }
0x3b: {  	vm1 =	veq.s32 v9, v8  }
0x3c: {  	v7 =	vperm.xlane v7, v5;
	v8 =	vsel vm1, $0x80000000, v4  }
0x3d: {  	(xrf0) =	vmax.scan.msk.u32 $0xffff, v8  }
0x3e: {  	v7 =	vshra.s32 v7, $0x4  }
0x3f: {  	vm1 =	vne.s32 v9, v7  }
0x40: {  	s17 =	sadd.s32 $0x1, s17;
	vm1 =	vmor vm1, vm0  }
0x41: {  	p0 =	sne.s32 s17, $0x7D  }
.Ltmp2:
0x42: {  	_ = 	snop;
	(pc) =	sbr.rel @p0 .LBB2_4-.Ltmp2, $4  }
0x43: {  	v7, _, _ =	vpop (xrf0)  }
0x44: {  	v7 =	vxor.u32 $0x80000000, v7  }
0x45: {  	v7 =	vsub.s32 v6, v7  }
0x46: {  	s15 =	simm.s32 $0x0;
	[tilespmem:v9+s2+$0x0] =	vst.idx.add.s32.msk vm1, v7  }
0x47: {  	s17 =	sshra.s32 s15, $0x2  }
0x48: {  	v7 =	vld [tilespmem:s17+$0x0];
	_ =	sdelay $0x4  }
0x49: {  	(xrf0) =	vadd.scan.msk.s32 $0xffff, v7;
	_ =	sdelay $0x5  }
0x4a: {  	v8, _, _ =	vpop (xrf0)  }
0x4b: {  	(v2sf) =	vpush v8, $0xF  }
0x4c: {  	v7 =	vsub.s32 s15, v7  }
0x4d: {  	s18 =	sadd.s32 $0x40, s15;
	v7 =	vadd.s32 v8, v7  }
0x4e: {  	s16 =	sshra.s32 s18, $0x2;
	s18 =	sadd.s32 $0x40, s18;
	[tilespmem:s17+$0x0] =	vst v7;
	s17 =	simm.s32 $0x0  }
.LBB2_8:
0x4f: {  	p0 =	sne.s32 s18, $0x3FFC0;
	v7 =	vld [tilespmem:s16+$0x0];
	_ =	sdelay $0x4  }
0x50: {  	(xrf0) =	vadd.scan.msk.s32 $0xffff, v7;
	_ =	sdelay $0x5  }
.Ltmp3:
0x51: {  	v8, _, _ =	vpop (xrf0);
	s19 =	spop (v2sf);
	(pc) =	sbr.rel @p0 .LBB2_8-.Ltmp3, $4  }
0x52: {  	(v2sf) =	vpush v8, $0xF;
	s17 =	sadd.s32 s17, s19  }
0x53: {  	v7 =	vsub.s32 s17, v7  }
0x54: {  	v7 =	vadd.s32 v8, v7  }
0x55: {  	[tilespmem:s16+$0x0] =	vst v7;
	s16 =	sshra.s32 s18, $0x2;
	s18 =	sadd.s32 $0x40, s18  }
0x56: {  	v7 =	vld [tilespmem:s16+$0x0];
	_ =	sdelay $0x4  }
0x57: {  	(xrf0) =	vadd.scan.msk.s32 $0xffff, v7;
	_ =	sdelay $0x5  }
0x58: {  	v8, _, _ =	vpop (xrf0)  }
0x59: {  	(v2sf) =	vpush v8, $0xF;
	_ =	sdelay $0xa  }
0x5a: {  	s18 =	spop (v2sf)  }
0x5b: {  	s17 =	sadd.s32 s17, s18  }
0x5c: {  	v7 =	vsub.s32 s17, v7  }
0x5d: {  	v7 =	vadd.s32 v8, v7  }
0x5e: {  	[tilespmem:s16+$0x0] =	vst v7;
	s31 =	spop (v2sf)  }
.LBB2_10:
0x5f: {  	s16 =	smul.u32 $0x1F40, s15;
	_ =	sdelay $0x1  }
0x60: {  	s16 =	sadd.s32 s3, s16  }
0x61: {  	s16 =	sshrl.u32 s16, $0x3  }
0x62: {  	s17 =	simm.s32 $0x0;
	s16 =	sadd.s32 s4, s16  }
0x63: {  	[tilespmem:s7], [sflag:$0x2] =	stream.linear.gather [hbm4b:s16+s17], $0x1F40, $0x38;
	[tilespmem:$0x15F00] =	vst v63  }
0x64: {  	_ =	swait.ge [sflag:s8], $0x1F40  }
0x65: {  	[sflag:s8] =	ssyncset.done $0x0  }
0x66: {  	s16 =	simm.s32 $0x0;
	[sflag:s8] =	ssyncadd.s32 $0xFFFFE0C0  }
0x67: {  	v7 =	vld [tilespmem:s16+$0x10000];
	_ =	sdelay $0x4  }
0x68: {  	vm1 =	vlt.s32 v7, $0x0;
	v8 =	vandn.u32 $0x7FFFFFFF, v7  }
0x69: {  	v9 =	vsel vm1, v7, v8  }
0x6a: {  	v7 =	vshll.u32 v9, $0x4  }
0x6b: {  	v7 =	vand.u32 $0xFFFF0, v7  }
0x6c: {  	v7 =	vor.u32 v4, v7  }
0x6d: {  	(xrf1) =	vsort.ascd.msk.u32 $0xffff, v7, v1;
	_ =	sdelay $0xd  }
0x6e: {  	v7, v8, _ =	vpop (xrf1)  }
0x6f: {  	v7 =	vxor.u32 $0x80000000, v7  }
0x70: {  	v10 =	vperm.xlane v7, v3;
	_ =	sdelay $0x1  }
0x71: {  	v11 =	vshra.s32 v7, $0x4;
	v10 =	vshra.s32 v10, $0x4  }
0x72: {  	vm1 =	veq.s32 v11, v10  }
0x73: {  	v7 =	vperm.xlane v7, v5;
	v10 =	vsel vm1, $0x80000000, v4  }
0x74: {  	(xrf0) =	vmax.scan.msk.u32 $0xffff, v10  }
0x75: {  	v7 =	vshra.s32 v7, $0x4  }
0x76: {  	vm1 =	vne.s32 v11, v7  }
0x77: {  	v7 =	vld.idx.msk [tilespmem:v11+s2+$0x0], $0xffff;
	vm1 =	vmor vm1, vm0;
	_ =	sdelay $0x2  }
0x78: {  	v10, _, _ =	vpop (xrf0)  }
0x79: {  	v10 =	vxor.u32 $0x80000000, v10  }
0x7a: {  	v12 =	vsub.s32 v6, v10;
	v7 =	vsub.s32 v7, v10  }
0x7b: {  	[tilespmem:v11+s2+$0x0] =	vst.idx.add.s32.msk vm1, v12;
	v7 =	vadd.s32 v1, v7  }
0x7c: {  	s18 =	simm.s32 $0x10;
	[tilespmem:v8+s9+$0x0] =	vst.idx.msk $0xffff, v7  }
0x7d: {  	v8 =	vld [tilespmem:s18+$0x10000]  }
0x7e: {  	v7 =	vld [tilespmem:$0x15E80];
	_ =	sdelay $0x3  }
0x7f: {  	s17 =	simm.s32 $0x80;
	[tilespmem:s16+$0x13F00] =	vst v9;
	vm1 =	vlt.s32 v8, $0x0;
	v9 =	vandn.u32 $0x7FFFFFFF, v8  }
.LBB2_11:
0x80: {  	p0 =	sne.s32 s17, $0x7CC0;
	v9 =	vsel vm1, v8, v9;
	v7 =	vadd.s32 v0, v7;
	s19 =	smov.u32 s17;
	s17 =	sadd.s32 $0x40, s17  }
0x81: {  	v8 =	vshll.u32 v9, $0x4;
	[tilespmem:s16+$0x11F80] =	vst v7;
	s16 =	smov.u32 s18  }
0x82: {  	v7 =	vand.u32 $0xFFFF0, v8  }
0x83: {  	v7 =	vor.u32 v4, v7  }
0x84: {  	(xrf1) =	vsort.ascd.msk.u32 $0xffff, v7, v1;
	_ =	sdelay $0xd  }
0x85: {  	v7, v8, _ =	vpop (xrf1)  }
0x86: {  	v7 =	vxor.u32 $0x80000000, v7  }
0x87: {  	v10 =	vperm.xlane v7, v3;
	v11 =	vperm.xlane v7, v5;
	_ =	sdelay $0x1  }
0x88: {  	v7 =	vshra.s32 v7, $0x4;
	v10 =	vshra.s32 v10, $0x4;
	v11 =	vshra.s32 v11, $0x4  }
0x89: {  	vm1 =	veq.s32 v7, v10;
	vm2 =	vne.s32 v7, v11  }
0x8a: {  	v10 =	vsel vm1, $0x80000000, v4  }
0x8b: {  	(xrf0) =	vmax.scan.msk.u32 $0xffff, v10;
	_ =	sdelay $0x1  }
0x8c: {  	v10 =	vld.idx.msk [tilespmem:v7+s2+$0x0], $0xffff  }
0x8d: {  	vm1 =	vmor vm2, vm0;
	_ =	sdelay $0x2  }
0x8e: {  	v11, _, _ =	vpop (xrf0)  }
0x8f: {  	v11 =	vxor.u32 $0x80000000, v11  }
0x90: {  	v12 =	vsub.s32 v6, v11;
	v10 =	vsub.s32 v10, v11  }
0x91: {  	[tilespmem:v7+s2+$0x0] =	vst.idx.add.s32.msk vm1, v12;
	v7 =	vadd.s32 v1, v10  }
0x92: {  	s18 =	sshra.s32 s19, $0x2;
	[tilespmem:v8+s9+$0x0] =	vst.idx.msk $0xffff, v7  }
0x93: {  	v8 =	vld [tilespmem:s18+$0x10000]  }
.Ltmp4:
0x94: {  	v7 =	vld [tilespmem:$0x15E80];
	(pc) =	sbr.rel @p0 .LBB2_11-.Ltmp4, $2  }
0x95: {  	[tilespmem:s16+$0x13F00] =	vst v9;
	_ =	sdelay $0x2  }
0x96: {  	vm1 =	vlt.s32 v8, $0x0;
	v9 =	vandn.u32 $0x7FFFFFFF, v8  }
0x97: {  	v8 =	vsel vm1, v8, v9  }
0x98: {  	v9 =	vshll.u32 v8, $0x4  }
0x99: {  	v9 =	vand.u32 $0xFFFF0, v9  }
0x9a: {  	v9 =	vor.u32 v4, v9  }
0x9b: {  	(xrf1) =	vsort.ascd.msk.u32 $0xffff, v9, v1;
	_ =	sdelay $0xd  }
0x9c: {  	v9, v10, _ =	vpop (xrf1)  }
0x9d: {  	v9 =	vxor.u32 $0x80000000, v9  }
0x9e: {  	v11 =	vperm.xlane v9, v3;
	_ =	sdelay $0x1  }
0x9f: {  	v12 =	vshra.s32 v9, $0x4;
	v11 =	vshra.s32 v11, $0x4  }
0xa0: {  	vm1 =	veq.s32 v12, v11  }
0xa1: {  	v9 =	vperm.xlane v9, v5;
	v11 =	vsel vm1, $0x80000000, v4  }
0xa2: {  	(xrf0) =	vmax.scan.msk.u32 $0xffff, v11  }
0xa3: {  	v7 =	vadd.s32 v0, v7;
	v9 =	vshra.s32 v9, $0x4  }
0xa4: {  	[tilespmem:s16+$0x11F80] =	vst v7;
	vm1 =	vne.s32 v12, v9  }
0xa5: {  	v7 =	vld.idx.msk [tilespmem:v12+s2+$0x0], $0xffff;
	vm1 =	vmor vm1, vm0;
	_ =	sdelay $0x2  }
0xa6: {  	v62, _, _ =	vpop (xrf0)  }
0xa7: {  	v9 =	vxor.u32 $0x80000000, v62  }
0xa8: {  	v63 =	vsub.s32 v6, v9;
	v7 =	vsub.s32 v7, v9  }
0xa9: {  	[tilespmem:v12+s2+$0x0] =	vst.idx.add.s32.msk vm1, v63;
	v7 =	vadd.s32 v1, v7  }
0xaa: {  	[tilespmem:v10+s9+$0x0] =	vst.idx.msk $0xffff, v7  }
0xab: {  	v7 =	vld [tilespmem:$0x15E80];
	_ =	sdelay $0x3  }
0xac: {  	s15 =	sadd.s32 $0x1, s15  }
0xad: {  	p0 =	sne.s32 s15, $0x7D;
	[tilespmem:s18+$0x13F00] =	vst v8;
	v7 =	vadd.s32 v0, v7  }
.Ltmp5:
0xae: {  	[tilespmem:s18+$0x11F80] =	vst v7;
	(pc) =	sbr.rel @p0 .LBB2_10-.Ltmp5, $4  }
0xaf: {  	[hbm4b:s5+s10] =	stream.indirect.scatter [tilespmem:s12], [sflag:$0x1], $0x1, s11, s10, $0xb8;
	[tilespmem:$0x15F00] =	vst v63  }
0xb0: {  	_ =	swait.ge [sflag:s13], $0x1F40  }
0xb1: {  	[sflag:s13] =	ssyncset.done $0x0  }
0xb2: {  	[sflag:s13] =	ssyncadd.s32 $0xFFFFE0C0  }
0xb3: {  	s14 =	sadd.s32 $0x1, s14  }
0xb4: {  	p0 =	sne.s32 s14, s6  }
.Ltmp6:
0xb5: {  	_ = 	snop;
	(pc) =	sbr.rel @p0 .LBB2_1-.Ltmp6, $1  }
0xb6: {  	_ =	sdelay $0x3  }
0xb7: {  	_ =	sfence.sel $0x180000  }
0xb8: {  	[bflag:$0x0] =	sbarrier.arrive $0xFFFF  }
0xb9: {  	p0 =	sne.s32 s0, $0x0;
	_ =	strace $0x90000047  }
0xba: {  	s0 =	sadd.s32 @!p0 $0x100000, s1;
	[bflag:$0x2] =	sbarrier.arrive $0xFFFF  }
0xbb: {  	[sflag:s0] =	ssyncadd.tile.s32 @!p0 $0x1;
	_ =	shalt  }
.Lfunc_end2:
_tile_overlayer_lowered:
.L_overlay_start_2:
0xbc: {  	(tag) =	ssettag $0x2  }
0xbd: {  	s0 =	rddreg [dreg:$0x0];
	s2 =	stileid.u32  }
0xbe: {  	s1 =	rddreg [dreg:$0x1];
	p0 =	sne.s32 s2, $0x0  }
0xbf: {  	s3 =	rddreg [dreg:$0x2];
	[bflag:$0x3] =	sbarrier.arrive $0xFFFF;
	s2 =	simm.s32 @!p0 $0x1C02  }
0xc0: {  	[timem:s3], [sflag:s2] =	dma.local @!p0 [hbm:s0], s1  }
0xc1: {  	s0 =	simm.s32 @!p0 $0x2  }
0xc2: {  	_ =	swait.ge @!p0 [sflag:s0], s1  }
0xc3: {  	s1 =	ssub.s32 @!p0 $0x0, s1;
	[sflag:s0] =	ssyncset.done @!p0 $0x0  }
0xc4: {  	[sflag:s0] =	ssyncadd.s32 @!p0 s1  }
0xc5: {  	[bflag:$0x3] =	sbarrier.arrive $0xFFFF  }
0xc6: {  	_ =	shalt  }

</sc_bundles>
